<compile_context>
chip_gen: v7x
topology: tpu7x:2x2x1
jax: 0.10.2.dev20260603
libtpu: 0.0.44.dev20260713+nightly
codegen_flags: <defaults>
</compile_context>

<pallas_src>
import jax
import jax.numpy as jnp
from jax import lax
from jax.experimental import pallas as pl
from jax.experimental.pallas import tpu as pltpu
from jax.experimental.pallas import tpu_sc as plsc

N = 10000
E = 320000
D_HID = 32

NW = 32
CH = 80
NCH = 125
ROWS_PT = 640
N_ACC = 16 * ROWS_PT
ROWS_PW = N_ACC // NW

_MESH = plsc.VectorSubcoreMesh(core_axis_name="c", subcore_axis_name="s")


def _prop_body(u_hbm, src_hbm, dst_hbm, zeros_hbm, out_hbm,
               sidx_v, didx_v, rows0, rows1, rows2, rows3, acc_sh,
               gsem0, gsem1, gsem2, gsem3, ssem0, ssem1, ssem2, ssem3):
    c = lax.axis_index("c")
    s = lax.axis_index("s")
    wid = c * 16 + s
    r0 = s * ROWS_PT
    pltpu.sync_copy(zeros_hbm.at[pl.ds(r0, ROWS_PT)],
                    acc_sh.at[pl.ds(r0, ROWS_PT)])
    pltpu.sync_copy(src_hbm.at[wid], sidx_v)
    pltpu.sync_copy(dst_hbm.at[wid], didx_v)
    plsc.subcore_barrier()

    rows = [rows0, rows1, rows2, rows3]
    gsem = [gsem0, gsem1, gsem2, gsem3]
    ssem = [ssem0, ssem1, ssem2, ssem3]

    def g_issue(i, b):
        pltpu.async_copy(u_hbm.at[sidx_v.at[i]], rows[b], gsem[b])

    def g_wait(b):
        pltpu.make_async_copy(u_hbm.at[sidx_v.at[0]], rows[b], gsem[b]).wait()

    def s_issue(i, b):
        pltpu.async_copy(rows[b], acc_sh.at[didx_v.at[i]], ssem[b], add=True)

    def s_wait(b):
        pltpu.make_async_copy(u_hbm.at[sidx_v.at[0]], rows[b], ssem[b]).wait()

    g_issue(0, 0)
    g_issue(1, 1)
    g_issue(2, 2)
    g_wait(0)
    s_issue(0, 0)
    g_issue(3, 3)
    g_wait(1)
    s_issue(1, 1)

    def group(g, carry):
        k0 = 4 * g + 2
        for b in range(4):
            k = k0 + b
            bb = (b + 2) % 4
            s_wait(b)
            g_issue(k + 2, b)
            g_wait(bb)
            s_issue(k, bb)
        return carry

    lax.fori_loop(0, (NCH - 5) // 4, group, 0)
    s_wait(0)
    g_issue(NCH - 1, 0)
    g_wait(2)
    s_issue(NCH - 3, 2)
    s_wait(1)
    g_wait(3)
    s_issue(NCH - 2, 3)
    s_wait(2)
    g_wait(0)
    s_issue(NCH - 1, 0)
    s_wait(3)
    s_wait(0)
    plsc.subcore_barrier()
    pltpu.sync_copy(acc_sh.at[pl.ds(r0, ROWS_PT)],
                    out_hbm.at[c, pl.ds(r0, ROWS_PT)])


_SC_PARAMS = pltpu.CompilerParams(use_tc_tiling_on_sc=False)

_prop = pl.kernel(
    _prop_body,
    mesh=_MESH,
    compiler_params=_SC_PARAMS,
    out_type=jax.ShapeDtypeStruct((2, N_ACC, D_HID), jnp.float32),
    scratch_types=[
        pltpu.VMEM((NCH, CH), jnp.int32),
        pltpu.VMEM((NCH, CH), jnp.int32),
        pltpu.VMEM((CH, D_HID), jnp.float32),
        pltpu.VMEM((CH, D_HID), jnp.float32),
        pltpu.VMEM((CH, D_HID), jnp.float32),
        pltpu.VMEM((CH, D_HID), jnp.float32),
        pltpu.VMEM_SHARED((N_ACC, D_HID), jnp.float32),
        pltpu.SemaphoreType.DMA,
        pltpu.SemaphoreType.DMA,
        pltpu.SemaphoreType.DMA,
        pltpu.SemaphoreType.DMA,
        pltpu.SemaphoreType.DMA,
        pltpu.SemaphoreType.DMA,
        pltpu.SemaphoreType.DMA,
        pltpu.SemaphoreType.DMA,
    ],
)


def _deg_body(dst_hbm, ones_hbm, zeros_hbm, out_hbm, didx_v, ones_v, acc_sh,
              ssem):
    c = lax.axis_index("c")
    s = lax.axis_index("s")
    wid = c * 16 + s
    r0 = s * ROWS_PT
    pltpu.sync_copy(zeros_hbm.at[pl.ds(r0, ROWS_PT)],
                    acc_sh.at[pl.ds(r0, ROWS_PT)])
    pltpu.sync_copy(ones_hbm, ones_v)
    pltpu.sync_copy(dst_hbm.at[wid], didx_v)
    plsc.subcore_barrier()

    def fire(i, carry):
        pltpu.async_copy(ones_v, acc_sh.at[didx_v.at[i]], ssem, add=True)
        return carry

    lax.fori_loop(0, NCH, fire, 0)

    def drain(i, carry):
        pltpu.make_async_copy(ones_hbm, ones_v, ssem).wait()
        return carry

    lax.fori_loop(0, NCH, drain, 0)
    plsc.subcore_barrier()
    pltpu.sync_copy(acc_sh.at[pl.ds(r0, ROWS_PT)],
                    out_hbm.at[c, pl.ds(r0, ROWS_PT)])


D_DEG = 16

_deg = pl.kernel(
    _deg_body,
    mesh=_MESH,
    compiler_params=_SC_PARAMS,
    out_type=jax.ShapeDtypeStruct((2, N_ACC, D_DEG), jnp.float32),
    scratch_types=[
        pltpu.VMEM((NCH, CH), jnp.int32),
        pltpu.VMEM((CH, D_DEG), jnp.float32),
        pltpu.VMEM_SHARED((N_ACC, D_DEG), jnp.float32),
        pltpu.SemaphoreType.DMA,
    ],
)


def _tc_b0_body(x_ref, w1_ref, h1_ref):
    h1_ref[:N, :] = jnp.dot(x_ref[...], w1_ref[...],
                            preferred_element_type=jnp.float32)
    h1_ref[N:, :] = jnp.zeros((N_ACC - N, D_HID), jnp.float32)


_tc_b0 = pl.pallas_call(
    _tc_b0_body,
    out_shape=jax.ShapeDtypeStruct((N_ACC, D_HID), jnp.float32),
)


def _rsqrt16(v):
    i = lax.bitcast_convert_type(v, jnp.int32)
    i = jnp.int32(0x5F3759DF) - lax.shift_right_logical(i, 1)
    y = lax.bitcast_convert_type(i, jnp.float32)
    for _ in range(3):
        y = y * (1.5 - 0.5 * v * y * y)
    return y


def _b1_body(degp_hbm, h1_hbm, u1_hbm, dinv_hbm, p0_v, p1_v, h1_v, u1_v, dv_v):
    wid = lax.axis_index("c") * 16 + lax.axis_index("s")
    r0 = wid * ROWS_PW
    pltpu.sync_copy(degp_hbm.at[0, pl.ds(r0, ROWS_PW)], p0_v)
    pltpu.sync_copy(degp_hbm.at[1, pl.ds(r0, ROWS_PW)], p1_v)
    pltpu.sync_copy(h1_hbm.at[pl.ds(r0, ROWS_PW)], h1_v)

    def row(j, carry):
        deg = p0_v[j, :] + p1_v[j, :] + 1.0
        dinv = _rsqrt16(deg)
        dv_v[j, :] = dinv
        u1_v[j, pl.ds(0, 16)] = dinv * h1_v[j, pl.ds(0, 16)]
        u1_v[j, pl.ds(16, 16)] = dinv * h1_v[j, pl.ds(16, 16)]
        return carry

    lax.fori_loop(0, ROWS_PW, row, 0)
    pltpu.sync_copy(u1_v, u1_hbm.at[pl.ds(r0, ROWS_PW)])
    pltpu.sync_copy(dv_v, dinv_hbm.at[pl.ds(r0, ROWS_PW)])


_b1 = pl.kernel(
    _b1_body,
    mesh=_MESH,
    compiler_params=_SC_PARAMS,
    out_type=(
        jax.ShapeDtypeStruct((N_ACC, D_HID), jnp.float32),
        jax.ShapeDtypeStruct((N_ACC, D_DEG), jnp.float32),
    ),
    scratch_types=[
        pltpu.VMEM((ROWS_PW, D_DEG), jnp.float32),
        pltpu.VMEM((ROWS_PW, D_DEG), jnp.float32),
        pltpu.VMEM((ROWS_PW, D_HID), jnp.float32),
        pltpu.VMEM((ROWS_PW, D_HID), jnp.float32),
        pltpu.VMEM((ROWS_PW, D_DEG), jnp.float32),
    ],
)


def _d_body(p_hbm, u1_hbm, dinv_hbm, b1_hbm, u2_hbm,
            p0_v, p1_v, u1_v, dv_v, b1_v, u2_v):
    wid = lax.axis_index("c") * 16 + lax.axis_index("s")
    r0 = wid * ROWS_PW
    pltpu.sync_copy(p_hbm.at[0, pl.ds(r0, ROWS_PW)], p0_v)
    pltpu.sync_copy(p_hbm.at[1, pl.ds(r0, ROWS_PW)], p1_v)
    pltpu.sync_copy(u1_hbm.at[pl.ds(r0, ROWS_PW)], u1_v)
    pltpu.sync_copy(dinv_hbm.at[pl.ds(r0, ROWS_PW)], dv_v)
    pltpu.sync_copy(b1_hbm, b1_v)
    b1_lo = b1_v[0, pl.ds(0, 16)]
    b1_hi = b1_v[0, pl.ds(16, 16)]

    def row(j, carry):
        dv = dv_v[j, :]
        t_lo = p0_v[j, pl.ds(0, 16)] + p1_v[j, pl.ds(0, 16)] + u1_v[j, pl.ds(0, 16)]
        t_hi = p0_v[j, pl.ds(16, 16)] + p1_v[j, pl.ds(16, 16)] + u1_v[j, pl.ds(16, 16)]
        h_lo = jnp.maximum(dv * t_lo + b1_lo, 0.0)
        h_hi = jnp.maximum(dv * t_hi + b1_hi, 0.0)
        u2_v[j, pl.ds(0, 16)] = dv * h_lo
        u2_v[j, pl.ds(16, 16)] = dv * h_hi
        return carry

    lax.fori_loop(0, ROWS_PW, row, 0)
    pltpu.sync_copy(u2_v, u2_hbm.at[pl.ds(r0, ROWS_PW)])


_dml = pl.kernel(
    _d_body,
    mesh=_MESH,
    compiler_params=_SC_PARAMS,
    out_type=jax.ShapeDtypeStruct((N_ACC, D_HID), jnp.float32),
    scratch_types=[
        pltpu.VMEM((ROWS_PW, D_HID), jnp.float32),
        pltpu.VMEM((ROWS_PW, D_HID), jnp.float32),
        pltpu.VMEM((ROWS_PW, D_HID), jnp.float32),
        pltpu.VMEM((ROWS_PW, D_DEG), jnp.float32),
        pltpu.VMEM((1, D_HID), jnp.float32),
        pltpu.VMEM((ROWS_PW, D_HID), jnp.float32),
    ],
)


def _g_body(p_hbm, u2_hbm, dinv_hbm, g_hbm, p0_v, p1_v, u2_v, dv_v, g_v):
    wid = lax.axis_index("c") * 16 + lax.axis_index("s")
    r0 = wid * ROWS_PW
    pltpu.sync_copy(p_hbm.at[0, pl.ds(r0, ROWS_PW)], p0_v)
    pltpu.sync_copy(p_hbm.at[1, pl.ds(r0, ROWS_PW)], p1_v)
    pltpu.sync_copy(u2_hbm.at[pl.ds(r0, ROWS_PW)], u2_v)
    pltpu.sync_copy(dinv_hbm.at[pl.ds(r0, ROWS_PW)], dv_v)

    def row(j, carry):
        dv = dv_v[j, :]
        lo = pl.ds(0, 16)
        hi = pl.ds(16, 16)
        g_v[j, lo] = dv * (p0_v[j, lo] + p1_v[j, lo] + u2_v[j, lo])
        g_v[j, hi] = dv * (p0_v[j, hi] + p1_v[j, hi] + u2_v[j, hi])
        return carry

    lax.fori_loop(0, ROWS_PW, row, 0)
    pltpu.sync_copy(g_v, g_hbm.at[pl.ds(r0, ROWS_PW)])


_g = pl.kernel(
    _g_body,
    mesh=_MESH,
    compiler_params=_SC_PARAMS,
    out_type=jax.ShapeDtypeStruct((N_ACC, D_HID), jnp.float32),
    scratch_types=[
        pltpu.VMEM((ROWS_PW, D_HID), jnp.float32),
        pltpu.VMEM((ROWS_PW, D_HID), jnp.float32),
        pltpu.VMEM((ROWS_PW, D_HID), jnp.float32),
        pltpu.VMEM((ROWS_PW, D_DEG), jnp.float32),
        pltpu.VMEM((ROWS_PW, D_HID), jnp.float32),
    ],
)


def _tc_f_body(g_ref, w2_ref, b2_ref, out_ref):
    out_ref[...] = jnp.dot(g_ref[:N, :], w2_ref[...],
                           preferred_element_type=jnp.float32) + b2_ref[...]


def kernel(x, edge_index, W1, b1, W2, b2):
    out_ch = W2.shape[1]
    tc_f = pl.pallas_call(
        _tc_f_body,
        out_shape=jax.ShapeDtypeStruct((N, out_ch), jnp.float32),
    )
    src3 = edge_index[0].reshape(NW, NCH, CH)
    dst3 = edge_index[1].reshape(NW, NCH, CH)

    zeros32 = jnp.zeros((N_ACC, D_HID), jnp.float32)
    zeros_deg = jnp.zeros((N_ACC, D_DEG), jnp.float32)
    ones = jnp.ones((CH, D_DEG), jnp.float32)

    degp = _deg(dst3, ones, zeros_deg)
    h1 = _tc_b0(x, W1)
    u1, dinv = _b1(degp, h1)
    p1 = _prop(u1, src3, dst3, zeros32)
    u2 = _dml(p1, u1, dinv, b1.reshape(1, D_HID))
    p2 = _prop(u2, src3, dst3, zeros32)
    g = _g(p2, u2, dinv)
    out = tc_f(g, W2, b2.reshape(1, out_ch))
    return out

# --- scband reference (transcript-rebuilt; emitter-appended) ---
"""Pipeline reference for scband-gnn-41231686042250 (READ-ONLY COPY).

The authoritative reference and input builder live on the scoring server;
editing this copy changes nothing except your own understanding.
"""

import jax, jax.numpy as jnp
import numpy as np

N_NODES = 10000
N_EDGES = 320000
IN_CH = 128
HID = 32
OUT_CH = 128


def gcn_conv(x, edge_index, W, b):
    # Faithful GCNConv: x' = D^{-1/2} (A + I) D^{-1/2} (X W) + b
    N = x.shape[0]
    src = edge_index[0]
    dst = edge_index[1]
    loop = jnp.arange(N, dtype=src.dtype)
    src = jnp.concatenate([src, loop])
    dst = jnp.concatenate([dst, loop])
    # degree computed on destination nodes with unit edge weights (incl. self loops)
    deg = jnp.zeros((N,), dtype=x.dtype).at[dst].add(1.0)
    deg_inv_sqrt = jnp.where(deg > 0, jax.lax.rsqrt(deg), 0.0)
    norm = deg_inv_sqrt[src] * deg_inv_sqrt[dst]
    h = x @ W
    msg = h[src] * norm[:, None]
    out = jnp.zeros((N, W.shape[1]), dtype=x.dtype).at[dst].add(msg)
    return out + b


def setup_inputs(seed: int = 0) -> dict:
    key = jax.random.key(seed)
    k_x, k_e, k_w1, k_b1, k_w2, k_b2 = jax.random.split(key, 6)
    x = jax.random.normal(k_x, (N_NODES, IN_CH), dtype=jnp.float32)
    edge_index = jax.random.randint(k_e, (2, N_EDGES), 0, N_NODES, dtype=jnp.int64 if jax.config.jax_enable_x64 else jnp.int32).astype(jnp.int32)
    W1 = jax.random.normal(k_w1, (IN_CH, HID), dtype=jnp.float32) * (1.0 / np.sqrt(IN_CH))
    b1 = jnp.zeros((HID,), dtype=jnp.float32)
    W2 = jax.random.normal(k_w2, (HID, OUT_CH), dtype=jnp.float32) * (1.0 / np.sqrt(HID))
    b2 = jnp.zeros((OUT_CH,), dtype=jnp.float32)
    return {"x": x, "edge_index": edge_index, "W1": W1, "b1": b1, "W2": W2, "b2": b2}


def reference(x, edge_index, W1, b1, W2, b2):
    h = gcn_conv(x, edge_index, W1, b1)
    h = jax.nn.relu(h)
    out = gcn_conv(h, edge_index, W2, b2)
    return out

if __name__ == "__main__":
    import jax
    _d = setup_inputs()
    print(jax.jit(kernel)(*tuple(_d.values())))

</pallas_src>

<mosaic_0001>
#map = affine_map<(d0, d1) -> (0, 0, 0)>
#map1 = affine_map<(d0, d1) -> (0, 0)>
module attributes {stable_mosaic.version = 14 : i64} {
  func.func @_deg_body(%arg0: i32, %arg1: i32, %arg2: memref<32x125x80xi32, #tpu.memory_space<hbm>>, %arg3: memref<80x16xf32, #tpu.memory_space<hbm>>, %arg4: memref<10240x16xf32, #tpu.memory_space<hbm>>, %arg5: memref<2x10240x16xf32, #tpu.memory_space<hbm>>, %arg6: memref<125x80xi32, #tpu.memory_space<vmem>>, %arg7: memref<80x16xf32, #tpu.memory_space<vmem>>, %arg8: memref<10240x16xf32, #tpu.memory_space<vmem_shared>>, %arg9: memref<!tpu.dma_semaphore, #tpu.memory_space<semaphore_mem>>) attributes {dimension_semantics = [#tpu.dimension_semantics<core_parallel>, #tpu.dimension_semantics<subcore_parallel>], iteration_bounds = array<i64: 2, 16>, scalar_prefetch = 0 : i64, scratch_operands = 4 : i64, tpu.core_type = #tpu.core_type<sc_vector_subcore>, window_params = [{transform_indices = #map}, {transform_indices = #map1}, {transform_indices = #map1}, {transform_indices = #map}]} {
    %mul3A = arith.constant 16 : i32
    %mul3A_0 = arith.muli %arg0, %mul3A : i32
    %add3A = arith.addi %mul3A_0, %arg1 : i32
    %mul3A_1 = arith.constant 640 : i32
    %mul3A_2 = arith.muli %arg1, %mul3A_1 : i32
    "tpu.region"() ({
      %run_scoped3A = tpu.sem_alloc : memref<!tpu.dma_semaphore, #tpu.memory_space<semaphore_mem>>
      %dma_start3A = arith.constant 0 : i32
      %dma_start3A_15 = tpu.memref_slice %arg8[%mul3A_2, %dma_start3A] : memref<10240x16xf32, #tpu.memory_space<vmem_shared>> -> memref<640x16xf32, #tpu.memory_space<vmem_shared>>
      %dma_start3A_16 = arith.constant 0 : i32
      %dma_start3A_17 = tpu.memref_slice %arg4[%mul3A_2, %dma_start3A_16] : memref<10240x16xf32, #tpu.memory_space<hbm>> -> memref<640x16xf32, #tpu.memory_space<hbm>>
      tpu.enqueue_dma source(%dma_start3A_17 : memref<640x16xf32, #tpu.memory_space<hbm>>) target(%dma_start3A_15 : memref<640x16xf32, #tpu.memory_space<vmem_shared>>) target_semaphore(%run_scoped3A : memref<!tpu.dma_semaphore, #tpu.memory_space<semaphore_mem>>)
      %dma_wait3A = arith.constant 0 : i32
      %dma_wait3A_18 = tpu.memref_slice %arg8[%mul3A_2, %dma_wait3A] : memref<10240x16xf32, #tpu.memory_space<vmem_shared>> -> memref<640x16xf32, #tpu.memory_space<vmem_shared>>
      %dma_wait3A_19 = arith.constant 0 : i32
      %dma_wait3A_20 = tpu.memref_slice %arg4[%mul3A_2, %dma_wait3A_19] : memref<10240x16xf32, #tpu.memory_space<hbm>> -> memref<640x16xf32, #tpu.memory_space<hbm>>
      tpu.wait_dma2 semaphore(%run_scoped3A : memref<!tpu.dma_semaphore, #tpu.memory_space<semaphore_mem>>) src(%dma_wait3A_20 : memref<640x16xf32, #tpu.memory_space<hbm>>) dst(%dma_wait3A_18 : memref<640x16xf32, #tpu.memory_space<vmem_shared>>)
      tpu.yield
    }) : () -> ()
    "tpu.region"() ({
      %run_scoped3A = tpu.sem_alloc : memref<!tpu.dma_semaphore, #tpu.memory_space<semaphore_mem>>
      tpu.enqueue_dma source(%arg3 : memref<80x16xf32, #tpu.memory_space<hbm>>) target(%arg7 : memref<80x16xf32, #tpu.memory_space<vmem>>) target_semaphore(%run_scoped3A : memref<!tpu.dma_semaphore, #tpu.memory_space<semaphore_mem>>)
      tpu.wait_dma2 semaphore(%run_scoped3A : memref<!tpu.dma_semaphore, #tpu.memory_space<semaphore_mem>>) src(%arg3 : memref<80x16xf32, #tpu.memory_space<hbm>>) dst(%arg7 : memref<80x16xf32, #tpu.memory_space<vmem>>)
      tpu.yield
    }) : () -> ()
    "tpu.region"() ({
      %run_scoped3A = tpu.sem_alloc : memref<!tpu.dma_semaphore, #tpu.memory_space<semaphore_mem>>
      %dma_start3A = arith.constant 0 : i32
      %dma_start3A_15 = arith.constant 0 : i32
      %dma_start3A_16 = tpu.memref_slice %arg2[%add3A, %dma_start3A, %dma_start3A_15] : memref<32x125x80xi32, #tpu.memory_space<hbm>> -> memref<1x125x80xi32, #tpu.memory_space<hbm>>
      %dma_start3A_17 = tpu.memref_squeeze %dma_start3A_16 : memref<1x125x80xi32, #tpu.memory_space<hbm>> -> memref<125x80xi32, #tpu.memory_space<hbm>>
      %dma_start3A_18 = arith.constant 0 : i32
      %dma_start3A_19 = arith.constant 0 : i32
      %dma_start3A_20 = tpu.memref_slice %arg2[%add3A, %dma_start3A_18, %dma_start3A_19] : memref<32x125x80xi32, #tpu.memory_space<hbm>> -> memref<1x125x80xi32, #tpu.memory_space<hbm>>
      %dma_start3A_21 = tpu.memref_squeeze %dma_start3A_20 : memref<1x125x80xi32, #tpu.memory_space<hbm>> -> memref<125x80xi32, #tpu.memory_space<hbm>>
      tpu.enqueue_dma source(%dma_start3A_21 : memref<125x80xi32, #tpu.memory_space<hbm>>) target(%arg6 : memref<125x80xi32, #tpu.memory_space<vmem>>) target_semaphore(%run_scoped3A : memref<!tpu.dma_semaphore, #tpu.memory_space<semaphore_mem>>)
      %dma_wait3A = arith.constant 0 : i32
      %dma_wait3A_22 = arith.constant 0 : i32
      %dma_wait3A_23 = tpu.memref_slice %arg2[%add3A, %dma_wait3A, %dma_wait3A_22] : memref<32x125x80xi32, #tpu.memory_space<hbm>> -> memref<1x125x80xi32, #tpu.memory_space<hbm>>
      %dma_wait3A_24 = tpu.memref_squeeze %dma_wait3A_23 : memref<1x125x80xi32, #tpu.memory_space<hbm>> -> memref<125x80xi32, #tpu.memory_space<hbm>>
      %dma_wait3A_25 = arith.constant 0 : i32
      %dma_wait3A_26 = arith.constant 0 : i32
      %dma_wait3A_27 = tpu.memref_slice %arg2[%add3A, %dma_wait3A_25, %dma_wait3A_26] : memref<32x125x80xi32, #tpu.memory_space<hbm>> -> memref<1x125x80xi32, #tpu.memory_space<hbm>>
      %dma_wait3A_28 = tpu.memref_squeeze %dma_wait3A_27 : memref<1x125x80xi32, #tpu.memory_space<hbm>> -> memref<125x80xi32, #tpu.memory_space<hbm>>
      tpu.wait_dma2 semaphore(%run_scoped3A : memref<!tpu.dma_semaphore, #tpu.memory_space<semaphore_mem>>) src(%dma_wait3A_28 : memref<125x80xi32, #tpu.memory_space<hbm>>) dst(%arg6 : memref<125x80xi32, #tpu.memory_space<vmem>>)
      tpu.yield
    }) : () -> ()
    %barrier3A = arith.constant 0 : index
    tpu.barrier barrier_id(%barrier3A)
    %scan3A = arith.constant 0 : i32
    %scan3A_3 = arith.constant 0 : i32
    %scan3A_4 = arith.constant 125 : i32
    %scan3A_5 = arith.addi %scan3A_3, %scan3A_4 : i32
    %scan3A_6 = arith.constant 1 : i32
    scf.for %scan3A_15 = %scan3A_3 to %scan3A_5 step %scan3A_6  : i32 {
      %dma_start3A = arith.constant 0 : i32
      %dma_start3A_16 = tpu.memref_slice %arg6[%scan3A_15, %dma_start3A] : memref<125x80xi32, #tpu.memory_space<vmem>> -> memref<1x80xi32, #tpu.memory_space<vmem>>
      %dma_start3A_17 = tpu.memref_squeeze %dma_start3A_16 : memref<1x80xi32, #tpu.memory_space<vmem>> -> memref<80xi32, #tpu.memory_space<vmem>>
      %dma_start3A_18 = arith.constant 0 : i32
      %dma_start3A_19 = arith.constant 0 : i32
      %dma_start3A_20 = tpu.memref_slice %arg8[%dma_start3A_18, %dma_start3A_19] : memref<10240x16xf32, #tpu.memory_space<vmem_shared>> -> memref<10240x16xf32, #tpu.memory_space<vmem_shared>>
      tpu.enqueue_indirect_dma source(%arg7 : memref<80x16xf32, #tpu.memory_space<vmem>>) target(%dma_start3A_20 : memref<10240x16xf32, #tpu.memory_space<vmem_shared>>) offsets(%dma_start3A_17 : memref<80xi32, #tpu.memory_space<vmem>>) semaphore(%arg9 : memref<!tpu.dma_semaphore, #tpu.memory_space<semaphore_mem>>) {add = true}
    }
    %scan3A_7 = arith.constant 125 : i32
    %scan3A_8 = arith.constant 0 : i32
    %scan3A_9 = arith.constant 0 : i32
    %scan3A_10 = arith.constant 125 : i32
    %scan3A_11 = arith.addi %scan3A_9, %scan3A_10 : i32
    %scan3A_12 = arith.constant 1 : i32
    scf.for %scan3A_15 = %scan3A_9 to %scan3A_11 step %scan3A_12  : i32 {
      tpu.wait_dma2 semaphore(%arg9 : memref<!tpu.dma_semaphore, #tpu.memory_space<semaphore_mem>>) src(%arg3 : memref<80x16xf32, #tpu.memory_space<hbm>>) dst(%arg7 : memref<80x16xf32, #tpu.memory_space<vmem>>)
    }
    %scan3A_13 = arith.constant 125 : i32
    %barrier3A_14 = arith.constant 0 : index
    tpu.barrier barrier_id(%barrier3A_14)
    "tpu.region"() ({
      %run_scoped3A = tpu.sem_alloc : memref<!tpu.dma_semaphore, #tpu.memory_space<semaphore_mem>>
      %dma_start3A = arith.constant 0 : i32
      %dma_start3A_15 = tpu.memref_slice %arg5[%arg0, %mul3A_2, %dma_start3A] : memref<2x10240x16xf32, #tpu.memory_space<hbm>> -> memref<1x640x16xf32, #tpu.memory_space<hbm>>
      %dma_start3A_16 = tpu.memref_squeeze %dma_start3A_15 : memref<1x640x16xf32, #tpu.memory_space<hbm>> -> memref<640x16xf32, #tpu.memory_space<hbm>>
      %dma_start3A_17 = arith.constant 0 : i32
      %dma_start3A_18 = tpu.memref_slice %arg8[%mul3A_2, %dma_start3A_17] : memref<10240x16xf32, #tpu.memory_space<vmem_shared>> -> memref<640x16xf32, #tpu.memory_space<vmem_shared>>
      tpu.enqueue_dma source(%dma_start3A_18 : memref<640x16xf32, #tpu.memory_space<vmem_shared>>) target(%dma_start3A_16 : memref<640x16xf32, #tpu.memory_space<hbm>>) target_semaphore(%run_scoped3A : memref<!tpu.dma_semaphore, #tpu.memory_space<semaphore_mem>>)
      %dma_wait3A = arith.constant 0 : i32
      %dma_wait3A_19 = tpu.memref_slice %arg5[%arg0, %mul3A_2, %dma_wait3A] : memref<2x10240x16xf32, #tpu.memory_space<hbm>> -> memref<1x640x16xf32, #tpu.memory_space<hbm>>
      %dma_wait3A_20 = tpu.memref_squeeze %dma_wait3A_19 : memref<1x640x16xf32, #tpu.memory_space<hbm>> -> memref<640x16xf32, #tpu.memory_space<hbm>>
      %dma_wait3A_21 = arith.constant 0 : i32
      %dma_wait3A_22 = tpu.memref_slice %arg8[%mul3A_2, %dma_wait3A_21] : memref<10240x16xf32, #tpu.memory_space<vmem_shared>> -> memref<640x16xf32, #tpu.memory_space<vmem_shared>>
      tpu.wait_dma2 semaphore(%run_scoped3A : memref<!tpu.dma_semaphore, #tpu.memory_space<semaphore_mem>>) src(%dma_wait3A_22 : memref<640x16xf32, #tpu.memory_space<vmem_shared>>) dst(%dma_wait3A_20 : memref<640x16xf32, #tpu.memory_space<hbm>>)
      tpu.yield
    }) : () -> ()
    return
  }
}

#map = affine_map<(d0, d1) -> (0, 0)>
#map1 = affine_map<(d0, d1) -> (0, 0, 0)>
module attributes {stable_mosaic.version = 14 : i64} {
  func.func @_prop_body(%arg0: i32, %arg1: i32, %arg2: memref<10240x32xf32, #tpu.memory_space<hbm>>, %arg3: memref<32x125x80xi32, #tpu.memory_space<hbm>>, %arg4: memref<32x125x80xi32, #tpu.memory_space<hbm>>, %arg5: memref<10240x32xf32, #tpu.memory_space<hbm>>, %arg6: memref<2x10240x32xf32, #tpu.memory_space<hbm>>, %arg7: memref<125x80xi32, #tpu.memory_space<vmem>>, %arg8: memref<125x80xi32, #tpu.memory_space<vmem>>, %arg9: memref<80x32xf32, #tpu.memory_space<vmem>>, %arg10: memref<80x32xf32, #tpu.memory_space<vmem>>, %arg11: memref<80x32xf32, #tpu.memory_space<vmem>>, %arg12: memref<80x32xf32, #tpu.memory_space<vmem>>, %arg13: memref<10240x32xf32, #tpu.memory_space<vmem_shared>>, %arg14: memref<!tpu.dma_semaphore, #tpu.memory_space<semaphore_mem>>, %arg15: memref<!tpu.dma_semaphore, #tpu.memory_space<semaphore_mem>>, %arg16: memref<!tpu.dma_semaphore, #tpu.memory_space<semaphore_mem>>, %arg17: memref<!tpu.dma_semaphore, #tpu.memory_space<semaphore_mem>>, %arg18: memref<!tpu.dma_semaphore, #tpu.memory_space<semaphore_mem>>, %arg19: memref<!tpu.dma_semaphore, #tpu.memory_space<semaphore_mem>>, %arg20: memref<!tpu.dma_semaphore, #tpu.memory_space<semaphore_mem>>, %arg21: memref<!tpu.dma_semaphore, #tpu.memory_space<semaphore_mem>>) attributes {dimension_semantics = [#tpu.dimension_semantics<core_parallel>, #tpu.dimension_semantics<subcore_parallel>], iteration_bounds = array<i64: 2, 16>, scalar_prefetch = 0 : i64, scratch_operands = 15 : i64, tpu.core_type = #tpu.core_type<sc_vector_subcore>, window_params = [{transform_indices = #map}, {transform_indices = #map1}, {transform_indices = #map1}, {transform_indices = #map}, {transform_indices = #map1}]} {
    %mul3A = arith.constant 16 : i32
    %mul3A_0 = arith.muli %arg0, %mul3A : i32
    %add3A = arith.addi %mul3A_0, %arg1 : i32
    %mul3A_1 = arith.constant 640 : i32
    %mul3A_2 = arith.muli %arg1, %mul3A_1 : i32
    "tpu.region"() ({
      %run_scoped3A = tpu.sem_alloc : memref<!tpu.dma_semaphore, #tpu.memory_space<semaphore_mem>>
      %dma_start3A_147 = arith.constant 0 : i32
      %dma_start3A_148 = tpu.memref_slice %arg13[%mul3A_2, %dma_start3A_147] : memref<10240x32xf32, #tpu.memory_space<vmem_shared>> -> memref<640x32xf32, #tpu.memory_space<vmem_shared>>
      %dma_start3A_149 = arith.constant 0 : i32
      %dma_start3A_150 = tpu.memref_slice %arg5[%mul3A_2, %dma_start3A_149] : memref<10240x32xf32, #tpu.memory_space<hbm>> -> memref<640x32xf32, #tpu.memory_space<hbm>>
      tpu.enqueue_dma source(%dma_start3A_150 : memref<640x32xf32, #tpu.memory_space<hbm>>) target(%dma_start3A_148 : memref<640x32xf32, #tpu.memory_space<vmem_shared>>) target_semaphore(%run_scoped3A : memref<!tpu.dma_semaphore, #tpu.memory_space<semaphore_mem>>)
      %dma_wait3A_151 = arith.constant 0 : i32
      %dma_wait3A_152 = tpu.memref_slice %arg13[%mul3A_2, %dma_wait3A_151] : memref<10240x32xf32, #tpu.memory_space<vmem_shared>> -> memref<640x32xf32, #tpu.memory_space<vmem_shared>>
      %dma_wait3A_153 = arith.constant 0 : i32
      %dma_wait3A_154 = tpu.memref_slice %arg5[%mul3A_2, %dma_wait3A_153] : memref<10240x32xf32, #tpu.memory_space<hbm>> -> memref<640x32xf32, #tpu.memory_space<hbm>>
      tpu.wait_dma2 semaphore(%run_scoped3A : memref<!tpu.dma_semaphore, #tpu.memory_space<semaphore_mem>>) src(%dma_wait3A_154 : memref<640x32xf32, #tpu.memory_space<hbm>>) dst(%dma_wait3A_152 : memref<640x32xf32, #tpu.memory_space<vmem_shared>>)
      tpu.yield
    }) : () -> ()
    "tpu.region"() ({
      %run_scoped3A = tpu.sem_alloc : memref<!tpu.dma_semaphore, #tpu.memory_space<semaphore_mem>>
      %dma_start3A_147 = arith.constant 0 : i32
      %dma_start3A_148 = arith.constant 0 : i32
      %dma_start3A_149 = tpu.memref_slice %arg3[%add3A, %dma_start3A_147, %dma_start3A_148] : memref<32x125x80xi32, #tpu.memory_space<hbm>> -> memref<1x125x80xi32, #tpu.memory_space<hbm>>
      %dma_start3A_150 = tpu.memref_squeeze %dma_start3A_149 : memref<1x125x80xi32, #tpu.memory_space<hbm>> -> memref<125x80xi32, #tpu.memory_space<hbm>>
      %dma_start3A_151 = arith.constant 0 : i32
      %dma_start3A_152 = arith.constant 0 : i32
      %dma_start3A_153 = tpu.memref_slice %arg3[%add3A, %dma_start3A_151, %dma_start3A_152] : memref<32x125x80xi32, #tpu.memory_space<hbm>> -> memref<1x125x80xi32, #tpu.memory_space<hbm>>
      %dma_start3A_154 = tpu.memref_squeeze %dma_start3A_153 : memref<1x125x80xi32, #tpu.memory_space<hbm>> -> memref<125x80xi32, #tpu.memory_space<hbm>>
      tpu.enqueue_dma source(%dma_start3A_154 : memref<125x80xi32, #tpu.memory_space<hbm>>) target(%arg7 : memref<125x80xi32, #tpu.memory_space<vmem>>) target_semaphore(%run_scoped3A : memref<!tpu.dma_semaphore, #tpu.memory_space<semaphore_mem>>)
      %dma_wait3A_155 = arith.constant 0 : i32
      %dma_wait3A_156 = arith.constant 0 : i32
      %dma_wait3A_157 = tpu.memref_slice %arg3[%add3A, %dma_wait3A_155, %dma_wait3A_156] : memref<32x125x80xi32, #tpu.memory_space<hbm>> -> memref<1x125x80xi32, #tpu.memory_space<hbm>>
      %dma_wait3A_158 = tpu.memref_squeeze %dma_wait3A_157 : memref<1x125x80xi32, #tpu.memory_space<hbm>> -> memref<125x80xi32, #tpu.memory_space<hbm>>
      %dma_wait3A_159 = arith.constant 0 : i32
      %dma_wait3A_160 = arith.constant 0 : i32
      %dma_wait3A_161 = tpu.memref_slice %arg3[%add3A, %dma_wait3A_159, %dma_wait3A_160] : memref<32x125x80xi32, #tpu.memory_space<hbm>> -> memref<1x125x80xi32, #tpu.memory_space<hbm>>
      %dma_wait3A_162 = tpu.memref_squeeze %dma_wait3A_161 : memref<1x125x80xi32, #tpu.memory_space<hbm>> -> memref<125x80xi32, #tpu.memory_space<hbm>>
      tpu.wait_dma2 semaphore(%run_scoped3A : memref<!tpu.dma_semaphore, #tpu.memory_space<semaphore_mem>>) src(%dma_wait3A_162 : memref<125x80xi32, #tpu.memory_space<hbm>>) dst(%arg7 : memref<125x80xi32, #tpu.memory_space<vmem>>)
      tpu.yield
    }) : () -> ()
    "tpu.region"() ({
      %run_scoped3A = tpu.sem_alloc : memref<!tpu.dma_semaphore, #tpu.memory_space<semaphore_mem>>
      %dma_start3A_147 = arith.constant 0 : i32
      %dma_start3A_148 = arith.constant 0 : i32
      %dma_start3A_149 = tpu.memref_slice %arg4[%add3A, %dma_start3A_147, %dma_start3A_148] : memref<32x125x80xi32, #tpu.memory_space<hbm>> -> memref<1x125x80xi32, #tpu.memory_space<hbm>>
      %dma_start3A_150 = tpu.memref_squeeze %dma_start3A_149 : memref<1x125x80xi32, #tpu.memory_space<hbm>> -> memref<125x80xi32, #tpu.memory_space<hbm>>
      %dma_start3A_151 = arith.constant 0 : i32
      %dma_start3A_152 = arith.constant 0 : i32
      %dma_start3A_153 = tpu.memref_slice %arg4[%add3A, %dma_start3A_151, %dma_start3A_152] : memref<32x125x80xi32, #tpu.memory_space<hbm>> -> memref<1x125x80xi32, #tpu.memory_space<hbm>>
      %dma_start3A_154 = tpu.memref_squeeze %dma_start3A_153 : memref<1x125x80xi32, #tpu.memory_space<hbm>> -> memref<125x80xi32, #tpu.memory_space<hbm>>
      tpu.enqueue_dma source(%dma_start3A_154 : memref<125x80xi32, #tpu.memory_space<hbm>>) target(%arg8 : memref<125x80xi32, #tpu.memory_space<vmem>>) target_semaphore(%run_scoped3A : memref<!tpu.dma_semaphore, #tpu.memory_space<semaphore_mem>>)
      %dma_wait3A_155 = arith.constant 0 : i32
      %dma_wait3A_156 = arith.constant 0 : i32
      %dma_wait3A_157 = tpu.memref_slice %arg4[%add3A, %dma_wait3A_155, %dma_wait3A_156] : memref<32x125x80xi32, #tpu.memory_space<hbm>> -> memref<1x125x80xi32, #tpu.memory_space<hbm>>
      %dma_wait3A_158 = tpu.memref_squeeze %dma_wait3A_157 : memref<1x125x80xi32, #tpu.memory_space<hbm>> -> memref<125x80xi32, #tpu.memory_space<hbm>>
      %dma_wait3A_159 = arith.constant 0 : i32
      %dma_wait3A_160 = arith.constant 0 : i32
      %dma_wait3A_161 = tpu.memref_slice %arg4[%add3A, %dma_wait3A_159, %dma_wait3A_160] : memref<32x125x80xi32, #tpu.memory_space<hbm>> -> memref<1x125x80xi32, #tpu.memory_space<hbm>>
      %dma_wait3A_162 = tpu.memref_squeeze %dma_wait3A_161 : memref<1x125x80xi32, #tpu.memory_space<hbm>> -> memref<125x80xi32, #tpu.memory_space<hbm>>
      tpu.wait_dma2 semaphore(%run_scoped3A : memref<!tpu.dma_semaphore, #tpu.memory_space<semaphore_mem>>) src(%dma_wait3A_162 : memref<125x80xi32, #tpu.memory_space<hbm>>) dst(%arg8 : memref<125x80xi32, #tpu.memory_space<vmem>>)
      tpu.yield
    }) : () -> ()
    %barrier3A = arith.constant 0 : index
    tpu.barrier barrier_id(%barrier3A)
    %dma_start3A = arith.constant 0 : i32
    %dma_start3A_3 = arith.constant 0 : i32
    %dma_start3A_4 = tpu.memref_slice %arg7[%dma_start3A, %dma_start3A_3] : memref<125x80xi32, #tpu.memory_space<vmem>> -> memref<1x80xi32, #tpu.memory_space<vmem>>
    %dma_start3A_5 = tpu.memref_squeeze %dma_start3A_4 : memref<1x80xi32, #tpu.memory_space<vmem>> -> memref<80xi32, #tpu.memory_space<vmem>>
    %dma_start3A_6 = arith.constant 0 : i32
    %dma_start3A_7 = arith.constant 0 : i32
    %dma_start3A_8 = tpu.memref_slice %arg2[%dma_start3A_6, %dma_start3A_7] : memref<10240x32xf32, #tpu.memory_space<hbm>> -> memref<10240x32xf32, #tpu.memory_space<hbm>>
    tpu.enqueue_indirect_dma source(%dma_start3A_8 : memref<10240x32xf32, #tpu.memory_space<hbm>>) target(%arg9 : memref<80x32xf32, #tpu.memory_space<vmem>>) offsets(%dma_start3A_5 : memref<80xi32, #tpu.memory_space<vmem>>) semaphore(%arg14 : memref<!tpu.dma_semaphore, #tpu.memory_space<semaphore_mem>>)
    %dma_start3A_9 = arith.constant 1 : i32
    %dma_start3A_10 = arith.constant 0 : i32
    %dma_start3A_11 = tpu.memref_slice %arg7[%dma_start3A_9, %dma_start3A_10] : memref<125x80xi32, #tpu.memory_space<vmem>> -> memref<1x80xi32, #tpu.memory_space<vmem>>
    %dma_start3A_12 = tpu.memref_squeeze %dma_start3A_11 : memref<1x80xi32, #tpu.memory_space<vmem>> -> memref<80xi32, #tpu.memory_space<vmem>>
    %dma_start3A_13 = arith.constant 0 : i32
    %dma_start3A_14 = arith.constant 0 : i32
    %dma_start3A_15 = tpu.memref_slice %arg2[%dma_start3A_13, %dma_start3A_14] : memref<10240x32xf32, #tpu.memory_space<hbm>> -> memref<10240x32xf32, #tpu.memory_space<hbm>>
    tpu.enqueue_indirect_dma source(%dma_start3A_15 : memref<10240x32xf32, #tpu.memory_space<hbm>>) target(%arg10 : memref<80x32xf32, #tpu.memory_space<vmem>>) offsets(%dma_start3A_12 : memref<80xi32, #tpu.memory_space<vmem>>) semaphore(%arg15 : memref<!tpu.dma_semaphore, #tpu.memory_space<semaphore_mem>>)
    %dma_start3A_16 = arith.constant 2 : i32
    %dma_start3A_17 = arith.constant 0 : i32
    %dma_start3A_18 = tpu.memref_slice %arg7[%dma_start3A_16, %dma_start3A_17] : memref<125x80xi32, #tpu.memory_space<vmem>> -> memref<1x80xi32, #tpu.memory_space<vmem>>
    %dma_start3A_19 = tpu.memref_squeeze %dma_start3A_18 : memref<1x80xi32, #tpu.memory_space<vmem>> -> memref<80xi32, #tpu.memory_space<vmem>>
    %dma_start3A_20 = arith.constant 0 : i32
    %dma_start3A_21 = arith.constant 0 : i32
    %dma_start3A_22 = tpu.memref_slice %arg2[%dma_start3A_20, %dma_start3A_21] : memref<10240x32xf32, #tpu.memory_space<hbm>> -> memref<10240x32xf32, #tpu.memory_space<hbm>>
    tpu.enqueue_indirect_dma source(%dma_start3A_22 : memref<10240x32xf32, #tpu.memory_space<hbm>>) target(%arg11 : memref<80x32xf32, #tpu.memory_space<vmem>>) offsets(%dma_start3A_19 : memref<80xi32, #tpu.memory_space<vmem>>) semaphore(%arg16 : memref<!tpu.dma_semaphore, #tpu.memory_space<semaphore_mem>>)
    %dma_wait3A = arith.constant 0 : i32
    %dma_wait3A_23 = arith.constant 0 : i32
    %dma_wait3A_24 = tpu.memref_slice %arg7[%dma_wait3A, %dma_wait3A_23] : memref<125x80xi32, #tpu.memory_space<vmem>> -> memref<1x80xi32, #tpu.memory_space<vmem>>
    %dma_wait3A_25 = tpu.memref_squeeze %dma_wait3A_24 : memref<1x80xi32, #tpu.memory_space<vmem>> -> memref<80xi32, #tpu.memory_space<vmem>>
    %dma_wait3A_26 = arith.constant 0 : i32
    %dma_wait3A_27 = arith.constant 0 : i32
    %dma_wait3A_28 = tpu.memref_slice %arg2[%dma_wait3A_26, %dma_wait3A_27] : memref<10240x32xf32, #tpu.memory_space<hbm>> -> memref<10240x32xf32, #tpu.memory_space<hbm>>
    tpu.wait_indirect_dma semaphore(%arg14 : memref<!tpu.dma_semaphore, #tpu.memory_space<semaphore_mem>>) src(%dma_wait3A_28 : memref<10240x32xf32, #tpu.memory_space<hbm>>) dst(%arg9 : memref<80x32xf32, #tpu.memory_space<vmem>>)
    %dma_start3A_29 = arith.constant 0 : i32
    %dma_start3A_30 = arith.constant 0 : i32
    %dma_start3A_31 = tpu.memref_slice %arg8[%dma_start3A_29, %dma_start3A_30] : memref<125x80xi32, #tpu.memory_space<vmem>> -> memref<1x80xi32, #tpu.memory_space<vmem>>
    %dma_start3A_32 = tpu.memref_squeeze %dma_start3A_31 : memref<1x80xi32, #tpu.memory_space<vmem>> -> memref<80xi32, #tpu.memory_space<vmem>>
    %dma_start3A_33 = arith.constant 0 : i32
    %dma_start3A_34 = arith.constant 0 : i32
    %dma_start3A_35 = tpu.memref_slice %arg13[%dma_start3A_33, %dma_start3A_34] : memref<10240x32xf32, #tpu.memory_space<vmem_shared>> -> memref<10240x32xf32, #tpu.memory_space<vmem_shared>>
    tpu.enqueue_indirect_dma source(%arg9 : memref<80x32xf32, #tpu.memory_space<vmem>>) target(%dma_start3A_35 : memref<10240x32xf32, #tpu.memory_space<vmem_shared>>) offsets(%dma_start3A_32 : memref<80xi32, #tpu.memory_space<vmem>>) semaphore(%arg18 : memref<!tpu.dma_semaphore, #tpu.memory_space<semaphore_mem>>) {add = true}
    %dma_start3A_36 = arith.constant 3 : i32
    %dma_start3A_37 = arith.constant 0 : i32
    %dma_start3A_38 = tpu.memref_slice %arg7[%dma_start3A_36, %dma_start3A_37] : memref<125x80xi32, #tpu.memory_space<vmem>> -> memref<1x80xi32, #tpu.memory_space<vmem>>
    %dma_start3A_39 = tpu.memref_squeeze %dma_start3A_38 : memref<1x80xi32, #tpu.memory_space<vmem>> -> memref<80xi32, #tpu.memory_space<vmem>>
    %dma_start3A_40 = arith.constant 0 : i32
    %dma_start3A_41 = arith.constant 0 : i32
    %dma_start3A_42 = tpu.memref_slice %arg2[%dma_start3A_40, %dma_start3A_41] : memref<10240x32xf32, #tpu.memory_space<hbm>> -> memref<10240x32xf32, #tpu.memory_space<hbm>>
    tpu.enqueue_indirect_dma source(%dma_start3A_42 : memref<10240x32xf32, #tpu.memory_space<hbm>>) target(%arg12 : memref<80x32xf32, #tpu.memory_space<vmem>>) offsets(%dma_start3A_39 : memref<80xi32, #tpu.memory_space<vmem>>) semaphore(%arg17 : memref<!tpu.dma_semaphore, #tpu.memory_space<semaphore_mem>>)
    %dma_wait3A_43 = arith.constant 0 : i32
    %dma_wait3A_44 = arith.constant 0 : i32
    %dma_wait3A_45 = tpu.memref_slice %arg7[%dma_wait3A_43, %dma_wait3A_44] : memref<125x80xi32, #tpu.memory_space<vmem>> -> memref<1x80xi32, #tpu.memory_space<vmem>>
    %dma_wait3A_46 = tpu.memref_squeeze %dma_wait3A_45 : memref<1x80xi32, #tpu.memory_space<vmem>> -> memref<80xi32, #tpu.memory_space<vmem>>
    %dma_wait3A_47 = arith.constant 0 : i32
    %dma_wait3A_48 = arith.constant 0 : i32
    %dma_wait3A_49 = tpu.memref_slice %arg2[%dma_wait3A_47, %dma_wait3A_48] : memref<10240x32xf32, #tpu.memory_space<hbm>> -> memref<10240x32xf32, #tpu.memory_space<hbm>>
    tpu.wait_indirect_dma semaphore(%arg15 : memref<!tpu.dma_semaphore, #tpu.memory_space<semaphore_mem>>) src(%dma_wait3A_49 : memref<10240x32xf32, #tpu.memory_space<hbm>>) dst(%arg10 : memref<80x32xf32, #tpu.memory_space<vmem>>)
    %dma_start3A_50 = arith.constant 1 : i32
    %dma_start3A_51 = arith.constant 0 : i32
    %dma_start3A_52 = tpu.memref_slice %arg8[%dma_start3A_50, %dma_start3A_51] : memref<125x80xi32, #tpu.memory_space<vmem>> -> memref<1x80xi32, #tpu.memory_space<vmem>>
    %dma_start3A_53 = tpu.memref_squeeze %dma_start3A_52 : memref<1x80xi32, #tpu.memory_space<vmem>> -> memref<80xi32, #tpu.memory_space<vmem>>
    %dma_start3A_54 = arith.constant 0 : i32
    %dma_start3A_55 = arith.constant 0 : i32
    %dma_start3A_56 = tpu.memref_slice %arg13[%dma_start3A_54, %dma_start3A_55] : memref<10240x32xf32, #tpu.memory_space<vmem_shared>> -> memref<10240x32xf32, #tpu.memory_space<vmem_shared>>
    tpu.enqueue_indirect_dma source(%arg10 : memref<80x32xf32, #tpu.memory_space<vmem>>) target(%dma_start3A_56 : memref<10240x32xf32, #tpu.memory_space<vmem_shared>>) offsets(%dma_start3A_53 : memref<80xi32, #tpu.memory_space<vmem>>) semaphore(%arg19 : memref<!tpu.dma_semaphore, #tpu.memory_space<semaphore_mem>>) {add = true}
    %scan3A = arith.constant 0 : i32
    %scan3A_57 = arith.constant 0 : i32
    %scan3A_58 = arith.constant 30 : i32
    %scan3A_59 = arith.addi %scan3A_57, %scan3A_58 : i32
    %scan3A_60 = arith.constant 1 : i32
    scf.for %scan3A_147 = %scan3A_57 to %scan3A_59 step %scan3A_60  : i32 {
      %mul3A_148 = arith.constant 4 : i32
      %mul3A_149 = arith.muli %mul3A_148, %scan3A_147 : i32
      %add3A_150 = arith.constant 2 : i32
      %add3A_151 = arith.addi %mul3A_149, %add3A_150 : i32
      %add3A_152 = arith.constant 0 : i32
      %add3A_153 = arith.addi %add3A_151, %add3A_152 : i32
      %dma_wait3A_154 = arith.constant 0 : i32
      %dma_wait3A_155 = arith.constant 0 : i32
      %dma_wait3A_156 = tpu.memref_slice %arg7[%dma_wait3A_154, %dma_wait3A_155] : memref<125x80xi32, #tpu.memory_space<vmem>> -> memref<1x80xi32, #tpu.memory_space<vmem>>
      %dma_wait3A_157 = tpu.memref_squeeze %dma_wait3A_156 : memref<1x80xi32, #tpu.memory_space<vmem>> -> memref<80xi32, #tpu.memory_space<vmem>>
      %dma_wait3A_158 = arith.constant 0 : i32
      %dma_wait3A_159 = arith.constant 0 : i32
      %dma_wait3A_160 = tpu.memref_slice %arg2[%dma_wait3A_158, %dma_wait3A_159] : memref<10240x32xf32, #tpu.memory_space<hbm>> -> memref<10240x32xf32, #tpu.memory_space<hbm>>
      tpu.wait_indirect_dma semaphore(%arg18 : memref<!tpu.dma_semaphore, #tpu.memory_space<semaphore_mem>>) src(%dma_wait3A_160 : memref<10240x32xf32, #tpu.memory_space<hbm>>) dst(%arg9 : memref<80x32xf32, #tpu.memory_space<vmem>>)
      %add3A_161 = arith.constant 2 : i32
      %add3A_162 = arith.addi %add3A_153, %add3A_161 : i32
      %dma_start3A_163 = arith.constant 0 : i32
      %dma_start3A_164 = tpu.memref_slice %arg7[%add3A_162, %dma_start3A_163] : memref<125x80xi32, #tpu.memory_space<vmem>> -> memref<1x80xi32, #tpu.memory_space<vmem>>
      %dma_start3A_165 = tpu.memref_squeeze %dma_start3A_164 : memref<1x80xi32, #tpu.memory_space<vmem>> -> memref<80xi32, #tpu.memory_space<vmem>>
      %dma_start3A_166 = arith.constant 0 : i32
      %dma_start3A_167 = arith.constant 0 : i32
      %dma_start3A_168 = tpu.memref_slice %arg2[%dma_start3A_166, %dma_start3A_167] : memref<10240x32xf32, #tpu.memory_space<hbm>> -> memref<10240x32xf32, #tpu.memory_space<hbm>>
      tpu.enqueue_indirect_dma source(%dma_start3A_168 : memref<10240x32xf32, #tpu.memory_space<hbm>>) target(%arg9 : memref<80x32xf32, #tpu.memory_space<vmem>>) offsets(%dma_start3A_165 : memref<80xi32, #tpu.memory_space<vmem>>) semaphore(%arg14 : memref<!tpu.dma_semaphore, #tpu.memory_space<semaphore_mem>>)
      %dma_wait3A_169 = arith.constant 0 : i32
      %dma_wait3A_170 = arith.constant 0 : i32
      %dma_wait3A_171 = tpu.memref_slice %arg7[%dma_wait3A_169, %dma_wait3A_170] : memref<125x80xi32, #tpu.memory_space<vmem>> -> memref<1x80xi32, #tpu.memory_space<vmem>>
      %dma_wait3A_172 = tpu.memref_squeeze %dma_wait3A_171 : memref<1x80xi32, #tpu.memory_space<vmem>> -> memref<80xi32, #tpu.memory_space<vmem>>
      %dma_wait3A_173 = arith.constant 0 : i32
      %dma_wait3A_174 = arith.constant 0 : i32
      %dma_wait3A_175 = tpu.memref_slice %arg2[%dma_wait3A_173, %dma_wait3A_174] : memref<10240x32xf32, #tpu.memory_space<hbm>> -> memref<10240x32xf32, #tpu.memory_space<hbm>>
      tpu.wait_indirect_dma semaphore(%arg16 : memref<!tpu.dma_semaphore, #tpu.memory_space<semaphore_mem>>) src(%dma_wait3A_175 : memref<10240x32xf32, #tpu.memory_space<hbm>>) dst(%arg11 : memref<80x32xf32, #tpu.memory_space<vmem>>)
      %dma_start3A_176 = arith.constant 0 : i32
      %dma_start3A_177 = tpu.memref_slice %arg8[%add3A_153, %dma_start3A_176] : memref<125x80xi32, #tpu.memory_space<vmem>> -> memref<1x80xi32, #tpu.memory_space<vmem>>
      %dma_start3A_178 = tpu.memref_squeeze %dma_start3A_177 : memref<1x80xi32, #tpu.memory_space<vmem>> -> memref<80xi32, #tpu.memory_space<vmem>>
      %dma_start3A_179 = arith.constant 0 : i32
      %dma_start3A_180 = arith.constant 0 : i32
      %dma_start3A_181 = tpu.memref_slice %arg13[%dma_start3A_179, %dma_start3A_180] : memref<10240x32xf32, #tpu.memory_space<vmem_shared>> -> memref<10240x32xf32, #tpu.memory_space<vmem_shared>>
      tpu.enqueue_indirect_dma source(%arg11 : memref<80x32xf32, #tpu.memory_space<vmem>>) target(%dma_start3A_181 : memref<10240x32xf32, #tpu.memory_space<vmem_shared>>) offsets(%dma_start3A_178 : memref<80xi32, #tpu.memory_space<vmem>>) semaphore(%arg20 : memref<!tpu.dma_semaphore, #tpu.memory_space<semaphore_mem>>) {add = true}
      %add3A_182 = arith.constant 1 : i32
      %add3A_183 = arith.addi %add3A_151, %add3A_182 : i32
      %dma_wait3A_184 = arith.constant 0 : i32
      %dma_wait3A_185 = arith.constant 0 : i32
      %dma_wait3A_186 = tpu.memref_slice %arg7[%dma_wait3A_184, %dma_wait3A_185] : memref<125x80xi32, #tpu.memory_space<vmem>> -> memref<1x80xi32, #tpu.memory_space<vmem>>
      %dma_wait3A_187 = tpu.memref_squeeze %dma_wait3A_186 : memref<1x80xi32, #tpu.memory_space<vmem>> -> memref<80xi32, #tpu.memory_space<vmem>>
      %dma_wait3A_188 = arith.constant 0 : i32
      %dma_wait3A_189 = arith.constant 0 : i32
      %dma_wait3A_190 = tpu.memref_slice %arg2[%dma_wait3A_188, %dma_wait3A_189] : memref<10240x32xf32, #tpu.memory_space<hbm>> -> memref<10240x32xf32, #tpu.memory_space<hbm>>
      tpu.wait_indirect_dma semaphore(%arg19 : memref<!tpu.dma_semaphore, #tpu.memory_space<semaphore_mem>>) src(%dma_wait3A_190 : memref<10240x32xf32, #tpu.memory_space<hbm>>) dst(%arg10 : memref<80x32xf32, #tpu.memory_space<vmem>>)
      %add3A_191 = arith.constant 2 : i32
      %add3A_192 = arith.addi %add3A_183, %add3A_191 : i32
      %dma_start3A_193 = arith.constant 0 : i32
      %dma_start3A_194 = tpu.memref_slice %arg7[%add3A_192, %dma_start3A_193] : memref<125x80xi32, #tpu.memory_space<vmem>> -> memref<1x80xi32, #tpu.memory_space<vmem>>
      %dma_start3A_195 = tpu.memref_squeeze %dma_start3A_194 : memref<1x80xi32, #tpu.memory_space<vmem>> -> memref<80xi32, #tpu.memory_space<vmem>>
      %dma_start3A_196 = arith.constant 0 : i32
      %dma_start3A_197 = arith.constant 0 : i32
      %dma_start3A_198 = tpu.memref_slice %arg2[%dma_start3A_196, %dma_start3A_197] : memref<10240x32xf32, #tpu.memory_space<hbm>> -> memref<10240x32xf32, #tpu.memory_space<hbm>>
      tpu.enqueue_indirect_dma source(%dma_start3A_198 : memref<10240x32xf32, #tpu.memory_space<hbm>>) target(%arg10 : memref<80x32xf32, #tpu.memory_space<vmem>>) offsets(%dma_start3A_195 : memref<80xi32, #tpu.memory_space<vmem>>) semaphore(%arg15 : memref<!tpu.dma_semaphore, #tpu.memory_space<semaphore_mem>>)
      %dma_wait3A_199 = arith.constant 0 : i32
      %dma_wait3A_200 = arith.constant 0 : i32
      %dma_wait3A_201 = tpu.memref_slice %arg7[%dma_wait3A_199, %dma_wait3A_200] : memref<125x80xi32, #tpu.memory_space<vmem>> -> memref<1x80xi32, #tpu.memory_space<vmem>>
      %dma_wait3A_202 = tpu.memref_squeeze %dma_wait3A_201 : memref<1x80xi32, #tpu.memory_space<vmem>> -> memref<80xi32, #tpu.memory_space<vmem>>
      %dma_wait3A_203 = arith.constant 0 : i32
      %dma_wait3A_204 = arith.constant 0 : i32
      %dma_wait3A_205 = tpu.memref_slice %arg2[%dma_wait3A_203, %dma_wait3A_204] : memref<10240x32xf32, #tpu.memory_space<hbm>> -> memref<10240x32xf32, #tpu.memory_space<hbm>>
      tpu.wait_indirect_dma semaphore(%arg17 : memref<!tpu.dma_semaphore, #tpu.memory_space<semaphore_mem>>) src(%dma_wait3A_205 : memref<10240x32xf32, #tpu.memory_space<hbm>>) dst(%arg12 : memref<80x32xf32, #tpu.memory_space<vmem>>)
      %dma_start3A_206 = arith.constant 0 : i32
      %dma_start3A_207 = tpu.memref_slice %arg8[%add3A_183, %dma_start3A_206] : memref<125x80xi32, #tpu.memory_space<vmem>> -> memref<1x80xi32, #tpu.memory_space<vmem>>
      %dma_start3A_208 = tpu.memref_squeeze %dma_start3A_207 : memref<1x80xi32, #tpu.memory_space<vmem>> -> memref<80xi32, #tpu.memory_space<vmem>>
      %dma_start3A_209 = arith.constant 0 : i32
      %dma_start3A_210 = arith.constant 0 : i32
      %dma_start3A_211 = tpu.memref_slice %arg13[%dma_start3A_209, %dma_start3A_210] : memref<10240x32xf32, #tpu.memory_space<vmem_shared>> -> memref<10240x32xf32, #tpu.memory_space<vmem_shared>>
      tpu.enqueue_indirect_dma source(%arg12 : memref<80x32xf32, #tpu.memory_space<vmem>>) target(%dma_start3A_211 : memref<10240x32xf32, #tpu.memory_space<vmem_shared>>) offsets(%dma_start3A_208 : memref<80xi32, #tpu.memory_space<vmem>>) semaphore(%arg21 : memref<!tpu.dma_semaphore, #tpu.memory_space<semaphore_mem>>) {add = true}
      %add3A_212 = arith.constant 2 : i32
      %add3A_213 = arith.addi %add3A_151, %add3A_212 : i32
      %dma_wait3A_214 = arith.constant 0 : i32
      %dma_wait3A_215 = arith.constant 0 : i32
      %dma_wait3A_216 = tpu.memref_slice %arg7[%dma_wait3A_214, %dma_wait3A_215] : memref<125x80xi32, #tpu.memory_space<vmem>> -> memref<1x80xi32, #tpu.memory_space<vmem>>
      %dma_wait3A_217 = tpu.memref_squeeze %dma_wait3A_216 : memref<1x80xi32, #tpu.memory_space<vmem>> -> memref<80xi32, #tpu.memory_space<vmem>>
      %dma_wait3A_218 = arith.constant 0 : i32
      %dma_wait3A_219 = arith.constant 0 : i32
      %dma_wait3A_220 = tpu.memref_slice %arg2[%dma_wait3A_218, %dma_wait3A_219] : memref<10240x32xf32, #tpu.memory_space<hbm>> -> memref<10240x32xf32, #tpu.memory_space<hbm>>
      tpu.wait_indirect_dma semaphore(%arg20 : memref<!tpu.dma_semaphore, #tpu.memory_space<semaphore_mem>>) src(%dma_wait3A_220 : memref<10240x32xf32, #tpu.memory_space<hbm>>) dst(%arg11 : memref<80x32xf32, #tpu.memory_space<vmem>>)
      %add3A_221 = arith.constant 2 : i32
      %add3A_222 = arith.addi %add3A_213, %add3A_221 : i32
      %dma_start3A_223 = arith.constant 0 : i32
      %dma_start3A_224 = tpu.memref_slice %arg7[%add3A_222, %dma_start3A_223] : memref<125x80xi32, #tpu.memory_space<vmem>> -> memref<1x80xi32, #tpu.memory_space<vmem>>
      %dma_start3A_225 = tpu.memref_squeeze %dma_start3A_224 : memref<1x80xi32, #tpu.memory_space<vmem>> -> memref<80xi32, #tpu.memory_space<vmem>>
      %dma_start3A_226 = arith.constant 0 : i32
      %dma_start3A_227 = arith.constant 0 : i32
      %dma_start3A_228 = tpu.memref_slice %arg2[%dma_start3A_226, %dma_start3A_227] : memref<10240x32xf32, #tpu.memory_space<hbm>> -> memref<10240x32xf32, #tpu.memory_space<hbm>>
      tpu.enqueue_indirect_dma source(%dma_start3A_228 : memref<10240x32xf32, #tpu.memory_space<hbm>>) target(%arg11 : memref<80x32xf32, #tpu.memory_space<vmem>>) offsets(%dma_start3A_225 : memref<80xi32, #tpu.memory_space<vmem>>) semaphore(%arg16 : memref<!tpu.dma_semaphore, #tpu.memory_space<semaphore_mem>>)
      %dma_wait3A_229 = arith.constant 0 : i32
      %dma_wait3A_230 = arith.constant 0 : i32
      %dma_wait3A_231 = tpu.memref_slice %arg7[%dma_wait3A_229, %dma_wait3A_230] : memref<125x80xi32, #tpu.memory_space<vmem>> -> memref<1x80xi32, #tpu.memory_space<vmem>>
      %dma_wait3A_232 = tpu.memref_squeeze %dma_wait3A_231 : memref<1x80xi32, #tpu.memory_space<vmem>> -> memref<80xi32, #tpu.memory_space<vmem>>
      %dma_wait3A_233 = arith.constant 0 : i32
      %dma_wait3A_234 = arith.constant 0 : i32
      %dma_wait3A_235 = tpu.memref_slice %arg2[%dma_wait3A_233, %dma_wait3A_234] : memref<10240x32xf32, #tpu.memory_space<hbm>> -> memref<10240x32xf32, #tpu.memory_space<hbm>>
      tpu.wait_indirect_dma semaphore(%arg14 : memref<!tpu.dma_semaphore, #tpu.memory_space<semaphore_mem>>) src(%dma_wait3A_235 : memref<10240x32xf32, #tpu.memory_space<hbm>>) dst(%arg9 : memref<80x32xf32, #tpu.memory_space<vmem>>)
      %dma_start3A_236 = arith.constant 0 : i32
      %dma_start3A_237 = tpu.memref_slice %arg8[%add3A_213, %dma_start3A_236] : memref<125x80xi32, #tpu.memory_space<vmem>> -> memref<1x80xi32, #tpu.memory_space<vmem>>
      %dma_start3A_238 = tpu.memref_squeeze %dma_start3A_237 : memref<1x80xi32, #tpu.memory_space<vmem>> -> memref<80xi32, #tpu.memory_space<vmem>>
      %dma_start3A_239 = arith.constant 0 : i32
      %dma_start3A_240 = arith.constant 0 : i32
      %dma_start3A_241 = tpu.memref_slice %arg13[%dma_start3A_239, %dma_start3A_240] : memref<10240x32xf32, #tpu.memory_space<vmem_shared>> -> memref<10240x32xf32, #tpu.memory_space<vmem_shared>>
      tpu.enqueue_indirect_dma source(%arg9 : memref<80x32xf32, #tpu.memory_space<vmem>>) target(%dma_start3A_241 : memref<10240x32xf32, #tpu.memory_space<vmem_shared>>) offsets(%dma_start3A_238 : memref<80xi32, #tpu.memory_space<vmem>>) semaphore(%arg18 : memref<!tpu.dma_semaphore, #tpu.memory_space<semaphore_mem>>) {add = true}
      %add3A_242 = arith.constant 3 : i32
      %add3A_243 = arith.addi %add3A_151, %add3A_242 : i32
      %dma_wait3A_244 = arith.constant 0 : i32
      %dma_wait3A_245 = arith.constant 0 : i32
      %dma_wait3A_246 = tpu.memref_slice %arg7[%dma_wait3A_244, %dma_wait3A_245] : memref<125x80xi32, #tpu.memory_space<vmem>> -> memref<1x80xi32, #tpu.memory_space<vmem>>
      %dma_wait3A_247 = tpu.memref_squeeze %dma_wait3A_246 : memref<1x80xi32, #tpu.memory_space<vmem>> -> memref<80xi32, #tpu.memory_space<vmem>>
      %dma_wait3A_248 = arith.constant 0 : i32
      %dma_wait3A_249 = arith.constant 0 : i32
      %dma_wait3A_250 = tpu.memref_slice %arg2[%dma_wait3A_248, %dma_wait3A_249] : memref<10240x32xf32, #tpu.memory_space<hbm>> -> memref<10240x32xf32, #tpu.memory_space<hbm>>
      tpu.wait_indirect_dma semaphore(%arg21 : memref<!tpu.dma_semaphore, #tpu.memory_space<semaphore_mem>>) src(%dma_wait3A_250 : memref<10240x32xf32, #tpu.memory_space<hbm>>) dst(%arg12 : memref<80x32xf32, #tpu.memory_space<vmem>>)
      %add3A_251 = arith.constant 2 : i32
      %add3A_252 = arith.addi %add3A_243, %add3A_251 : i32
      %dma_start3A_253 = arith.constant 0 : i32
      %dma_start3A_254 = tpu.memref_slice %arg7[%add3A_252, %dma_start3A_253] : memref<125x80xi32, #tpu.memory_space<vmem>> -> memref<1x80xi32, #tpu.memory_space<vmem>>
      %dma_start3A_255 = tpu.memref_squeeze %dma_start3A_254 : memref<1x80xi32, #tpu.memory_space<vmem>> -> memref<80xi32, #tpu.memory_space<vmem>>
      %dma_start3A_256 = arith.constant 0 : i32
      %dma_start3A_257 = arith.constant 0 : i32
      %dma_start3A_258 = tpu.memref_slice %arg2[%dma_start3A_256, %dma_start3A_257] : memref<10240x32xf32, #tpu.memory_space<hbm>> -> memref<10240x32xf32, #tpu.memory_space<hbm>>
      tpu.enqueue_indirect_dma source(%dma_start3A_258 : memref<10240x32xf32, #tpu.memory_space<hbm>>) target(%arg12 : memref<80x32xf32, #tpu.memory_space<vmem>>) offsets(%dma_start3A_255 : memref<80xi32, #tpu.memory_space<vmem>>) semaphore(%arg17 : memref<!tpu.dma_semaphore, #tpu.memory_space<semaphore_mem>>)
      %dma_wait3A_259 = arith.constant 0 : i32
      %dma_wait3A_260 = arith.constant 0 : i32
      %dma_wait3A_261 = tpu.memref_slice %arg7[%dma_wait3A_259, %dma_wait3A_260] : memref<125x80xi32, #tpu.memory_space<vmem>> -> memref<1x80xi32, #tpu.memory_space<vmem>>
      %dma_wait3A_262 = tpu.memref_squeeze %dma_wait3A_261 : memref<1x80xi32, #tpu.memory_space<vmem>> -> memref<80xi32, #tpu.memory_space<vmem>>
      %dma_wait3A_263 = arith.constant 0 : i32
      %dma_wait3A_264 = arith.constant 0 : i32
      %dma_wait3A_265 = tpu.memref_slice %arg2[%dma_wait3A_263, %dma_wait3A_264] : memref<10240x32xf32, #tpu.memory_space<hbm>> -> memref<10240x32xf32, #tpu.memory_space<hbm>>
      tpu.wait_indirect_dma semaphore(%arg15 : memref<!tpu.dma_semaphore, #tpu.memory_space<semaphore_mem>>) src(%dma_wait3A_265 : memref<10240x32xf32, #tpu.memory_space<hbm>>) dst(%arg10 : memref<80x32xf32, #tpu.memory_space<vmem>>)
      %dma_start3A_266 = arith.constant 0 : i32
      %dma_start3A_267 = tpu.memref_slice %arg8[%add3A_243, %dma_start3A_266] : memref<125x80xi32, #tpu.memory_space<vmem>> -> memref<1x80xi32, #tpu.memory_space<vmem>>
      %dma_start3A_268 = tpu.memref_squeeze %dma_start3A_267 : memref<1x80xi32, #tpu.memory_space<vmem>> -> memref<80xi32, #tpu.memory_space<vmem>>
      %dma_start3A_269 = arith.constant 0 : i32
      %dma_start3A_270 = arith.constant 0 : i32
      %dma_start3A_271 = tpu.memref_slice %arg13[%dma_start3A_269, %dma_start3A_270] : memref<10240x32xf32, #tpu.memory_space<vmem_shared>> -> memref<10240x32xf32, #tpu.memory_space<vmem_shared>>
      tpu.enqueue_indirect_dma source(%arg10 : memref<80x32xf32, #tpu.memory_space<vmem>>) target(%dma_start3A_271 : memref<10240x32xf32, #tpu.memory_space<vmem_shared>>) offsets(%dma_start3A_268 : memref<80xi32, #tpu.memory_space<vmem>>) semaphore(%arg19 : memref<!tpu.dma_semaphore, #tpu.memory_space<semaphore_mem>>) {add = true}
    }
    %scan3A_61 = arith.constant 30 : i32
    %dma_wait3A_62 = arith.constant 0 : i32
    %dma_wait3A_63 = arith.constant 0 : i32
    %dma_wait3A_64 = tpu.memref_slice %arg7[%dma_wait3A_62, %dma_wait3A_63] : memref<125x80xi32, #tpu.memory_space<vmem>> -> memref<1x80xi32, #tpu.memory_space<vmem>>
    %dma_wait3A_65 = tpu.memref_squeeze %dma_wait3A_64 : memref<1x80xi32, #tpu.memory_space<vmem>> -> memref<80xi32, #tpu.memory_space<vmem>>
    %dma_wait3A_66 = arith.constant 0 : i32
    %dma_wait3A_67 = arith.constant 0 : i32
    %dma_wait3A_68 = tpu.memref_slice %arg2[%dma_wait3A_66, %dma_wait3A_67] : memref<10240x32xf32, #tpu.memory_space<hbm>> -> memref<10240x32xf32, #tpu.memory_space<hbm>>
    tpu.wait_indirect_dma semaphore(%arg18 : memref<!tpu.dma_semaphore, #tpu.memory_space<semaphore_mem>>) src(%dma_wait3A_68 : memref<10240x32xf32, #tpu.memory_space<hbm>>) dst(%arg9 : memref<80x32xf32, #tpu.memory_space<vmem>>)
    %dma_start3A_69 = arith.constant 124 : i32
    %dma_start3A_70 = arith.constant 0 : i32
    %dma_start3A_71 = tpu.memref_slice %arg7[%dma_start3A_69, %dma_start3A_70] : memref<125x80xi32, #tpu.memory_space<vmem>> -> memref<1x80xi32, #tpu.memory_space<vmem>>
    %dma_start3A_72 = tpu.memref_squeeze %dma_start3A_71 : memref<1x80xi32, #tpu.memory_space<vmem>> -> memref<80xi32, #tpu.memory_space<vmem>>
    %dma_start3A_73 = arith.constant 0 : i32
    %dma_start3A_74 = arith.constant 0 : i32
    %dma_start3A_75 = tpu.memref_slice %arg2[%dma_start3A_73, %dma_start3A_74] : memref<10240x32xf32, #tpu.memory_space<hbm>> -> memref<10240x32xf32, #tpu.memory_space<hbm>>
    tpu.enqueue_indirect_dma source(%dma_start3A_75 : memref<10240x32xf32, #tpu.memory_space<hbm>>) target(%arg9 : memref<80x32xf32, #tpu.memory_space<vmem>>) offsets(%dma_start3A_72 : memref<80xi32, #tpu.memory_space<vmem>>) semaphore(%arg14 : memref<!tpu.dma_semaphore, #tpu.memory_space<semaphore_mem>>)
    %dma_wait3A_76 = arith.constant 0 : i32
    %dma_wait3A_77 = arith.constant 0 : i32
    %dma_wait3A_78 = tpu.memref_slice %arg7[%dma_wait3A_76, %dma_wait3A_77] : memref<125x80xi32, #tpu.memory_space<vmem>> -> memref<1x80xi32, #tpu.memory_space<vmem>>
    %dma_wait3A_79 = tpu.memref_squeeze %dma_wait3A_78 : memref<1x80xi32, #tpu.memory_space<vmem>> -> memref<80xi32, #tpu.memory_space<vmem>>
    %dma_wait3A_80 = arith.constant 0 : i32
    %dma_wait3A_81 = arith.constant 0 : i32
    %dma_wait3A_82 = tpu.memref_slice %arg2[%dma_wait3A_80, %dma_wait3A_81] : memref<10240x32xf32, #tpu.memory_space<hbm>> -> memref<10240x32xf32, #tpu.memory_space<hbm>>
    tpu.wait_indirect_dma semaphore(%arg16 : memref<!tpu.dma_semaphore, #tpu.memory_space<semaphore_mem>>) src(%dma_wait3A_82 : memref<10240x32xf32, #tpu.memory_space<hbm>>) dst(%arg11 : memref<80x32xf32, #tpu.memory_space<vmem>>)
    %dma_start3A_83 = arith.constant 122 : i32
    %dma_start3A_84 = arith.constant 0 : i32
    %dma_start3A_85 = tpu.memref_slice %arg8[%dma_start3A_83, %dma_start3A_84] : memref<125x80xi32, #tpu.memory_space<vmem>> -> memref<1x80xi32, #tpu.memory_space<vmem>>
    %dma_start3A_86 = tpu.memref_squeeze %dma_start3A_85 : memref<1x80xi32, #tpu.memory_space<vmem>> -> memref<80xi32, #tpu.memory_space<vmem>>
    %dma_start3A_87 = arith.constant 0 : i32
    %dma_start3A_88 = arith.constant 0 : i32
    %dma_start3A_89 = tpu.memref_slice %arg13[%dma_start3A_87, %dma_start3A_88] : memref<10240x32xf32, #tpu.memory_space<vmem_shared>> -> memref<10240x32xf32, #tpu.memory_space<vmem_shared>>
    tpu.enqueue_indirect_dma source(%arg11 : memref<80x32xf32, #tpu.memory_space<vmem>>) target(%dma_start3A_89 : memref<10240x32xf32, #tpu.memory_space<vmem_shared>>) offsets(%dma_start3A_86 : memref<80xi32, #tpu.memory_space<vmem>>) semaphore(%arg20 : memref<!tpu.dma_semaphore, #tpu.memory_space<semaphore_mem>>) {add = true}
    %dma_wait3A_90 = arith.constant 0 : i32
    %dma_wait3A_91 = arith.constant 0 : i32
    %dma_wait3A_92 = tpu.memref_slice %arg7[%dma_wait3A_90, %dma_wait3A_91] : memref<125x80xi32, #tpu.memory_space<vmem>> -> memref<1x80xi32, #tpu.memory_space<vmem>>
    %dma_wait3A_93 = tpu.memref_squeeze %dma_wait3A_92 : memref<1x80xi32, #tpu.memory_space<vmem>> -> memref<80xi32, #tpu.memory_space<vmem>>
    %dma_wait3A_94 = arith.constant 0 : i32
    %dma_wait3A_95 = arith.constant 0 : i32
    %dma_wait3A_96 = tpu.memref_slice %arg2[%dma_wait3A_94, %dma_wait3A_95] : memref<10240x32xf32, #tpu.memory_space<hbm>> -> memref<10240x32xf32, #tpu.memory_space<hbm>>
    tpu.wait_indirect_dma semaphore(%arg19 : memref<!tpu.dma_semaphore, #tpu.memory_space<semaphore_mem>>) src(%dma_wait3A_96 : memref<10240x32xf32, #tpu.memory_space<hbm>>) dst(%arg10 : memref<80x32xf32, #tpu.memory_space<vmem>>)
    %dma_wait3A_97 = arith.constant 0 : i32
    %dma_wait3A_98 = arith.constant 0 : i32
    %dma_wait3A_99 = tpu.memref_slice %arg7[%dma_wait3A_97, %dma_wait3A_98] : memref<125x80xi32, #tpu.memory_space<vmem>> -> memref<1x80xi32, #tpu.memory_space<vmem>>
    %dma_wait3A_100 = tpu.memref_squeeze %dma_wait3A_99 : memref<1x80xi32, #tpu.memory_space<vmem>> -> memref<80xi32, #tpu.memory_space<vmem>>
    %dma_wait3A_101 = arith.constant 0 : i32
    %dma_wait3A_102 = arith.constant 0 : i32
    %dma_wait3A_103 = tpu.memref_slice %arg2[%dma_wait3A_101, %dma_wait3A_102] : memref<10240x32xf32, #tpu.memory_space<hbm>> -> memref<10240x32xf32, #tpu.memory_space<hbm>>
    tpu.wait_indirect_dma semaphore(%arg17 : memref<!tpu.dma_semaphore, #tpu.memory_space<semaphore_mem>>) src(%dma_wait3A_103 : memref<10240x32xf32, #tpu.memory_space<hbm>>) dst(%arg12 : memref<80x32xf32, #tpu.memory_space<vmem>>)
    %dma_start3A_104 = arith.constant 123 : i32
    %dma_start3A_105 = arith.constant 0 : i32
    %dma_start3A_106 = tpu.memref_slice %arg8[%dma_start3A_104, %dma_start3A_105] : memref<125x80xi32, #tpu.memory_space<vmem>> -> memref<1x80xi32, #tpu.memory_space<vmem>>
    %dma_start3A_107 = tpu.memref_squeeze %dma_start3A_106 : memref<1x80xi32, #tpu.memory_space<vmem>> -> memref<80xi32, #tpu.memory_space<vmem>>
    %dma_start3A_108 = arith.constant 0 : i32
    %dma_start3A_109 = arith.constant 0 : i32
    %dma_start3A_110 = tpu.memref_slice %arg13[%dma_start3A_108, %dma_start3A_109] : memref<10240x32xf32, #tpu.memory_space<vmem_shared>> -> memref<10240x32xf32, #tpu.memory_space<vmem_shared>>
    tpu.enqueue_indirect_dma source(%arg12 : memref<80x32xf32, #tpu.memory_space<vmem>>) target(%dma_start3A_110 : memref<10240x32xf32, #tpu.memory_space<vmem_shared>>) offsets(%dma_start3A_107 : memref<80xi32, #tpu.memory_space<vmem>>) semaphore(%arg21 : memref<!tpu.dma_semaphore, #tpu.memory_space<semaphore_mem>>) {add = true}
    %dma_wait3A_111 = arith.constant 0 : i32
    %dma_wait3A_112 = arith.constant 0 : i32
    %dma_wait3A_113 = tpu.memref_slice %arg7[%dma_wait3A_111, %dma_wait3A_112] : memref<125x80xi32, #tpu.memory_space<vmem>> -> memref<1x80xi32, #tpu.memory_space<vmem>>
    %dma_wait3A_114 = tpu.memref_squeeze %dma_wait3A_113 : memref<1x80xi32, #tpu.memory_space<vmem>> -> memref<80xi32, #tpu.memory_space<vmem>>
    %dma_wait3A_115 = arith.constant 0 : i32
    %dma_wait3A_116 = arith.constant 0 : i32
    %dma_wait3A_117 = tpu.memref_slice %arg2[%dma_wait3A_115, %dma_wait3A_116] : memref<10240x32xf32, #tpu.memory_space<hbm>> -> memref<10240x32xf32, #tpu.memory_space<hbm>>
    tpu.wait_indirect_dma semaphore(%arg20 : memref<!tpu.dma_semaphore, #tpu.memory_space<semaphore_mem>>) src(%dma_wait3A_117 : memref<10240x32xf32, #tpu.memory_space<hbm>>) dst(%arg11 : memref<80x32xf32, #tpu.memory_space<vmem>>)
    %dma_wait3A_118 = arith.constant 0 : i32
    %dma_wait3A_119 = arith.constant 0 : i32
    %dma_wait3A_120 = tpu.memref_slice %arg7[%dma_wait3A_118, %dma_wait3A_119] : memref<125x80xi32, #tpu.memory_space<vmem>> -> memref<1x80xi32, #tpu.memory_space<vmem>>
    %dma_wait3A_121 = tpu.memref_squeeze %dma_wait3A_120 : memref<1x80xi32, #tpu.memory_space<vmem>> -> memref<80xi32, #tpu.memory_space<vmem>>
    %dma_wait3A_122 = arith.constant 0 : i32
    %dma_wait3A_123 = arith.constant 0 : i32
    %dma_wait3A_124 = tpu.memref_slice %arg2[%dma_wait3A_122, %dma_wait3A_123] : memref<10240x32xf32, #tpu.memory_space<hbm>> -> memref<10240x32xf32, #tpu.memory_space<hbm>>
    tpu.wait_indirect_dma semaphore(%arg14 : memref<!tpu.dma_semaphore, #tpu.memory_space<semaphore_mem>>) src(%dma_wait3A_124 : memref<10240x32xf32, #tpu.memory_space<hbm>>) dst(%arg9 : memref<80x32xf32, #tpu.memory_space<vmem>>)
    %dma_start3A_125 = arith.constant 124 : i32
    %dma_start3A_126 = arith.constant 0 : i32
    %dma_start3A_127 = tpu.memref_slice %arg8[%dma_start3A_125, %dma_start3A_126] : memref<125x80xi32, #tpu.memory_space<vmem>> -> memref<1x80xi32, #tpu.memory_space<vmem>>
    %dma_start3A_128 = tpu.memref_squeeze %dma_start3A_127 : memref<1x80xi32, #tpu.memory_space<vmem>> -> memref<80xi32, #tpu.memory_space<vmem>>
    %dma_start3A_129 = arith.constant 0 : i32
    %dma_start3A_130 = arith.constant 0 : i32
    %dma_start3A_131 = tpu.memref_slice %arg13[%dma_start3A_129, %dma_start3A_130] : memref<10240x32xf32, #tpu.memory_space<vmem_shared>> -> memref<10240x32xf32, #tpu.memory_space<vmem_shared>>
    tpu.enqueue_indirect_dma source(%arg9 : memref<80x32xf32, #tpu.memory_space<vmem>>) target(%dma_start3A_131 : memref<10240x32xf32, #tpu.memory_space<vmem_shared>>) offsets(%dma_start3A_128 : memref<80xi32, #tpu.memory_space<vmem>>) semaphore(%arg18 : memref<!tpu.dma_semaphore, #tpu.memory_space<semaphore_mem>>) {add = true}
    %dma_wait3A_132 = arith.constant 0 : i32
    %dma_wait3A_133 = arith.constant 0 : i32
    %dma_wait3A_134 = tpu.memref_slice %arg7[%dma_wait3A_132, %dma_wait3A_133] : memref<125x80xi32, #tpu.memory_space<vmem>> -> memref<1x80xi32, #tpu.memory_space<vmem>>
    %dma_wait3A_135 = tpu.memref_squeeze %dma_wait3A_134 : memref<1x80xi32, #tpu.memory_space<vmem>> -> memref<80xi32, #tpu.memory_space<vmem>>
    %dma_wait3A_136 = arith.constant 0 : i32
    %dma_wait3A_137 = arith.constant 0 : i32
    %dma_wait3A_138 = tpu.memref_slice %arg2[%dma_wait3A_136, %dma_wait3A_137] : memref<10240x32xf32, #tpu.memory_space<hbm>> -> memref<10240x32xf32, #tpu.memory_space<hbm>>
    tpu.wait_indirect_dma semaphore(%arg21 : memref<!tpu.dma_semaphore, #tpu.memory_space<semaphore_mem>>) src(%dma_wait3A_138 : memref<10240x32xf32, #tpu.memory_space<hbm>>) dst(%arg12 : memref<80x32xf32, #tpu.memory_space<vmem>>)
    %dma_wait3A_139 = arith.constant 0 : i32
    %dma_wait3A_140 = arith.constant 0 : i32
    %dma_wait3A_141 = tpu.memref_slice %arg7[%dma_wait3A_139, %dma_wait3A_140] : memref<125x80xi32, #tpu.memory_space<vmem>> -> memref<1x80xi32, #tpu.memory_space<vmem>>
    %dma_wait3A_142 = tpu.memref_squeeze %dma_wait3A_141 : memref<1x80xi32, #tpu.memory_space<vmem>> -> memref<80xi32, #tpu.memory_space<vmem>>
    %dma_wait3A_143 = arith.constant 0 : i32
    %dma_wait3A_144 = arith.constant 0 : i32
    %dma_wait3A_145 = tpu.memref_slice %arg2[%dma_wait3A_143, %dma_wait3A_144] : memref<10240x32xf32, #tpu.memory_space<hbm>> -> memref<10240x32xf32, #tpu.memory_space<hbm>>
    tpu.wait_indirect_dma semaphore(%arg18 : memref<!tpu.dma_semaphore, #tpu.memory_space<semaphore_mem>>) src(%dma_wait3A_145 : memref<10240x32xf32, #tpu.memory_space<hbm>>) dst(%arg9 : memref<80x32xf32, #tpu.memory_space<vmem>>)
    %barrier3A_146 = arith.constant 0 : index
    tpu.barrier barrier_id(%barrier3A_146)
    "tpu.region"() ({
      %run_scoped3A = tpu.sem_alloc : memref<!tpu.dma_semaphore, #tpu.memory_space<semaphore_mem>>
      %dma_start3A_147 = arith.constant 0 : i32
      %dma_start3A_148 = tpu.memref_slice %arg6[%arg0, %mul3A_2, %dma_start3A_147] : memref<2x10240x32xf32, #tpu.memory_space<hbm>> -> memref<1x640x32xf32, #tpu.memory_space<hbm>>
      %dma_start3A_149 = tpu.memref_squeeze %dma_start3A_148 : memref<1x640x32xf32, #tpu.memory_space<hbm>> -> memref<640x32xf32, #tpu.memory_space<hbm>>
      %dma_start3A_150 = arith.constant 0 : i32
      %dma_start3A_151 = tpu.memref_slice %arg13[%mul3A_2, %dma_start3A_150] : memref<10240x32xf32, #tpu.memory_space<vmem_shared>> -> memref<640x32xf32, #tpu.memory_space<vmem_shared>>
      tpu.enqueue_dma source(%dma_start3A_151 : memref<640x32xf32, #tpu.memory_space<vmem_shared>>) target(%dma_start3A_149 : memref<640x32xf32, #tpu.memory_space<hbm>>) target_semaphore(%run_scoped3A : memref<!tpu.dma_semaphore, #tpu.memory_space<semaphore_mem>>)
      %dma_wait3A_152 = arith.constant 0 : i32
      %dma_wait3A_153 = tpu.memref_slice %arg6[%arg0, %mul3A_2, %dma_wait3A_152] : memref<2x10240x32xf32, #tpu.memory_space<hbm>> -> memref<1x640x32xf32, #tpu.memory_space<hbm>>
      %dma_wait3A_154 = tpu.memref_squeeze %dma_wait3A_153 : memref<1x640x32xf32, #tpu.memory_space<hbm>> -> memref<640x32xf32, #tpu.memory_space<hbm>>
      %dma_wait3A_155 = arith.constant 0 : i32
      %dma_wait3A_156 = tpu.memref_slice %arg13[%mul3A_2, %dma_wait3A_155] : memref<10240x32xf32, #tpu.memory_space<vmem_shared>> -> memref<640x32xf32, #tpu.memory_space<vmem_shared>>
      tpu.wait_dma2 semaphore(%run_scoped3A : memref<!tpu.dma_semaphore, #tpu.memory_space<semaphore_mem>>) src(%dma_wait3A_156 : memref<640x32xf32, #tpu.memory_space<vmem_shared>>) dst(%dma_wait3A_154 : memref<640x32xf32, #tpu.memory_space<hbm>>)
      tpu.yield
    }) : () -> ()
    return
  }
}

#map = affine_map<(d0, d1) -> (0, 0, 0)>
#map1 = affine_map<(d0, d1) -> (0, 0)>
module attributes {stable_mosaic.version = 14 : i64} {
  func.func @_b1_body(%arg0: i32, %arg1: i32, %arg2: memref<2x10240x16xf32, #tpu.memory_space<hbm>>, %arg3: memref<10240x32xf32, #tpu.memory_space<hbm>>, %arg4: memref<10240x32xf32, #tpu.memory_space<hbm>>, %arg5: memref<10240x16xf32, #tpu.memory_space<hbm>>, %arg6: memref<320x16xf32, #tpu.memory_space<vmem>>, %arg7: memref<320x16xf32, #tpu.memory_space<vmem>>, %arg8: memref<320x32xf32, #tpu.memory_space<vmem>>, %arg9: memref<320x32xf32, #tpu.memory_space<vmem>>, %arg10: memref<320x16xf32, #tpu.memory_space<vmem>>) attributes {dimension_semantics = [#tpu.dimension_semantics<core_parallel>, #tpu.dimension_semantics<subcore_parallel>], iteration_bounds = array<i64: 2, 16>, scalar_prefetch = 0 : i64, scratch_operands = 5 : i64, tpu.core_type = #tpu.core_type<sc_vector_subcore>, window_params = [{transform_indices = #map}, {transform_indices = #map1}, {transform_indices = #map1}, {transform_indices = #map1}]} {
    %mul3A = arith.constant 16 : i32
    %mul3A_0 = arith.muli %arg0, %mul3A : i32
    %add3A = arith.addi %mul3A_0, %arg1 : i32
    %mul3A_1 = arith.constant 320 : i32
    %mul3A_2 = arith.muli %add3A, %mul3A_1 : i32
    %run_scoped3A = arith.constant 0 : i32
    "tpu.region"() ({
      %run_scoped3A_9 = tpu.sem_alloc : memref<!tpu.dma_semaphore, #tpu.memory_space<semaphore_mem>>
      %dma_start3A = arith.constant 0 : i32
      %dma_start3A_10 = tpu.memref_slice %arg2[%run_scoped3A, %mul3A_2, %dma_start3A] : memref<2x10240x16xf32, #tpu.memory_space<hbm>> -> memref<1x320x16xf32, #tpu.memory_space<hbm>>
      %dma_start3A_11 = tpu.memref_squeeze %dma_start3A_10 : memref<1x320x16xf32, #tpu.memory_space<hbm>> -> memref<320x16xf32, #tpu.memory_space<hbm>>
      %dma_start3A_12 = arith.constant 0 : i32
      %dma_start3A_13 = tpu.memref_slice %arg2[%run_scoped3A, %mul3A_2, %dma_start3A_12] : memref<2x10240x16xf32, #tpu.memory_space<hbm>> -> memref<1x320x16xf32, #tpu.memory_space<hbm>>
      %dma_start3A_14 = tpu.memref_squeeze %dma_start3A_13 : memref<1x320x16xf32, #tpu.memory_space<hbm>> -> memref<320x16xf32, #tpu.memory_space<hbm>>
      tpu.enqueue_dma source(%dma_start3A_14 : memref<320x16xf32, #tpu.memory_space<hbm>>) target(%arg6 : memref<320x16xf32, #tpu.memory_space<vmem>>) target_semaphore(%run_scoped3A_9 : memref<!tpu.dma_semaphore, #tpu.memory_space<semaphore_mem>>)
      %dma_wait3A = arith.constant 0 : i32
      %dma_wait3A_15 = tpu.memref_slice %arg2[%run_scoped3A, %mul3A_2, %dma_wait3A] : memref<2x10240x16xf32, #tpu.memory_space<hbm>> -> memref<1x320x16xf32, #tpu.memory_space<hbm>>
      %dma_wait3A_16 = tpu.memref_squeeze %dma_wait3A_15 : memref<1x320x16xf32, #tpu.memory_space<hbm>> -> memref<320x16xf32, #tpu.memory_space<hbm>>
      %dma_wait3A_17 = arith.constant 0 : i32
      %dma_wait3A_18 = tpu.memref_slice %arg2[%run_scoped3A, %mul3A_2, %dma_wait3A_17] : memref<2x10240x16xf32, #tpu.memory_space<hbm>> -> memref<1x320x16xf32, #tpu.memory_space<hbm>>
      %dma_wait3A_19 = tpu.memref_squeeze %dma_wait3A_18 : memref<1x320x16xf32, #tpu.memory_space<hbm>> -> memref<320x16xf32, #tpu.memory_space<hbm>>
      tpu.wait_dma2 semaphore(%run_scoped3A_9 : memref<!tpu.dma_semaphore, #tpu.memory_space<semaphore_mem>>) src(%dma_wait3A_19 : memref<320x16xf32, #tpu.memory_space<hbm>>) dst(%arg6 : memref<320x16xf32, #tpu.memory_space<vmem>>)
      tpu.yield
    }) : () -> ()
    %run_scoped3A_3 = arith.constant 1 : i32
    "tpu.region"() ({
      %run_scoped3A_9 = tpu.sem_alloc : memref<!tpu.dma_semaphore, #tpu.memory_space<semaphore_mem>>
      %dma_start3A = arith.constant 0 : i32
      %dma_start3A_10 = tpu.memref_slice %arg2[%run_scoped3A_3, %mul3A_2, %dma_start3A] : memref<2x10240x16xf32, #tpu.memory_space<hbm>> -> memref<1x320x16xf32, #tpu.memory_space<hbm>>
      %dma_start3A_11 = tpu.memref_squeeze %dma_start3A_10 : memref<1x320x16xf32, #tpu.memory_space<hbm>> -> memref<320x16xf32, #tpu.memory_space<hbm>>
      %dma_start3A_12 = arith.constant 0 : i32
      %dma_start3A_13 = tpu.memref_slice %arg2[%run_scoped3A_3, %mul3A_2, %dma_start3A_12] : memref<2x10240x16xf32, #tpu.memory_space<hbm>> -> memref<1x320x16xf32, #tpu.memory_space<hbm>>
      %dma_start3A_14 = tpu.memref_squeeze %dma_start3A_13 : memref<1x320x16xf32, #tpu.memory_space<hbm>> -> memref<320x16xf32, #tpu.memory_space<hbm>>
      tpu.enqueue_dma source(%dma_start3A_14 : memref<320x16xf32, #tpu.memory_space<hbm>>) target(%arg7 : memref<320x16xf32, #tpu.memory_space<vmem>>) target_semaphore(%run_scoped3A_9 : memref<!tpu.dma_semaphore, #tpu.memory_space<semaphore_mem>>)
      %dma_wait3A = arith.constant 0 : i32
      %dma_wait3A_15 = tpu.memref_slice %arg2[%run_scoped3A_3, %mul3A_2, %dma_wait3A] : memref<2x10240x16xf32, #tpu.memory_space<hbm>> -> memref<1x320x16xf32, #tpu.memory_space<hbm>>
      %dma_wait3A_16 = tpu.memref_squeeze %dma_wait3A_15 : memref<1x320x16xf32, #tpu.memory_space<hbm>> -> memref<320x16xf32, #tpu.memory_space<hbm>>
      %dma_wait3A_17 = arith.constant 0 : i32
      %dma_wait3A_18 = tpu.memref_slice %arg2[%run_scoped3A_3, %mul3A_2, %dma_wait3A_17] : memref<2x10240x16xf32, #tpu.memory_space<hbm>> -> memref<1x320x16xf32, #tpu.memory_space<hbm>>
      %dma_wait3A_19 = tpu.memref_squeeze %dma_wait3A_18 : memref<1x320x16xf32, #tpu.memory_space<hbm>> -> memref<320x16xf32, #tpu.memory_space<hbm>>
      tpu.wait_dma2 semaphore(%run_scoped3A_9 : memref<!tpu.dma_semaphore, #tpu.memory_space<semaphore_mem>>) src(%dma_wait3A_19 : memref<320x16xf32, #tpu.memory_space<hbm>>) dst(%arg7 : memref<320x16xf32, #tpu.memory_space<vmem>>)
      tpu.yield
    }) : () -> ()
    "tpu.region"() ({
      %run_scoped3A_9 = tpu.sem_alloc : memref<!tpu.dma_semaphore, #tpu.memory_space<semaphore_mem>>
      %dma_start3A = arith.constant 0 : i32
      %dma_start3A_10 = tpu.memref_slice %arg3[%mul3A_2, %dma_start3A] : memref<10240x32xf32, #tpu.memory_space<hbm>> -> memref<320x32xf32, #tpu.memory_space<hbm>>
      %dma_start3A_11 = arith.constant 0 : i32
      %dma_start3A_12 = tpu.memref_slice %arg3[%mul3A_2, %dma_start3A_11] : memref<10240x32xf32, #tpu.memory_space<hbm>> -> memref<320x32xf32, #tpu.memory_space<hbm>>
      tpu.enqueue_dma source(%dma_start3A_12 : memref<320x32xf32, #tpu.memory_space<hbm>>) target(%arg8 : memref<320x32xf32, #tpu.memory_space<vmem>>) target_semaphore(%run_scoped3A_9 : memref<!tpu.dma_semaphore, #tpu.memory_space<semaphore_mem>>)
      %dma_wait3A = arith.constant 0 : i32
      %dma_wait3A_13 = tpu.memref_slice %arg3[%mul3A_2, %dma_wait3A] : memref<10240x32xf32, #tpu.memory_space<hbm>> -> memref<320x32xf32, #tpu.memory_space<hbm>>
      %dma_wait3A_14 = arith.constant 0 : i32
      %dma_wait3A_15 = tpu.memref_slice %arg3[%mul3A_2, %dma_wait3A_14] : memref<10240x32xf32, #tpu.memory_space<hbm>> -> memref<320x32xf32, #tpu.memory_space<hbm>>
      tpu.wait_dma2 semaphore(%run_scoped3A_9 : memref<!tpu.dma_semaphore, #tpu.memory_space<semaphore_mem>>) src(%dma_wait3A_15 : memref<320x32xf32, #tpu.memory_space<hbm>>) dst(%arg8 : memref<320x32xf32, #tpu.memory_space<vmem>>)
      tpu.yield
    }) : () -> ()
    %scan3A = arith.constant 0 : i32
    %scan3A_4 = arith.constant 0 : i32
    %scan3A_5 = arith.constant 320 : i32
    %scan3A_6 = arith.addi %scan3A_4, %scan3A_5 : i32
    %scan3A_7 = arith.constant 1 : i32
    scf.for %scan3A_9 = %scan3A_4 to %scan3A_6 step %scan3A_7  : i32 {
      %get3A = arith.index_cast %scan3A_9 : i32 to index
      %get3A_10 = arith.constant 0 : index
      %get3A_11 = tpu.vector_load %arg6[%get3A, %get3A_10] {strides = array<i32>} : memref<320x16xf32, #tpu.memory_space<vmem>>, vector<1x16xf32>,
      %get3A_12 = vector.shape_cast %get3A_11 : vector<1x16xf32> to vector<16xf32>
      %get3A_13 = arith.index_cast %scan3A_9 : i32 to index
      %get3A_14 = arith.constant 0 : index
      %get3A_15 = tpu.vector_load %arg7[%get3A_13, %get3A_14] {strides = array<i32>} : memref<320x16xf32, #tpu.memory_space<vmem>>, vector<1x16xf32>,
      %get3A_16 = vector.shape_cast %get3A_15 : vector<1x16xf32> to vector<16xf32>
      %add3A_17 = arith.addf %get3A_12, %get3A_16 : vector<16xf32>
      %add3A_18 = arith.constant 1.000000e+00 : f32
      %add3A_19 = vector.broadcast %add3A_18 : f32 to vector<16xf32>
      %add3A_20 = arith.addf %add3A_17, %add3A_19 : vector<16xf32>
      %bitcast_convert_type3A = tpu.bitcast %add3A_20 : vector<16xf32> -> vector<16xi32>
      %shift_right_logical3A = arith.constant 1 : i32
      %shift_right_logical3A_21 = vector.broadcast %shift_right_logical3A : i32 to vector<16xi32>
      %shift_right_logical3A_22 = arith.shrui %bitcast_convert_type3A, %shift_right_logical3A_21 : vector<16xi32>
      %sub3A = arith.constant 1597463007 : i32
      %sub3A_23 = vector.broadcast %sub3A : i32 to vector<16xi32>
      %sub3A_24 = arith.subi %sub3A_23, %shift_right_logical3A_22 : vector<16xi32>
      %bitcast_convert_type3A_25 = tpu.bitcast %sub3A_24 : vector<16xi32> -> vector<16xf32>
      %mul3A_26 = arith.constant 5.000000e-01 : f32
      %mul3A_27 = vector.broadcast %mul3A_26 : f32 to vector<16xf32>
      %mul3A_28 = arith.mulf %mul3A_27, %add3A_20 : vector<16xf32>
      %mul3A_29 = arith.mulf %mul3A_28, %bitcast_convert_type3A_25 : vector<16xf32>
      %mul3A_30 = arith.mulf %mul3A_29, %bitcast_convert_type3A_25 : vector<16xf32>
      %sub3A_31 = arith.constant 1.500000e+00 : f32
      %sub3A_32 = vector.broadcast %sub3A_31 : f32 to vector<16xf32>
      %sub3A_33 = arith.subf %sub3A_32, %mul3A_30 : vector<16xf32>
      %mul3A_34 = arith.mulf %bitcast_convert_type3A_25, %sub3A_33 : vector<16xf32>
      %mul3A_35 = arith.constant 5.000000e-01 : f32
      %mul3A_36 = vector.broadcast %mul3A_35 : f32 to vector<16xf32>
      %mul3A_37 = arith.mulf %mul3A_36, %add3A_20 : vector<16xf32>
      %mul3A_38 = arith.mulf %mul3A_37, %mul3A_34 : vector<16xf32>
      %mul3A_39 = arith.mulf %mul3A_38, %mul3A_34 : vector<16xf32>
      %sub3A_40 = arith.constant 1.500000e+00 : f32
      %sub3A_41 = vector.broadcast %sub3A_40 : f32 to vector<16xf32>
      %sub3A_42 = arith.subf %sub3A_41, %mul3A_39 : vector<16xf32>
      %mul3A_43 = arith.mulf %mul3A_34, %sub3A_42 : vector<16xf32>
      %mul3A_44 = arith.constant 5.000000e-01 : f32
      %mul3A_45 = vector.broadcast %mul3A_44 : f32 to vector<16xf32>
      %mul3A_46 = arith.mulf %mul3A_45, %add3A_20 : vector<16xf32>
      %mul3A_47 = arith.mulf %mul3A_46, %mul3A_43 : vector<16xf32>
      %mul3A_48 = arith.mulf %mul3A_47, %mul3A_43 : vector<16xf32>
      %sub3A_49 = arith.constant 1.500000e+00 : f32
      %sub3A_50 = vector.broadcast %sub3A_49 : f32 to vector<16xf32>
      %sub3A_51 = arith.subf %sub3A_50, %mul3A_48 : vector<16xf32>
      %mul3A_52 = arith.mulf %mul3A_43, %sub3A_51 : vector<16xf32>
      %swap3A = arith.index_cast %scan3A_9 : i32 to index
      %swap3A_53 = arith.constant 0 : index
      %swap3A_54 = tpu.vector_load %arg10[%swap3A, %swap3A_53] {strides = array<i32>} : memref<320x16xf32, #tpu.memory_space<vmem>>, vector<1x16xf32>,
      %swap3A_55 = vector.shape_cast %swap3A_54 : vector<1x16xf32> to vector<16xf32>
      %swap3A_56 = vector.shape_cast %mul3A_52 : vector<16xf32> to vector<1x16xf32>
      tpu.vector_store %arg10[%swap3A, %swap3A_53], %swap3A_56 {strides = array<i32>} : memref<320x16xf32, #tpu.memory_space<vmem>>, vector<1x16xf32>,
      %get3A_57 = arith.index_cast %scan3A_9 : i32 to index
      %get3A_58 = arith.constant 0 : index
      %get3A_59 = tpu.vector_load %arg8[%get3A_57, %get3A_58] {strides = array<i32>} : memref<320x32xf32, #tpu.memory_space<vmem>>, vector<1x16xf32>,
      %get3A_60 = vector.shape_cast %get3A_59 : vector<1x16xf32> to vector<16xf32>
      %mul3A_61 = arith.mulf %mul3A_52, %get3A_60 : vector<16xf32>
      %swap3A_62 = arith.index_cast %scan3A_9 : i32 to index
      %swap3A_63 = arith.constant 0 : index
      %swap3A_64 = tpu.vector_load %arg9[%swap3A_62, %swap3A_63] {strides = array<i32>} : memref<320x32xf32, #tpu.memory_space<vmem>>, vector<1x16xf32>,
      %swap3A_65 = vector.shape_cast %swap3A_64 : vector<1x16xf32> to vector<16xf32>
      %swap3A_66 = vector.shape_cast %mul3A_61 : vector<16xf32> to vector<1x16xf32>
      tpu.vector_store %arg9[%swap3A_62, %swap3A_63], %swap3A_66 {strides = array<i32>} : memref<320x32xf32, #tpu.memory_space<vmem>>, vector<1x16xf32>,
      %get3A_67 = arith.index_cast %scan3A_9 : i32 to index
      %get3A_68 = arith.constant 16 : index
      %get3A_69 = tpu.vector_load %arg8[%get3A_67, %get3A_68] {strides = array<i32>} : memref<320x32xf32, #tpu.memory_space<vmem>>, vector<1x16xf32>,
      %get3A_70 = vector.shape_cast %get3A_69 : vector<1x16xf32> to vector<16xf32>
      %mul3A_71 = arith.mulf %mul3A_52, %get3A_70 : vector<16xf32>
      %swap3A_72 = arith.index_cast %scan3A_9 : i32 to index
      %swap3A_73 = arith.constant 16 : index
      %swap3A_74 = tpu.vector_load %arg9[%swap3A_72, %swap3A_73] {strides = array<i32>} : memref<320x32xf32, #tpu.memory_space<vmem>>, vector<1x16xf32>,
      %swap3A_75 = vector.shape_cast %swap3A_74 : vector<1x16xf32> to vector<16xf32>
      %swap3A_76 = vector.shape_cast %mul3A_71 : vector<16xf32> to vector<1x16xf32>
      tpu.vector_store %arg9[%swap3A_72, %swap3A_73], %swap3A_76 {strides = array<i32>} : memref<320x32xf32, #tpu.memory_space<vmem>>, vector<1x16xf32>,
    }
    %scan3A_8 = arith.constant 320 : i32
    "tpu.region"() ({
      %run_scoped3A_9 = tpu.sem_alloc : memref<!tpu.dma_semaphore, #tpu.memory_space<semaphore_mem>>
      %dma_start3A = arith.constant 0 : i32
      %dma_start3A_10 = tpu.memref_slice %arg4[%mul3A_2, %dma_start3A] : memref<10240x32xf32, #tpu.memory_space<hbm>> -> memref<320x32xf32, #tpu.memory_space<hbm>>
      %dma_start3A_11 = arith.constant 0 : i32
      %dma_start3A_12 = tpu.memref_slice %arg4[%mul3A_2, %dma_start3A_11] : memref<10240x32xf32, #tpu.memory_space<hbm>> -> memref<320x32xf32, #tpu.memory_space<hbm>>
      tpu.enqueue_dma source(%arg9 : memref<320x32xf32, #tpu.memory_space<vmem>>) target(%dma_start3A_12 : memref<320x32xf32, #tpu.memory_space<hbm>>) target_semaphore(%run_scoped3A_9 : memref<!tpu.dma_semaphore, #tpu.memory_space<semaphore_mem>>)
      %dma_wait3A = arith.constant 0 : i32
      %dma_wait3A_13 = tpu.memref_slice %arg4[%mul3A_2, %dma_wait3A] : memref<10240x32xf32, #tpu.memory_space<hbm>> -> memref<320x32xf32, #tpu.memory_space<hbm>>
      %dma_wait3A_14 = arith.constant 0 : i32
      %dma_wait3A_15 = tpu.memref_slice %arg4[%mul3A_2, %dma_wait3A_14] : memref<10240x32xf32, #tpu.memory_space<hbm>> -> memref<320x32xf32, #tpu.memory_space<hbm>>
      tpu.wait_dma2 semaphore(%run_scoped3A_9 : memref<!tpu.dma_semaphore, #tpu.memory_space<semaphore_mem>>) src(%arg9 : memref<320x32xf32, #tpu.memory_space<vmem>>) dst(%dma_wait3A_15 : memref<320x32xf32, #tpu.memory_space<hbm>>)
      tpu.yield
    }) : () -> ()
    "tpu.region"() ({
      %run_scoped3A_9 = tpu.sem_alloc : memref<!tpu.dma_semaphore, #tpu.memory_space<semaphore_mem>>
      %dma_start3A = arith.constant 0 : i32
      %dma_start3A_10 = tpu.memref_slice %arg5[%mul3A_2, %dma_start3A] : memref<10240x16xf32, #tpu.memory_space<hbm>> -> memref<320x16xf32, #tpu.memory_space<hbm>>
      %dma_start3A_11 = arith.constant 0 : i32
      %dma_start3A_12 = tpu.memref_slice %arg5[%mul3A_2, %dma_start3A_11] : memref<10240x16xf32, #tpu.memory_space<hbm>> -> memref<320x16xf32, #tpu.memory_space<hbm>>
      tpu.enqueue_dma source(%arg10 : memref<320x16xf32, #tpu.memory_space<vmem>>) target(%dma_start3A_12 : memref<320x16xf32, #tpu.memory_space<hbm>>) target_semaphore(%run_scoped3A_9 : memref<!tpu.dma_semaphore, #tpu.memory_space<semaphore_mem>>)
      %dma_wait3A = arith.constant 0 : i32
      %dma_wait3A_13 = tpu.memref_slice %arg5[%mul3A_2, %dma_wait3A] : memref<10240x16xf32, #tpu.memory_space<hbm>> -> memref<320x16xf32, #tpu.memory_space<hbm>>
      %dma_wait3A_14 = arith.constant 0 : i32
      %dma_wait3A_15 = tpu.memref_slice %arg5[%mul3A_2, %dma_wait3A_14] : memref<10240x16xf32, #tpu.memory_space<hbm>> -> memref<320x16xf32, #tpu.memory_space<hbm>>
      tpu.wait_dma2 semaphore(%run_scoped3A_9 : memref<!tpu.dma_semaphore, #tpu.memory_space<semaphore_mem>>) src(%arg10 : memref<320x16xf32, #tpu.memory_space<vmem>>) dst(%dma_wait3A_15 : memref<320x16xf32, #tpu.memory_space<hbm>>)
      tpu.yield
    }) : () -> ()
    return
  }
}

#map = affine_map<(d0, d1) -> (0, 0, 0)>
#map1 = affine_map<(d0, d1) -> (0, 0)>
module attributes {stable_mosaic.version = 14 : i64} {
  func.func @_d_body(%arg0: i32, %arg1: i32, %arg2: memref<2x10240x32xf32, #tpu.memory_space<hbm>>, %arg3: memref<10240x32xf32, #tpu.memory_space<hbm>>, %arg4: memref<10240x16xf32, #tpu.memory_space<hbm>>, %arg5: memref<1x32xf32, #tpu.memory_space<hbm>>, %arg6: memref<10240x32xf32, #tpu.memory_space<hbm>>, %arg7: memref<320x32xf32, #tpu.memory_space<vmem>>, %arg8: memref<320x32xf32, #tpu.memory_space<vmem>>, %arg9: memref<320x32xf32, #tpu.memory_space<vmem>>, %arg10: memref<320x16xf32, #tpu.memory_space<vmem>>, %arg11: memref<1x32xf32, #tpu.memory_space<vmem>>, %arg12: memref<320x32xf32, #tpu.memory_space<vmem>>) attributes {dimension_semantics = [#tpu.dimension_semantics<core_parallel>, #tpu.dimension_semantics<subcore_parallel>], iteration_bounds = array<i64: 2, 16>, scalar_prefetch = 0 : i64, scratch_operands = 6 : i64, tpu.core_type = #tpu.core_type<sc_vector_subcore>, window_params = [{transform_indices = #map}, {transform_indices = #map1}, {transform_indices = #map1}, {transform_indices = #map1}, {transform_indices = #map1}]} {
    %mul3A = arith.constant 16 : i32
    %mul3A_0 = arith.muli %arg0, %mul3A : i32
    %add3A = arith.addi %mul3A_0, %arg1 : i32
    %mul3A_1 = arith.constant 320 : i32
    %mul3A_2 = arith.muli %add3A, %mul3A_1 : i32
    %run_scoped3A = arith.constant 0 : i32
    "tpu.region"() ({
      %run_scoped3A_18 = tpu.sem_alloc : memref<!tpu.dma_semaphore, #tpu.memory_space<semaphore_mem>>
      %dma_start3A = arith.constant 0 : i32
      %dma_start3A_19 = tpu.memref_slice %arg2[%run_scoped3A, %mul3A_2, %dma_start3A] : memref<2x10240x32xf32, #tpu.memory_space<hbm>> -> memref<1x320x32xf32, #tpu.memory_space<hbm>>
      %dma_start3A_20 = tpu.memref_squeeze %dma_start3A_19 : memref<1x320x32xf32, #tpu.memory_space<hbm>> -> memref<320x32xf32, #tpu.memory_space<hbm>>
      %dma_start3A_21 = arith.constant 0 : i32
      %dma_start3A_22 = tpu.memref_slice %arg2[%run_scoped3A, %mul3A_2, %dma_start3A_21] : memref<2x10240x32xf32, #tpu.memory_space<hbm>> -> memref<1x320x32xf32, #tpu.memory_space<hbm>>
      %dma_start3A_23 = tpu.memref_squeeze %dma_start3A_22 : memref<1x320x32xf32, #tpu.memory_space<hbm>> -> memref<320x32xf32, #tpu.memory_space<hbm>>
      tpu.enqueue_dma source(%dma_start3A_23 : memref<320x32xf32, #tpu.memory_space<hbm>>) target(%arg7 : memref<320x32xf32, #tpu.memory_space<vmem>>) target_semaphore(%run_scoped3A_18 : memref<!tpu.dma_semaphore, #tpu.memory_space<semaphore_mem>>)
      %dma_wait3A = arith.constant 0 : i32
      %dma_wait3A_24 = tpu.memref_slice %arg2[%run_scoped3A, %mul3A_2, %dma_wait3A] : memref<2x10240x32xf32, #tpu.memory_space<hbm>> -> memref<1x320x32xf32, #tpu.memory_space<hbm>>
      %dma_wait3A_25 = tpu.memref_squeeze %dma_wait3A_24 : memref<1x320x32xf32, #tpu.memory_space<hbm>> -> memref<320x32xf32, #tpu.memory_space<hbm>>
      %dma_wait3A_26 = arith.constant 0 : i32
      %dma_wait3A_27 = tpu.memref_slice %arg2[%run_scoped3A, %mul3A_2, %dma_wait3A_26] : memref<2x10240x32xf32, #tpu.memory_space<hbm>> -> memref<1x320x32xf32, #tpu.memory_space<hbm>>
      %dma_wait3A_28 = tpu.memref_squeeze %dma_wait3A_27 : memref<1x320x32xf32, #tpu.memory_space<hbm>> -> memref<320x32xf32, #tpu.memory_space<hbm>>
      tpu.wait_dma2 semaphore(%run_scoped3A_18 : memref<!tpu.dma_semaphore, #tpu.memory_space<semaphore_mem>>) src(%dma_wait3A_28 : memref<320x32xf32, #tpu.memory_space<hbm>>) dst(%arg7 : memref<320x32xf32, #tpu.memory_space<vmem>>)
      tpu.yield
    }) : () -> ()
    %run_scoped3A_3 = arith.constant 1 : i32
    "tpu.region"() ({
      %run_scoped3A_18 = tpu.sem_alloc : memref<!tpu.dma_semaphore, #tpu.memory_space<semaphore_mem>>
      %dma_start3A = arith.constant 0 : i32
      %dma_start3A_19 = tpu.memref_slice %arg2[%run_scoped3A_3, %mul3A_2, %dma_start3A] : memref<2x10240x32xf32, #tpu.memory_space<hbm>> -> memref<1x320x32xf32, #tpu.memory_space<hbm>>
      %dma_start3A_20 = tpu.memref_squeeze %dma_start3A_19 : memref<1x320x32xf32, #tpu.memory_space<hbm>> -> memref<320x32xf32, #tpu.memory_space<hbm>>
      %dma_start3A_21 = arith.constant 0 : i32
      %dma_start3A_22 = tpu.memref_slice %arg2[%run_scoped3A_3, %mul3A_2, %dma_start3A_21] : memref<2x10240x32xf32, #tpu.memory_space<hbm>> -> memref<1x320x32xf32, #tpu.memory_space<hbm>>
      %dma_start3A_23 = tpu.memref_squeeze %dma_start3A_22 : memref<1x320x32xf32, #tpu.memory_space<hbm>> -> memref<320x32xf32, #tpu.memory_space<hbm>>
      tpu.enqueue_dma source(%dma_start3A_23 : memref<320x32xf32, #tpu.memory_space<hbm>>) target(%arg8 : memref<320x32xf32, #tpu.memory_space<vmem>>) target_semaphore(%run_scoped3A_18 : memref<!tpu.dma_semaphore, #tpu.memory_space<semaphore_mem>>)
      %dma_wait3A = arith.constant 0 : i32
      %dma_wait3A_24 = tpu.memref_slice %arg2[%run_scoped3A_3, %mul3A_2, %dma_wait3A] : memref<2x10240x32xf32, #tpu.memory_space<hbm>> -> memref<1x320x32xf32, #tpu.memory_space<hbm>>
      %dma_wait3A_25 = tpu.memref_squeeze %dma_wait3A_24 : memref<1x320x32xf32, #tpu.memory_space<hbm>> -> memref<320x32xf32, #tpu.memory_space<hbm>>
      %dma_wait3A_26 = arith.constant 0 : i32
      %dma_wait3A_27 = tpu.memref_slice %arg2[%run_scoped3A_3, %mul3A_2, %dma_wait3A_26] : memref<2x10240x32xf32, #tpu.memory_space<hbm>> -> memref<1x320x32xf32, #tpu.memory_space<hbm>>
      %dma_wait3A_28 = tpu.memref_squeeze %dma_wait3A_27 : memref<1x320x32xf32, #tpu.memory_space<hbm>> -> memref<320x32xf32, #tpu.memory_space<hbm>>
      tpu.wait_dma2 semaphore(%run_scoped3A_18 : memref<!tpu.dma_semaphore, #tpu.memory_space<semaphore_mem>>) src(%dma_wait3A_28 : memref<320x32xf32, #tpu.memory_space<hbm>>) dst(%arg8 : memref<320x32xf32, #tpu.memory_space<vmem>>)
      tpu.yield
    }) : () -> ()
    "tpu.region"() ({
      %run_scoped3A_18 = tpu.sem_alloc : memref<!tpu.dma_semaphore, #tpu.memory_space<semaphore_mem>>
      %dma_start3A = arith.constant 0 : i32
      %dma_start3A_19 = tpu.memref_slice %arg3[%mul3A_2, %dma_start3A] : memref<10240x32xf32, #tpu.memory_space<hbm>> -> memref<320x32xf32, #tpu.memory_space<hbm>>
      %dma_start3A_20 = arith.constant 0 : i32
      %dma_start3A_21 = tpu.memref_slice %arg3[%mul3A_2, %dma_start3A_20] : memref<10240x32xf32, #tpu.memory_space<hbm>> -> memref<320x32xf32, #tpu.memory_space<hbm>>
      tpu.enqueue_dma source(%dma_start3A_21 : memref<320x32xf32, #tpu.memory_space<hbm>>) target(%arg9 : memref<320x32xf32, #tpu.memory_space<vmem>>) target_semaphore(%run_scoped3A_18 : memref<!tpu.dma_semaphore, #tpu.memory_space<semaphore_mem>>)
      %dma_wait3A = arith.constant 0 : i32
      %dma_wait3A_22 = tpu.memref_slice %arg3[%mul3A_2, %dma_wait3A] : memref<10240x32xf32, #tpu.memory_space<hbm>> -> memref<320x32xf32, #tpu.memory_space<hbm>>
      %dma_wait3A_23 = arith.constant 0 : i32
      %dma_wait3A_24 = tpu.memref_slice %arg3[%mul3A_2, %dma_wait3A_23] : memref<10240x32xf32, #tpu.memory_space<hbm>> -> memref<320x32xf32, #tpu.memory_space<hbm>>
      tpu.wait_dma2 semaphore(%run_scoped3A_18 : memref<!tpu.dma_semaphore, #tpu.memory_space<semaphore_mem>>) src(%dma_wait3A_24 : memref<320x32xf32, #tpu.memory_space<hbm>>) dst(%arg9 : memref<320x32xf32, #tpu.memory_space<vmem>>)
      tpu.yield
    }) : () -> ()
    "tpu.region"() ({
      %run_scoped3A_18 = tpu.sem_alloc : memref<!tpu.dma_semaphore, #tpu.memory_space<semaphore_mem>>
      %dma_start3A = arith.constant 0 : i32
      %dma_start3A_19 = tpu.memref_slice %arg4[%mul3A_2, %dma_start3A] : memref<10240x16xf32, #tpu.memory_space<hbm>> -> memref<320x16xf32, #tpu.memory_space<hbm>>
      %dma_start3A_20 = arith.constant 0 : i32
      %dma_start3A_21 = tpu.memref_slice %arg4[%mul3A_2, %dma_start3A_20] : memref<10240x16xf32, #tpu.memory_space<hbm>> -> memref<320x16xf32, #tpu.memory_space<hbm>>
      tpu.enqueue_dma source(%dma_start3A_21 : memref<320x16xf32, #tpu.memory_space<hbm>>) target(%arg10 : memref<320x16xf32, #tpu.memory_space<vmem>>) target_semaphore(%run_scoped3A_18 : memref<!tpu.dma_semaphore, #tpu.memory_space<semaphore_mem>>)
      %dma_wait3A = arith.constant 0 : i32
      %dma_wait3A_22 = tpu.memref_slice %arg4[%mul3A_2, %dma_wait3A] : memref<10240x16xf32, #tpu.memory_space<hbm>> -> memref<320x16xf32, #tpu.memory_space<hbm>>
      %dma_wait3A_23 = arith.constant 0 : i32
      %dma_wait3A_24 = tpu.memref_slice %arg4[%mul3A_2, %dma_wait3A_23] : memref<10240x16xf32, #tpu.memory_space<hbm>> -> memref<320x16xf32, #tpu.memory_space<hbm>>
      tpu.wait_dma2 semaphore(%run_scoped3A_18 : memref<!tpu.dma_semaphore, #tpu.memory_space<semaphore_mem>>) src(%dma_wait3A_24 : memref<320x16xf32, #tpu.memory_space<hbm>>) dst(%arg10 : memref<320x16xf32, #tpu.memory_space<vmem>>)
      tpu.yield
    }) : () -> ()
    "tpu.region"() ({
      %run_scoped3A_18 = tpu.sem_alloc : memref<!tpu.dma_semaphore, #tpu.memory_space<semaphore_mem>>
      tpu.enqueue_dma source(%arg5 : memref<1x32xf32, #tpu.memory_space<hbm>>) target(%arg11 : memref<1x32xf32, #tpu.memory_space<vmem>>) target_semaphore(%run_scoped3A_18 : memref<!tpu.dma_semaphore, #tpu.memory_space<semaphore_mem>>)
      tpu.wait_dma2 semaphore(%run_scoped3A_18 : memref<!tpu.dma_semaphore, #tpu.memory_space<semaphore_mem>>) src(%arg5 : memref<1x32xf32, #tpu.memory_space<hbm>>) dst(%arg11 : memref<1x32xf32, #tpu.memory_space<vmem>>)
      tpu.yield
    }) : () -> ()
    %get3A = arith.constant 0 : i32
    %get3A_4 = arith.index_cast %get3A : i32 to index
    %get3A_5 = arith.constant 0 : index
    %get3A_6 = tpu.vector_load %arg11[%get3A_4, %get3A_5] {strides = array<i32>} : memref<1x32xf32, #tpu.memory_space<vmem>>, vector<1x16xf32>,
    %get3A_7 = vector.shape_cast %get3A_6 : vector<1x16xf32> to vector<16xf32>
    %get3A_8 = arith.constant 0 : i32
    %get3A_9 = arith.index_cast %get3A_8 : i32 to index
    %get3A_10 = arith.constant 16 : index
    %get3A_11 = tpu.vector_load %arg11[%get3A_9, %get3A_10] {strides = array<i32>} : memref<1x32xf32, #tpu.memory_space<vmem>>, vector<1x16xf32>,
    %get3A_12 = vector.shape_cast %get3A_11 : vector<1x16xf32> to vector<16xf32>
    %scan3A = arith.constant 0 : i32
    %scan3A_13 = arith.constant 0 : i32
    %scan3A_14 = arith.constant 320 : i32
    %scan3A_15 = arith.addi %scan3A_13, %scan3A_14 : i32
    %scan3A_16 = arith.constant 1 : i32
    scf.for %scan3A_18 = %scan3A_13 to %scan3A_15 step %scan3A_16  : i32 {
      %get3A_19 = arith.index_cast %scan3A_18 : i32 to index
      %get3A_20 = arith.constant 0 : index
      %get3A_21 = tpu.vector_load %arg10[%get3A_19, %get3A_20] {strides = array<i32>} : memref<320x16xf32, #tpu.memory_space<vmem>>, vector<1x16xf32>,
      %get3A_22 = vector.shape_cast %get3A_21 : vector<1x16xf32> to vector<16xf32>
      %get3A_23 = arith.index_cast %scan3A_18 : i32 to index
      %get3A_24 = arith.constant 0 : index
      %get3A_25 = tpu.vector_load %arg7[%get3A_23, %get3A_24] {strides = array<i32>} : memref<320x32xf32, #tpu.memory_space<vmem>>, vector<1x16xf32>,
      %get3A_26 = vector.shape_cast %get3A_25 : vector<1x16xf32> to vector<16xf32>
      %get3A_27 = arith.index_cast %scan3A_18 : i32 to index
      %get3A_28 = arith.constant 0 : index
      %get3A_29 = tpu.vector_load %arg8[%get3A_27, %get3A_28] {strides = array<i32>} : memref<320x32xf32, #tpu.memory_space<vmem>>, vector<1x16xf32>,
      %get3A_30 = vector.shape_cast %get3A_29 : vector<1x16xf32> to vector<16xf32>
      %add3A_31 = arith.addf %get3A_26, %get3A_30 : vector<16xf32>
      %get3A_32 = arith.index_cast %scan3A_18 : i32 to index
      %get3A_33 = arith.constant 0 : index
      %get3A_34 = tpu.vector_load %arg9[%get3A_32, %get3A_33] {strides = array<i32>} : memref<320x32xf32, #tpu.memory_space<vmem>>, vector<1x16xf32>,
      %get3A_35 = vector.shape_cast %get3A_34 : vector<1x16xf32> to vector<16xf32>
      %add3A_36 = arith.addf %add3A_31, %get3A_35 : vector<16xf32>
      %get3A_37 = arith.index_cast %scan3A_18 : i32 to index
      %get3A_38 = arith.constant 16 : index
      %get3A_39 = tpu.vector_load %arg7[%get3A_37, %get3A_38] {strides = array<i32>} : memref<320x32xf32, #tpu.memory_space<vmem>>, vector<1x16xf32>,
      %get3A_40 = vector.shape_cast %get3A_39 : vector<1x16xf32> to vector<16xf32>
      %get3A_41 = arith.index_cast %scan3A_18 : i32 to index
      %get3A_42 = arith.constant 16 : index
      %get3A_43 = tpu.vector_load %arg8[%get3A_41, %get3A_42] {strides = array<i32>} : memref<320x32xf32, #tpu.memory_space<vmem>>, vector<1x16xf32>,
      %get3A_44 = vector.shape_cast %get3A_43 : vector<1x16xf32> to vector<16xf32>
      %add3A_45 = arith.addf %get3A_40, %get3A_44 : vector<16xf32>
      %get3A_46 = arith.index_cast %scan3A_18 : i32 to index
      %get3A_47 = arith.constant 16 : index
      %get3A_48 = tpu.vector_load %arg9[%get3A_46, %get3A_47] {strides = array<i32>} : memref<320x32xf32, #tpu.memory_space<vmem>>, vector<1x16xf32>,
      %get3A_49 = vector.shape_cast %get3A_48 : vector<1x16xf32> to vector<16xf32>
      %add3A_50 = arith.addf %add3A_45, %get3A_49 : vector<16xf32>
      %mul3A_51 = arith.mulf %get3A_22, %add3A_36 : vector<16xf32>
      %add3A_52 = arith.addf %mul3A_51, %get3A_7 : vector<16xf32>
      %max3A = arith.constant 0.000000e+00 : f32
      %max3A_53 = vector.broadcast %max3A : f32 to vector<16xf32>
      %max3A_54 = arith.maximumf %add3A_52, %max3A_53 : vector<16xf32>
      %mul3A_55 = arith.mulf %get3A_22, %add3A_50 : vector<16xf32>
      %add3A_56 = arith.addf %mul3A_55, %get3A_12 : vector<16xf32>
      %max3A_57 = arith.constant 0.000000e+00 : f32
      %max3A_58 = vector.broadcast %max3A_57 : f32 to vector<16xf32>
      %max3A_59 = arith.maximumf %add3A_56, %max3A_58 : vector<16xf32>
      %mul3A_60 = arith.mulf %get3A_22, %max3A_54 : vector<16xf32>
      %swap3A = arith.index_cast %scan3A_18 : i32 to index
      %swap3A_61 = arith.constant 0 : index
      %swap3A_62 = tpu.vector_load %arg12[%swap3A, %swap3A_61] {strides = array<i32>} : memref<320x32xf32, #tpu.memory_space<vmem>>, vector<1x16xf32>,
      %swap3A_63 = vector.shape_cast %swap3A_62 : vector<1x16xf32> to vector<16xf32>
      %swap3A_64 = vector.shape_cast %mul3A_60 : vector<16xf32> to vector<1x16xf32>
      tpu.vector_store %arg12[%swap3A, %swap3A_61], %swap3A_64 {strides = array<i32>} : memref<320x32xf32, #tpu.memory_space<vmem>>, vector<1x16xf32>,
      %mul3A_65 = arith.mulf %get3A_22, %max3A_59 : vector<16xf32>
      %swap3A_66 = arith.index_cast %scan3A_18 : i32 to index
      %swap3A_67 = arith.constant 16 : index
      %swap3A_68 = tpu.vector_load %arg12[%swap3A_66, %swap3A_67] {strides = array<i32>} : memref<320x32xf32, #tpu.memory_space<vmem>>, vector<1x16xf32>,
      %swap3A_69 = vector.shape_cast %swap3A_68 : vector<1x16xf32> to vector<16xf32>
      %swap3A_70 = vector.shape_cast %mul3A_65 : vector<16xf32> to vector<1x16xf32>
      tpu.vector_store %arg12[%swap3A_66, %swap3A_67], %swap3A_70 {strides = array<i32>} : memref<320x32xf32, #tpu.memory_space<vmem>>, vector<1x16xf32>,
    }
    %scan3A_17 = arith.constant 320 : i32
    "tpu.region"() ({
      %run_scoped3A_18 = tpu.sem_alloc : memref<!tpu.dma_semaphore, #tpu.memory_space<semaphore_mem>>
      %dma_start3A = arith.constant 0 : i32
      %dma_start3A_19 = tpu.memref_slice %arg6[%mul3A_2, %dma_start3A] : memref<10240x32xf32, #tpu.memory_space<hbm>> -> memref<320x32xf32, #tpu.memory_space<hbm>>
      %dma_start3A_20 = arith.constant 0 : i32
      %dma_start3A_21 = tpu.memref_slice %arg6[%mul3A_2, %dma_start3A_20] : memref<10240x32xf32, #tpu.memory_space<hbm>> -> memref<320x32xf32, #tpu.memory_space<hbm>>
      tpu.enqueue_dma source(%arg12 : memref<320x32xf32, #tpu.memory_space<vmem>>) target(%dma_start3A_21 : memref<320x32xf32, #tpu.memory_space<hbm>>) target_semaphore(%run_scoped3A_18 : memref<!tpu.dma_semaphore, #tpu.memory_space<semaphore_mem>>)
      %dma_wait3A = arith.constant 0 : i32
      %dma_wait3A_22 = tpu.memref_slice %arg6[%mul3A_2, %dma_wait3A] : memref<10240x32xf32, #tpu.memory_space<hbm>> -> memref<320x32xf32, #tpu.memory_space<hbm>>
      %dma_wait3A_23 = arith.constant 0 : i32
      %dma_wait3A_24 = tpu.memref_slice %arg6[%mul3A_2, %dma_wait3A_23] : memref<10240x32xf32, #tpu.memory_space<hbm>> -> memref<320x32xf32, #tpu.memory_space<hbm>>
      tpu.wait_dma2 semaphore(%run_scoped3A_18 : memref<!tpu.dma_semaphore, #tpu.memory_space<semaphore_mem>>) src(%arg12 : memref<320x32xf32, #tpu.memory_space<vmem>>) dst(%dma_wait3A_24 : memref<320x32xf32, #tpu.memory_space<hbm>>)
      tpu.yield
    }) : () -> ()
    return
  }
}

#map = affine_map<(d0, d1) -> (0, 0)>
#map1 = affine_map<(d0, d1) -> (0, 0, 0)>
module attributes {stable_mosaic.version = 14 : i64} {
  func.func @_prop_body(%arg0: i32, %arg1: i32, %arg2: memref<10240x32xf32, #tpu.memory_space<hbm>>, %arg3: memref<32x125x80xi32, #tpu.memory_space<hbm>>, %arg4: memref<32x125x80xi32, #tpu.memory_space<hbm>>, %arg5: memref<10240x32xf32, #tpu.memory_space<hbm>>, %arg6: memref<2x10240x32xf32, #tpu.memory_space<hbm>>, %arg7: memref<125x80xi32, #tpu.memory_space<vmem>>, %arg8: memref<125x80xi32, #tpu.memory_space<vmem>>, %arg9: memref<80x32xf32, #tpu.memory_space<vmem>>, %arg10: memref<80x32xf32, #tpu.memory_space<vmem>>, %arg11: memref<80x32xf32, #tpu.memory_space<vmem>>, %arg12: memref<80x32xf32, #tpu.memory_space<vmem>>, %arg13: memref<10240x32xf32, #tpu.memory_space<vmem_shared>>, %arg14: memref<!tpu.dma_semaphore, #tpu.memory_space<semaphore_mem>>, %arg15: memref<!tpu.dma_semaphore, #tpu.memory_space<semaphore_mem>>, %arg16: memref<!tpu.dma_semaphore, #tpu.memory_space<semaphore_mem>>, %arg17: memref<!tpu.dma_semaphore, #tpu.memory_space<semaphore_mem>>, %arg18: memref<!tpu.dma_semaphore, #tpu.memory_space<semaphore_mem>>, %arg19: memref<!tpu.dma_semaphore, #tpu.memory_space<semaphore_mem>>, %arg20: memref<!tpu.dma_semaphore, #tpu.memory_space<semaphore_mem>>, %arg21: memref<!tpu.dma_semaphore, #tpu.memory_space<semaphore_mem>>) attributes {dimension_semantics = [#tpu.dimension_semantics<core_parallel>, #tpu.dimension_semantics<subcore_parallel>], iteration_bounds = array<i64: 2, 16>, scalar_prefetch = 0 : i64, scratch_operands = 15 : i64, tpu.core_type = #tpu.core_type<sc_vector_subcore>, window_params = [{transform_indices = #map}, {transform_indices = #map1}, {transform_indices = #map1}, {transform_indices = #map}, {transform_indices = #map1}]} {
    %mul3A = arith.constant 16 : i32
    %mul3A_0 = arith.muli %arg0, %mul3A : i32
    %add3A = arith.addi %mul3A_0, %arg1 : i32
    %mul3A_1 = arith.constant 640 : i32
    %mul3A_2 = arith.muli %arg1, %mul3A_1 : i32
    "tpu.region"() ({
      %run_scoped3A = tpu.sem_alloc : memref<!tpu.dma_semaphore, #tpu.memory_space<semaphore_mem>>
      %dma_start3A_147 = arith.constant 0 : i32
      %dma_start3A_148 = tpu.memref_slice %arg13[%mul3A_2, %dma_start3A_147] : memref<10240x32xf32, #tpu.memory_space<vmem_shared>> -> memref<640x32xf32, #tpu.memory_space<vmem_shared>>
      %dma_start3A_149 = arith.constant 0 : i32
      %dma_start3A_150 = tpu.memref_slice %arg5[%mul3A_2, %dma_start3A_149] : memref<10240x32xf32, #tpu.memory_space<hbm>> -> memref<640x32xf32, #tpu.memory_space<hbm>>
      tpu.enqueue_dma source(%dma_start3A_150 : memref<640x32xf32, #tpu.memory_space<hbm>>) target(%dma_start3A_148 : memref<640x32xf32, #tpu.memory_space<vmem_shared>>) target_semaphore(%run_scoped3A : memref<!tpu.dma_semaphore, #tpu.memory_space<semaphore_mem>>)
      %dma_wait3A_151 = arith.constant 0 : i32
      %dma_wait3A_152 = tpu.memref_slice %arg13[%mul3A_2, %dma_wait3A_151] : memref<10240x32xf32, #tpu.memory_space<vmem_shared>> -> memref<640x32xf32, #tpu.memory_space<vmem_shared>>
      %dma_wait3A_153 = arith.constant 0 : i32
      %dma_wait3A_154 = tpu.memref_slice %arg5[%mul3A_2, %dma_wait3A_153] : memref<10240x32xf32, #tpu.memory_space<hbm>> -> memref<640x32xf32, #tpu.memory_space<hbm>>
      tpu.wait_dma2 semaphore(%run_scoped3A : memref<!tpu.dma_semaphore, #tpu.memory_space<semaphore_mem>>) src(%dma_wait3A_154 : memref<640x32xf32, #tpu.memory_space<hbm>>) dst(%dma_wait3A_152 : memref<640x32xf32, #tpu.memory_space<vmem_shared>>)
      tpu.yield
    }) : () -> ()
    "tpu.region"() ({
      %run_scoped3A = tpu.sem_alloc : memref<!tpu.dma_semaphore, #tpu.memory_space<semaphore_mem>>
      %dma_start3A_147 = arith.constant 0 : i32
      %dma_start3A_148 = arith.constant 0 : i32
      %dma_start3A_149 = tpu.memref_slice %arg3[%add3A, %dma_start3A_147, %dma_start3A_148] : memref<32x125x80xi32, #tpu.memory_space<hbm>> -> memref<1x125x80xi32, #tpu.memory_space<hbm>>
      %dma_start3A_150 = tpu.memref_squeeze %dma_start3A_149 : memref<1x125x80xi32, #tpu.memory_space<hbm>> -> memref<125x80xi32, #tpu.memory_space<hbm>>
      %dma_start3A_151 = arith.constant 0 : i32
      %dma_start3A_152 = arith.constant 0 : i32
      %dma_start3A_153 = tpu.memref_slice %arg3[%add3A, %dma_start3A_151, %dma_start3A_152] : memref<32x125x80xi32, #tpu.memory_space<hbm>> -> memref<1x125x80xi32, #tpu.memory_space<hbm>>
      %dma_start3A_154 = tpu.memref_squeeze %dma_start3A_153 : memref<1x125x80xi32, #tpu.memory_space<hbm>> -> memref<125x80xi32, #tpu.memory_space<hbm>>
      tpu.enqueue_dma source(%dma_start3A_154 : memref<125x80xi32, #tpu.memory_space<hbm>>) target(%arg7 : memref<125x80xi32, #tpu.memory_space<vmem>>) target_semaphore(%run_scoped3A : memref<!tpu.dma_semaphore, #tpu.memory_space<semaphore_mem>>)
      %dma_wait3A_155 = arith.constant 0 : i32
      %dma_wait3A_156 = arith.constant 0 : i32
      %dma_wait3A_157 = tpu.memref_slice %arg3[%add3A, %dma_wait3A_155, %dma_wait3A_156] : memref<32x125x80xi32, #tpu.memory_space<hbm>> -> memref<1x125x80xi32, #tpu.memory_space<hbm>>
      %dma_wait3A_158 = tpu.memref_squeeze %dma_wait3A_157 : memref<1x125x80xi32, #tpu.memory_space<hbm>> -> memref<125x80xi32, #tpu.memory_space<hbm>>
      %dma_wait3A_159 = arith.constant 0 : i32
      %dma_wait3A_160 = arith.constant 0 : i32
      %dma_wait3A_161 = tpu.memref_slice %arg3[%add3A, %dma_wait3A_159, %dma_wait3A_160] : memref<32x125x80xi32, #tpu.memory_space<hbm>> -> memref<1x125x80xi32, #tpu.memory_space<hbm>>
      %dma_wait3A_162 = tpu.memref_squeeze %dma_wait3A_161 : memref<1x125x80xi32, #tpu.memory_space<hbm>> -> memref<125x80xi32, #tpu.memory_space<hbm>>
      tpu.wait_dma2 semaphore(%run_scoped3A : memref<!tpu.dma_semaphore, #tpu.memory_space<semaphore_mem>>) src(%dma_wait3A_162 : memref<125x80xi32, #tpu.memory_space<hbm>>) dst(%arg7 : memref<125x80xi32, #tpu.memory_space<vmem>>)
      tpu.yield
    }) : () -> ()
    "tpu.region"() ({
      %run_scoped3A = tpu.sem_alloc : memref<!tpu.dma_semaphore, #tpu.memory_space<semaphore_mem>>
      %dma_start3A_147 = arith.constant 0 : i32
      %dma_start3A_148 = arith.constant 0 : i32
      %dma_start3A_149 = tpu.memref_slice %arg4[%add3A, %dma_start3A_147, %dma_start3A_148] : memref<32x125x80xi32, #tpu.memory_space<hbm>> -> memref<1x125x80xi32, #tpu.memory_space<hbm>>
      %dma_start3A_150 = tpu.memref_squeeze %dma_start3A_149 : memref<1x125x80xi32, #tpu.memory_space<hbm>> -> memref<125x80xi32, #tpu.memory_space<hbm>>
      %dma_start3A_151 = arith.constant 0 : i32
      %dma_start3A_152 = arith.constant 0 : i32
      %dma_start3A_153 = tpu.memref_slice %arg4[%add3A, %dma_start3A_151, %dma_start3A_152] : memref<32x125x80xi32, #tpu.memory_space<hbm>> -> memref<1x125x80xi32, #tpu.memory_space<hbm>>
      %dma_start3A_154 = tpu.memref_squeeze %dma_start3A_153 : memref<1x125x80xi32, #tpu.memory_space<hbm>> -> memref<125x80xi32, #tpu.memory_space<hbm>>
      tpu.enqueue_dma source(%dma_start3A_154 : memref<125x80xi32, #tpu.memory_space<hbm>>) target(%arg8 : memref<125x80xi32, #tpu.memory_space<vmem>>) target_semaphore(%run_scoped3A : memref<!tpu.dma_semaphore, #tpu.memory_space<semaphore_mem>>)
      %dma_wait3A_155 = arith.constant 0 : i32
      %dma_wait3A_156 = arith.constant 0 : i32
      %dma_wait3A_157 = tpu.memref_slice %arg4[%add3A, %dma_wait3A_155, %dma_wait3A_156] : memref<32x125x80xi32, #tpu.memory_space<hbm>> -> memref<1x125x80xi32, #tpu.memory_space<hbm>>
      %dma_wait3A_158 = tpu.memref_squeeze %dma_wait3A_157 : memref<1x125x80xi32, #tpu.memory_space<hbm>> -> memref<125x80xi32, #tpu.memory_space<hbm>>
      %dma_wait3A_159 = arith.constant 0 : i32
      %dma_wait3A_160 = arith.constant 0 : i32
      %dma_wait3A_161 = tpu.memref_slice %arg4[%add3A, %dma_wait3A_159, %dma_wait3A_160] : memref<32x125x80xi32, #tpu.memory_space<hbm>> -> memref<1x125x80xi32, #tpu.memory_space<hbm>>
      %dma_wait3A_162 = tpu.memref_squeeze %dma_wait3A_161 : memref<1x125x80xi32, #tpu.memory_space<hbm>> -> memref<125x80xi32, #tpu.memory_space<hbm>>
      tpu.wait_dma2 semaphore(%run_scoped3A : memref<!tpu.dma_semaphore, #tpu.memory_space<semaphore_mem>>) src(%dma_wait3A_162 : memref<125x80xi32, #tpu.memory_space<hbm>>) dst(%arg8 : memref<125x80xi32, #tpu.memory_space<vmem>>)
      tpu.yield
    }) : () -> ()
    %barrier3A = arith.constant 0 : index
    tpu.barrier barrier_id(%barrier3A)
    %dma_start3A = arith.constant 0 : i32
    %dma_start3A_3 = arith.constant 0 : i32
    %dma_start3A_4 = tpu.memref_slice %arg7[%dma_start3A, %dma_start3A_3] : memref<125x80xi32, #tpu.memory_space<vmem>> -> memref<1x80xi32, #tpu.memory_space<vmem>>
    %dma_start3A_5 = tpu.memref_squeeze %dma_start3A_4 : memref<1x80xi32, #tpu.memory_space<vmem>> -> memref<80xi32, #tpu.memory_space<vmem>>
    %dma_start3A_6 = arith.constant 0 : i32
    %dma_start3A_7 = arith.constant 0 : i32
    %dma_start3A_8 = tpu.memref_slice %arg2[%dma_start3A_6, %dma_start3A_7] : memref<10240x32xf32, #tpu.memory_space<hbm>> -> memref<10240x32xf32, #tpu.memory_space<hbm>>
    tpu.enqueue_indirect_dma source(%dma_start3A_8 : memref<10240x32xf32, #tpu.memory_space<hbm>>) target(%arg9 : memref<80x32xf32, #tpu.memory_space<vmem>>) offsets(%dma_start3A_5 : memref<80xi32, #tpu.memory_space<vmem>>) semaphore(%arg14 : memref<!tpu.dma_semaphore, #tpu.memory_space<semaphore_mem>>)
    %dma_start3A_9 = arith.constant 1 : i32
    %dma_start3A_10 = arith.constant 0 : i32
    %dma_start3A_11 = tpu.memref_slice %arg7[%dma_start3A_9, %dma_start3A_10] : memref<125x80xi32, #tpu.memory_space<vmem>> -> memref<1x80xi32, #tpu.memory_space<vmem>>
    %dma_start3A_12 = tpu.memref_squeeze %dma_start3A_11 : memref<1x80xi32, #tpu.memory_space<vmem>> -> memref<80xi32, #tpu.memory_space<vmem>>
    %dma_start3A_13 = arith.constant 0 : i32
    %dma_start3A_14 = arith.constant 0 : i32
    %dma_start3A_15 = tpu.memref_slice %arg2[%dma_start3A_13, %dma_start3A_14] : memref<10240x32xf32, #tpu.memory_space<hbm>> -> memref<10240x32xf32, #tpu.memory_space<hbm>>
    tpu.enqueue_indirect_dma source(%dma_start3A_15 : memref<10240x32xf32, #tpu.memory_space<hbm>>) target(%arg10 : memref<80x32xf32, #tpu.memory_space<vmem>>) offsets(%dma_start3A_12 : memref<80xi32, #tpu.memory_space<vmem>>) semaphore(%arg15 : memref<!tpu.dma_semaphore, #tpu.memory_space<semaphore_mem>>)
    %dma_start3A_16 = arith.constant 2 : i32
    %dma_start3A_17 = arith.constant 0 : i32
    %dma_start3A_18 = tpu.memref_slice %arg7[%dma_start3A_16, %dma_start3A_17] : memref<125x80xi32, #tpu.memory_space<vmem>> -> memref<1x80xi32, #tpu.memory_space<vmem>>
    %dma_start3A_19 = tpu.memref_squeeze %dma_start3A_18 : memref<1x80xi32, #tpu.memory_space<vmem>> -> memref<80xi32, #tpu.memory_space<vmem>>
    %dma_start3A_20 = arith.constant 0 : i32
    %dma_start3A_21 = arith.constant 0 : i32
    %dma_start3A_22 = tpu.memref_slice %arg2[%dma_start3A_20, %dma_start3A_21] : memref<10240x32xf32, #tpu.memory_space<hbm>> -> memref<10240x32xf32, #tpu.memory_space<hbm>>
    tpu.enqueue_indirect_dma source(%dma_start3A_22 : memref<10240x32xf32, #tpu.memory_space<hbm>>) target(%arg11 : memref<80x32xf32, #tpu.memory_space<vmem>>) offsets(%dma_start3A_19 : memref<80xi32, #tpu.memory_space<vmem>>) semaphore(%arg16 : memref<!tpu.dma_semaphore, #tpu.memory_space<semaphore_mem>>)
    %dma_wait3A = arith.constant 0 : i32
    %dma_wait3A_23 = arith.constant 0 : i32
    %dma_wait3A_24 = tpu.memref_slice %arg7[%dma_wait3A, %dma_wait3A_23] : memref<125x80xi32, #tpu.memory_space<vmem>> -> memref<1x80xi32, #tpu.memory_space<vmem>>
    %dma_wait3A_25 = tpu.memref_squeeze %dma_wait3A_24 : memref<1x80xi32, #tpu.memory_space<vmem>> -> memref<80xi32, #tpu.memory_space<vmem>>
    %dma_wait3A_26 = arith.constant 0 : i32
    %dma_wait3A_27 = arith.constant 0 : i32
    %dma_wait3A_28 = tpu.memref_slice %arg2[%dma_wait3A_26, %dma_wait3A_27] : memref<10240x32xf32, #tpu.memory_space<hbm>> -> memref<10240x32xf32, #tpu.memory_space<hbm>>
    tpu.wait_indirect_dma semaphore(%arg14 : memref<!tpu.dma_semaphore, #tpu.memory_space<semaphore_mem>>) src(%dma_wait3A_28 : memref<10240x32xf32, #tpu.memory_space<hbm>>) dst(%arg9 : memref<80x32xf32, #tpu.memory_space<vmem>>)
    %dma_start3A_29 = arith.constant 0 : i32
    %dma_start3A_30 = arith.constant 0 : i32
    %dma_start3A_31 = tpu.memref_slice %arg8[%dma_start3A_29, %dma_start3A_30] : memref<125x80xi32, #tpu.memory_space<vmem>> -> memref<1x80xi32, #tpu.memory_space<vmem>>
    %dma_start3A_32 = tpu.memref_squeeze %dma_start3A_31 : memref<1x80xi32, #tpu.memory_space<vmem>> -> memref<80xi32, #tpu.memory_space<vmem>>
    %dma_start3A_33 = arith.constant 0 : i32
    %dma_start3A_34 = arith.constant 0 : i32
    %dma_start3A_35 = tpu.memref_slice %arg13[%dma_start3A_33, %dma_start3A_34] : memref<10240x32xf32, #tpu.memory_space<vmem_shared>> -> memref<10240x32xf32, #tpu.memory_space<vmem_shared>>
    tpu.enqueue_indirect_dma source(%arg9 : memref<80x32xf32, #tpu.memory_space<vmem>>) target(%dma_start3A_35 : memref<10240x32xf32, #tpu.memory_space<vmem_shared>>) offsets(%dma_start3A_32 : memref<80xi32, #tpu.memory_space<vmem>>) semaphore(%arg18 : memref<!tpu.dma_semaphore, #tpu.memory_space<semaphore_mem>>) {add = true}
    %dma_start3A_36 = arith.constant 3 : i32
    %dma_start3A_37 = arith.constant 0 : i32
    %dma_start3A_38 = tpu.memref_slice %arg7[%dma_start3A_36, %dma_start3A_37] : memref<125x80xi32, #tpu.memory_space<vmem>> -> memref<1x80xi32, #tpu.memory_space<vmem>>
    %dma_start3A_39 = tpu.memref_squeeze %dma_start3A_38 : memref<1x80xi32, #tpu.memory_space<vmem>> -> memref<80xi32, #tpu.memory_space<vmem>>
    %dma_start3A_40 = arith.constant 0 : i32
    %dma_start3A_41 = arith.constant 0 : i32
    %dma_start3A_42 = tpu.memref_slice %arg2[%dma_start3A_40, %dma_start3A_41] : memref<10240x32xf32, #tpu.memory_space<hbm>> -> memref<10240x32xf32, #tpu.memory_space<hbm>>
    tpu.enqueue_indirect_dma source(%dma_start3A_42 : memref<10240x32xf32, #tpu.memory_space<hbm>>) target(%arg12 : memref<80x32xf32, #tpu.memory_space<vmem>>) offsets(%dma_start3A_39 : memref<80xi32, #tpu.memory_space<vmem>>) semaphore(%arg17 : memref<!tpu.dma_semaphore, #tpu.memory_space<semaphore_mem>>)
    %dma_wait3A_43 = arith.constant 0 : i32
    %dma_wait3A_44 = arith.constant 0 : i32
    %dma_wait3A_45 = tpu.memref_slice %arg7[%dma_wait3A_43, %dma_wait3A_44] : memref<125x80xi32, #tpu.memory_space<vmem>> -> memref<1x80xi32, #tpu.memory_space<vmem>>
    %dma_wait3A_46 = tpu.memref_squeeze %dma_wait3A_45 : memref<1x80xi32, #tpu.memory_space<vmem>> -> memref<80xi32, #tpu.memory_space<vmem>>
    %dma_wait3A_47 = arith.constant 0 : i32
    %dma_wait3A_48 = arith.constant 0 : i32
    %dma_wait3A_49 = tpu.memref_slice %arg2[%dma_wait3A_47, %dma_wait3A_48] : memref<10240x32xf32, #tpu.memory_space<hbm>> -> memref<10240x32xf32, #tpu.memory_space<hbm>>
    tpu.wait_indirect_dma semaphore(%arg15 : memref<!tpu.dma_semaphore, #tpu.memory_space<semaphore_mem>>) src(%dma_wait3A_49 : memref<10240x32xf32, #tpu.memory_space<hbm>>) dst(%arg10 : memref<80x32xf32, #tpu.memory_space<vmem>>)
    %dma_start3A_50 = arith.constant 1 : i32
    %dma_start3A_51 = arith.constant 0 : i32
    %dma_start3A_52 = tpu.memref_slice %arg8[%dma_start3A_50, %dma_start3A_51] : memref<125x80xi32, #tpu.memory_space<vmem>> -> memref<1x80xi32, #tpu.memory_space<vmem>>
    %dma_start3A_53 = tpu.memref_squeeze %dma_start3A_52 : memref<1x80xi32, #tpu.memory_space<vmem>> -> memref<80xi32, #tpu.memory_space<vmem>>
    %dma_start3A_54 = arith.constant 0 : i32
    %dma_start3A_55 = arith.constant 0 : i32
    %dma_start3A_56 = tpu.memref_slice %arg13[%dma_start3A_54, %dma_start3A_55] : memref<10240x32xf32, #tpu.memory_space<vmem_shared>> -> memref<10240x32xf32, #tpu.memory_space<vmem_shared>>
    tpu.enqueue_indirect_dma source(%arg10 : memref<80x32xf32, #tpu.memory_space<vmem>>) target(%dma_start3A_56 : memref<10240x32xf32, #tpu.memory_space<vmem_shared>>) offsets(%dma_start3A_53 : memref<80xi32, #tpu.memory_space<vmem>>) semaphore(%arg19 : memref<!tpu.dma_semaphore, #tpu.memory_space<semaphore_mem>>) {add = true}
    %scan3A = arith.constant 0 : i32
    %scan3A_57 = arith.constant 0 : i32
    %scan3A_58 = arith.constant 30 : i32
    %scan3A_59 = arith.addi %scan3A_57, %scan3A_58 : i32
    %scan3A_60 = arith.constant 1 : i32
    scf.for %scan3A_147 = %scan3A_57 to %scan3A_59 step %scan3A_60  : i32 {
      %mul3A_148 = arith.constant 4 : i32
      %mul3A_149 = arith.muli %mul3A_148, %scan3A_147 : i32
      %add3A_150 = arith.constant 2 : i32
      %add3A_151 = arith.addi %mul3A_149, %add3A_150 : i32
      %add3A_152 = arith.constant 0 : i32
      %add3A_153 = arith.addi %add3A_151, %add3A_152 : i32
      %dma_wait3A_154 = arith.constant 0 : i32
      %dma_wait3A_155 = arith.constant 0 : i32
      %dma_wait3A_156 = tpu.memref_slice %arg7[%dma_wait3A_154, %dma_wait3A_155] : memref<125x80xi32, #tpu.memory_space<vmem>> -> memref<1x80xi32, #tpu.memory_space<vmem>>
      %dma_wait3A_157 = tpu.memref_squeeze %dma_wait3A_156 : memref<1x80xi32, #tpu.memory_space<vmem>> -> memref<80xi32, #tpu.memory_space<vmem>>
      %dma_wait3A_158 = arith.constant 0 : i32
      %dma_wait3A_159 = arith.constant 0 : i32
      %dma_wait3A_160 = tpu.memref_slice %arg2[%dma_wait3A_158, %dma_wait3A_159] : memref<10240x32xf32, #tpu.memory_space<hbm>> -> memref<10240x32xf32, #tpu.memory_space<hbm>>
      tpu.wait_indirect_dma semaphore(%arg18 : memref<!tpu.dma_semaphore, #tpu.memory_space<semaphore_mem>>) src(%dma_wait3A_160 : memref<10240x32xf32, #tpu.memory_space<hbm>>) dst(%arg9 : memref<80x32xf32, #tpu.memory_space<vmem>>)
      %add3A_161 = arith.constant 2 : i32
      %add3A_162 = arith.addi %add3A_153, %add3A_161 : i32
      %dma_start3A_163 = arith.constant 0 : i32
      %dma_start3A_164 = tpu.memref_slice %arg7[%add3A_162, %dma_start3A_163] : memref<125x80xi32, #tpu.memory_space<vmem>> -> memref<1x80xi32, #tpu.memory_space<vmem>>
      %dma_start3A_165 = tpu.memref_squeeze %dma_start3A_164 : memref<1x80xi32, #tpu.memory_space<vmem>> -> memref<80xi32, #tpu.memory_space<vmem>>
      %dma_start3A_166 = arith.constant 0 : i32
      %dma_start3A_167 = arith.constant 0 : i32
      %dma_start3A_168 = tpu.memref_slice %arg2[%dma_start3A_166, %dma_start3A_167] : memref<10240x32xf32, #tpu.memory_space<hbm>> -> memref<10240x32xf32, #tpu.memory_space<hbm>>
      tpu.enqueue_indirect_dma source(%dma_start3A_168 : memref<10240x32xf32, #tpu.memory_space<hbm>>) target(%arg9 : memref<80x32xf32, #tpu.memory_space<vmem>>) offsets(%dma_start3A_165 : memref<80xi32, #tpu.memory_space<vmem>>) semaphore(%arg14 : memref<!tpu.dma_semaphore, #tpu.memory_space<semaphore_mem>>)
      %dma_wait3A_169 = arith.constant 0 : i32
      %dma_wait3A_170 = arith.constant 0 : i32
      %dma_wait3A_171 = tpu.memref_slice %arg7[%dma_wait3A_169, %dma_wait3A_170] : memref<125x80xi32, #tpu.memory_space<vmem>> -> memref<1x80xi32, #tpu.memory_space<vmem>>
      %dma_wait3A_172 = tpu.memref_squeeze %dma_wait3A_171 : memref<1x80xi32, #tpu.memory_space<vmem>> -> memref<80xi32, #tpu.memory_space<vmem>>
      %dma_wait3A_173 = arith.constant 0 : i32
      %dma_wait3A_174 = arith.constant 0 : i32
      %dma_wait3A_175 = tpu.memref_slice %arg2[%dma_wait3A_173, %dma_wait3A_174] : memref<10240x32xf32, #tpu.memory_space<hbm>> -> memref<10240x32xf32, #tpu.memory_space<hbm>>
      tpu.wait_indirect_dma semaphore(%arg16 : memref<!tpu.dma_semaphore, #tpu.memory_space<semaphore_mem>>) src(%dma_wait3A_175 : memref<10240x32xf32, #tpu.memory_space<hbm>>) dst(%arg11 : memref<80x32xf32, #tpu.memory_space<vmem>>)
      %dma_start3A_176 = arith.constant 0 : i32
      %dma_start3A_177 = tpu.memref_slice %arg8[%add3A_153, %dma_start3A_176] : memref<125x80xi32, #tpu.memory_space<vmem>> -> memref<1x80xi32, #tpu.memory_space<vmem>>
      %dma_start3A_178 = tpu.memref_squeeze %dma_start3A_177 : memref<1x80xi32, #tpu.memory_space<vmem>> -> memref<80xi32, #tpu.memory_space<vmem>>
      %dma_start3A_179 = arith.constant 0 : i32
      %dma_start3A_180 = arith.constant 0 : i32
      %dma_start3A_181 = tpu.memref_slice %arg13[%dma_start3A_179, %dma_start3A_180] : memref<10240x32xf32, #tpu.memory_space<vmem_shared>> -> memref<10240x32xf32, #tpu.memory_space<vmem_shared>>
      tpu.enqueue_indirect_dma source(%arg11 : memref<80x32xf32, #tpu.memory_space<vmem>>) target(%dma_start3A_181 : memref<10240x32xf32, #tpu.memory_space<vmem_shared>>) offsets(%dma_start3A_178 : memref<80xi32, #tpu.memory_space<vmem>>) semaphore(%arg20 : memref<!tpu.dma_semaphore, #tpu.memory_space<semaphore_mem>>) {add = true}
      %add3A_182 = arith.constant 1 : i32
      %add3A_183 = arith.addi %add3A_151, %add3A_182 : i32
      %dma_wait3A_184 = arith.constant 0 : i32
      %dma_wait3A_185 = arith.constant 0 : i32
      %dma_wait3A_186 = tpu.memref_slice %arg7[%dma_wait3A_184, %dma_wait3A_185] : memref<125x80xi32, #tpu.memory_space<vmem>> -> memref<1x80xi32, #tpu.memory_space<vmem>>
      %dma_wait3A_187 = tpu.memref_squeeze %dma_wait3A_186 : memref<1x80xi32, #tpu.memory_space<vmem>> -> memref<80xi32, #tpu.memory_space<vmem>>
      %dma_wait3A_188 = arith.constant 0 : i32
      %dma_wait3A_189 = arith.constant 0 : i32
      %dma_wait3A_190 = tpu.memref_slice %arg2[%dma_wait3A_188, %dma_wait3A_189] : memref<10240x32xf32, #tpu.memory_space<hbm>> -> memref<10240x32xf32, #tpu.memory_space<hbm>>
      tpu.wait_indirect_dma semaphore(%arg19 : memref<!tpu.dma_semaphore, #tpu.memory_space<semaphore_mem>>) src(%dma_wait3A_190 : memref<10240x32xf32, #tpu.memory_space<hbm>>) dst(%arg10 : memref<80x32xf32, #tpu.memory_space<vmem>>)
      %add3A_191 = arith.constant 2 : i32
      %add3A_192 = arith.addi %add3A_183, %add3A_191 : i32
      %dma_start3A_193 = arith.constant 0 : i32
      %dma_start3A_194 = tpu.memref_slice %arg7[%add3A_192, %dma_start3A_193] : memref<125x80xi32, #tpu.memory_space<vmem>> -> memref<1x80xi32, #tpu.memory_space<vmem>>
      %dma_start3A_195 = tpu.memref_squeeze %dma_start3A_194 : memref<1x80xi32, #tpu.memory_space<vmem>> -> memref<80xi32, #tpu.memory_space<vmem>>
      %dma_start3A_196 = arith.constant 0 : i32
      %dma_start3A_197 = arith.constant 0 : i32
      %dma_start3A_198 = tpu.memref_slice %arg2[%dma_start3A_196, %dma_start3A_197] : memref<10240x32xf32, #tpu.memory_space<hbm>> -> memref<10240x32xf32, #tpu.memory_space<hbm>>
      tpu.enqueue_indirect_dma source(%dma_start3A_198 : memref<10240x32xf32, #tpu.memory_space<hbm>>) target(%arg10 : memref<80x32xf32, #tpu.memory_space<vmem>>) offsets(%dma_start3A_195 : memref<80xi32, #tpu.memory_space<vmem>>) semaphore(%arg15 : memref<!tpu.dma_semaphore, #tpu.memory_space<semaphore_mem>>)
      %dma_wait3A_199 = arith.constant 0 : i32
      %dma_wait3A_200 = arith.constant 0 : i32
      %dma_wait3A_201 = tpu.memref_slice %arg7[%dma_wait3A_199, %dma_wait3A_200] : memref<125x80xi32, #tpu.memory_space<vmem>> -> memref<1x80xi32, #tpu.memory_space<vmem>>
      %dma_wait3A_202 = tpu.memref_squeeze %dma_wait3A_201 : memref<1x80xi32, #tpu.memory_space<vmem>> -> memref<80xi32, #tpu.memory_space<vmem>>
      %dma_wait3A_203 = arith.constant 0 : i32
      %dma_wait3A_204 = arith.constant 0 : i32
      %dma_wait3A_205 = tpu.memref_slice %arg2[%dma_wait3A_203, %dma_wait3A_204] : memref<10240x32xf32, #tpu.memory_space<hbm>> -> memref<10240x32xf32, #tpu.memory_space<hbm>>
      tpu.wait_indirect_dma semaphore(%arg17 : memref<!tpu.dma_semaphore, #tpu.memory_space<semaphore_mem>>) src(%dma_wait3A_205 : memref<10240x32xf32, #tpu.memory_space<hbm>>) dst(%arg12 : memref<80x32xf32, #tpu.memory_space<vmem>>)
      %dma_start3A_206 = arith.constant 0 : i32
      %dma_start3A_207 = tpu.memref_slice %arg8[%add3A_183, %dma_start3A_206] : memref<125x80xi32, #tpu.memory_space<vmem>> -> memref<1x80xi32, #tpu.memory_space<vmem>>
      %dma_start3A_208 = tpu.memref_squeeze %dma_start3A_207 : memref<1x80xi32, #tpu.memory_space<vmem>> -> memref<80xi32, #tpu.memory_space<vmem>>
      %dma_start3A_209 = arith.constant 0 : i32
      %dma_start3A_210 = arith.constant 0 : i32
      %dma_start3A_211 = tpu.memref_slice %arg13[%dma_start3A_209, %dma_start3A_210] : memref<10240x32xf32, #tpu.memory_space<vmem_shared>> -> memref<10240x32xf32, #tpu.memory_space<vmem_shared>>
      tpu.enqueue_indirect_dma source(%arg12 : memref<80x32xf32, #tpu.memory_space<vmem>>) target(%dma_start3A_211 : memref<10240x32xf32, #tpu.memory_space<vmem_shared>>) offsets(%dma_start3A_208 : memref<80xi32, #tpu.memory_space<vmem>>) semaphore(%arg21 : memref<!tpu.dma_semaphore, #tpu.memory_space<semaphore_mem>>) {add = true}
      %add3A_212 = arith.constant 2 : i32
      %add3A_213 = arith.addi %add3A_151, %add3A_212 : i32
      %dma_wait3A_214 = arith.constant 0 : i32
      %dma_wait3A_215 = arith.constant 0 : i32
      %dma_wait3A_216 = tpu.memref_slice %arg7[%dma_wait3A_214, %dma_wait3A_215] : memref<125x80xi32, #tpu.memory_space<vmem>> -> memref<1x80xi32, #tpu.memory_space<vmem>>
      %dma_wait3A_217 = tpu.memref_squeeze %dma_wait3A_216 : memref<1x80xi32, #tpu.memory_space<vmem>> -> memref<80xi32, #tpu.memory_space<vmem>>
      %dma_wait3A_218 = arith.constant 0 : i32
      %dma_wait3A_219 = arith.constant 0 : i32
      %dma_wait3A_220 = tpu.memref_slice %arg2[%dma_wait3A_218, %dma_wait3A_219] : memref<10240x32xf32, #tpu.memory_space<hbm>> -> memref<10240x32xf32, #tpu.memory_space<hbm>>
      tpu.wait_indirect_dma semaphore(%arg20 : memref<!tpu.dma_semaphore, #tpu.memory_space<semaphore_mem>>) src(%dma_wait3A_220 : memref<10240x32xf32, #tpu.memory_space<hbm>>) dst(%arg11 : memref<80x32xf32, #tpu.memory_space<vmem>>)
      %add3A_221 = arith.constant 2 : i32
      %add3A_222 = arith.addi %add3A_213, %add3A_221 : i32
      %dma_start3A_223 = arith.constant 0 : i32
      %dma_start3A_224 = tpu.memref_slice %arg7[%add3A_222, %dma_start3A_223] : memref<125x80xi32, #tpu.memory_space<vmem>> -> memref<1x80xi32, #tpu.memory_space<vmem>>
      %dma_start3A_225 = tpu.memref_squeeze %dma_start3A_224 : memref<1x80xi32, #tpu.memory_space<vmem>> -> memref<80xi32, #tpu.memory_space<vmem>>
      %dma_start3A_226 = arith.constant 0 : i32
      %dma_start3A_227 = arith.constant 0 : i32
      %dma_start3A_228 = tpu.memref_slice %arg2[%dma_start3A_226, %dma_start3A_227] : memref<10240x32xf32, #tpu.memory_space<hbm>> -> memref<10240x32xf32, #tpu.memory_space<hbm>>
      tpu.enqueue_indirect_dma source(%dma_start3A_228 : memref<10240x32xf32, #tpu.memory_space<hbm>>) target(%arg11 : memref<80x32xf32, #tpu.memory_space<vmem>>) offsets(%dma_start3A_225 : memref<80xi32, #tpu.memory_space<vmem>>) semaphore(%arg16 : memref<!tpu.dma_semaphore, #tpu.memory_space<semaphore_mem>>)
      %dma_wait3A_229 = arith.constant 0 : i32
      %dma_wait3A_230 = arith.constant 0 : i32
      %dma_wait3A_231 = tpu.memref_slice %arg7[%dma_wait3A_229, %dma_wait3A_230] : memref<125x80xi32, #tpu.memory_space<vmem>> -> memref<1x80xi32, #tpu.memory_space<vmem>>
      %dma_wait3A_232 = tpu.memref_squeeze %dma_wait3A_231 : memref<1x80xi32, #tpu.memory_space<vmem>> -> memref<80xi32, #tpu.memory_space<vmem>>
      %dma_wait3A_233 = arith.constant 0 : i32
      %dma_wait3A_234 = arith.constant 0 : i32
      %dma_wait3A_235 = tpu.memref_slice %arg2[%dma_wait3A_233, %dma_wait3A_234] : memref<10240x32xf32, #tpu.memory_space<hbm>> -> memref<10240x32xf32, #tpu.memory_space<hbm>>
      tpu.wait_indirect_dma semaphore(%arg14 : memref<!tpu.dma_semaphore, #tpu.memory_space<semaphore_mem>>) src(%dma_wait3A_235 : memref<10240x32xf32, #tpu.memory_space<hbm>>) dst(%arg9 : memref<80x32xf32, #tpu.memory_space<vmem>>)
      %dma_start3A_236 = arith.constant 0 : i32
      %dma_start3A_237 = tpu.memref_slice %arg8[%add3A_213, %dma_start3A_236] : memref<125x80xi32, #tpu.memory_space<vmem>> -> memref<1x80xi32, #tpu.memory_space<vmem>>
      %dma_start3A_238 = tpu.memref_squeeze %dma_start3A_237 : memref<1x80xi32, #tpu.memory_space<vmem>> -> memref<80xi32, #tpu.memory_space<vmem>>
      %dma_start3A_239 = arith.constant 0 : i32
      %dma_start3A_240 = arith.constant 0 : i32
      %dma_start3A_241 = tpu.memref_slice %arg13[%dma_start3A_239, %dma_start3A_240] : memref<10240x32xf32, #tpu.memory_space<vmem_shared>> -> memref<10240x32xf32, #tpu.memory_space<vmem_shared>>
      tpu.enqueue_indirect_dma source(%arg9 : memref<80x32xf32, #tpu.memory_space<vmem>>) target(%dma_start3A_241 : memref<10240x32xf32, #tpu.memory_space<vmem_shared>>) offsets(%dma_start3A_238 : memref<80xi32, #tpu.memory_space<vmem>>) semaphore(%arg18 : memref<!tpu.dma_semaphore, #tpu.memory_space<semaphore_mem>>) {add = true}
      %add3A_242 = arith.constant 3 : i32
      %add3A_243 = arith.addi %add3A_151, %add3A_242 : i32
      %dma_wait3A_244 = arith.constant 0 : i32
      %dma_wait3A_245 = arith.constant 0 : i32
      %dma_wait3A_246 = tpu.memref_slice %arg7[%dma_wait3A_244, %dma_wait3A_245] : memref<125x80xi32, #tpu.memory_space<vmem>> -> memref<1x80xi32, #tpu.memory_space<vmem>>
      %dma_wait3A_247 = tpu.memref_squeeze %dma_wait3A_246 : memref<1x80xi32, #tpu.memory_space<vmem>> -> memref<80xi32, #tpu.memory_space<vmem>>
      %dma_wait3A_248 = arith.constant 0 : i32
      %dma_wait3A_249 = arith.constant 0 : i32
      %dma_wait3A_250 = tpu.memref_slice %arg2[%dma_wait3A_248, %dma_wait3A_249] : memref<10240x32xf32, #tpu.memory_space<hbm>> -> memref<10240x32xf32, #tpu.memory_space<hbm>>
      tpu.wait_indirect_dma semaphore(%arg21 : memref<!tpu.dma_semaphore, #tpu.memory_space<semaphore_mem>>) src(%dma_wait3A_250 : memref<10240x32xf32, #tpu.memory_space<hbm>>) dst(%arg12 : memref<80x32xf32, #tpu.memory_space<vmem>>)
      %add3A_251 = arith.constant 2 : i32
      %add3A_252 = arith.addi %add3A_243, %add3A_251 : i32
      %dma_start3A_253 = arith.constant 0 : i32
      %dma_start3A_254 = tpu.memref_slice %arg7[%add3A_252, %dma_start3A_253] : memref<125x80xi32, #tpu.memory_space<vmem>> -> memref<1x80xi32, #tpu.memory_space<vmem>>
      %dma_start3A_255 = tpu.memref_squeeze %dma_start3A_254 : memref<1x80xi32, #tpu.memory_space<vmem>> -> memref<80xi32, #tpu.memory_space<vmem>>
      %dma_start3A_256 = arith.constant 0 : i32
      %dma_start3A_257 = arith.constant 0 : i32
      %dma_start3A_258 = tpu.memref_slice %arg2[%dma_start3A_256, %dma_start3A_257] : memref<10240x32xf32, #tpu.memory_space<hbm>> -> memref<10240x32xf32, #tpu.memory_space<hbm>>
      tpu.enqueue_indirect_dma source(%dma_start3A_258 : memref<10240x32xf32, #tpu.memory_space<hbm>>) target(%arg12 : memref<80x32xf32, #tpu.memory_space<vmem>>) offsets(%dma_start3A_255 : memref<80xi32, #tpu.memory_space<vmem>>) semaphore(%arg17 : memref<!tpu.dma_semaphore, #tpu.memory_space<semaphore_mem>>)
      %dma_wait3A_259 = arith.constant 0 : i32
      %dma_wait3A_260 = arith.constant 0 : i32
      %dma_wait3A_261 = tpu.memref_slice %arg7[%dma_wait3A_259, %dma_wait3A_260] : memref<125x80xi32, #tpu.memory_space<vmem>> -> memref<1x80xi32, #tpu.memory_space<vmem>>
      %dma_wait3A_262 = tpu.memref_squeeze %dma_wait3A_261 : memref<1x80xi32, #tpu.memory_space<vmem>> -> memref<80xi32, #tpu.memory_space<vmem>>
      %dma_wait3A_263 = arith.constant 0 : i32
      %dma_wait3A_264 = arith.constant 0 : i32
      %dma_wait3A_265 = tpu.memref_slice %arg2[%dma_wait3A_263, %dma_wait3A_264] : memref<10240x32xf32, #tpu.memory_space<hbm>> -> memref<10240x32xf32, #tpu.memory_space<hbm>>
      tpu.wait_indirect_dma semaphore(%arg15 : memref<!tpu.dma_semaphore, #tpu.memory_space<semaphore_mem>>) src(%dma_wait3A_265 : memref<10240x32xf32, #tpu.memory_space<hbm>>) dst(%arg10 : memref<80x32xf32, #tpu.memory_space<vmem>>)
      %dma_start3A_266 = arith.constant 0 : i32
      %dma_start3A_267 = tpu.memref_slice %arg8[%add3A_243, %dma_start3A_266] : memref<125x80xi32, #tpu.memory_space<vmem>> -> memref<1x80xi32, #tpu.memory_space<vmem>>
      %dma_start3A_268 = tpu.memref_squeeze %dma_start3A_267 : memref<1x80xi32, #tpu.memory_space<vmem>> -> memref<80xi32, #tpu.memory_space<vmem>>
      %dma_start3A_269 = arith.constant 0 : i32
      %dma_start3A_270 = arith.constant 0 : i32
      %dma_start3A_271 = tpu.memref_slice %arg13[%dma_start3A_269, %dma_start3A_270] : memref<10240x32xf32, #tpu.memory_space<vmem_shared>> -> memref<10240x32xf32, #tpu.memory_space<vmem_shared>>
      tpu.enqueue_indirect_dma source(%arg10 : memref<80x32xf32, #tpu.memory_space<vmem>>) target(%dma_start3A_271 : memref<10240x32xf32, #tpu.memory_space<vmem_shared>>) offsets(%dma_start3A_268 : memref<80xi32, #tpu.memory_space<vmem>>) semaphore(%arg19 : memref<!tpu.dma_semaphore, #tpu.memory_space<semaphore_mem>>) {add = true}
    }
    %scan3A_61 = arith.constant 30 : i32
    %dma_wait3A_62 = arith.constant 0 : i32
    %dma_wait3A_63 = arith.constant 0 : i32
    %dma_wait3A_64 = tpu.memref_slice %arg7[%dma_wait3A_62, %dma_wait3A_63] : memref<125x80xi32, #tpu.memory_space<vmem>> -> memref<1x80xi32, #tpu.memory_space<vmem>>
    %dma_wait3A_65 = tpu.memref_squeeze %dma_wait3A_64 : memref<1x80xi32, #tpu.memory_space<vmem>> -> memref<80xi32, #tpu.memory_space<vmem>>
    %dma_wait3A_66 = arith.constant 0 : i32
    %dma_wait3A_67 = arith.constant 0 : i32
    %dma_wait3A_68 = tpu.memref_slice %arg2[%dma_wait3A_66, %dma_wait3A_67] : memref<10240x32xf32, #tpu.memory_space<hbm>> -> memref<10240x32xf32, #tpu.memory_space<hbm>>
    tpu.wait_indirect_dma semaphore(%arg18 : memref<!tpu.dma_semaphore, #tpu.memory_space<semaphore_mem>>) src(%dma_wait3A_68 : memref<10240x32xf32, #tpu.memory_space<hbm>>) dst(%arg9 : memref<80x32xf32, #tpu.memory_space<vmem>>)
    %dma_start3A_69 = arith.constant 124 : i32
    %dma_start3A_70 = arith.constant 0 : i32
    %dma_start3A_71 = tpu.memref_slice %arg7[%dma_start3A_69, %dma_start3A_70] : memref<125x80xi32, #tpu.memory_space<vmem>> -> memref<1x80xi32, #tpu.memory_space<vmem>>
    %dma_start3A_72 = tpu.memref_squeeze %dma_start3A_71 : memref<1x80xi32, #tpu.memory_space<vmem>> -> memref<80xi32, #tpu.memory_space<vmem>>
    %dma_start3A_73 = arith.constant 0 : i32
    %dma_start3A_74 = arith.constant 0 : i32
    %dma_start3A_75 = tpu.memref_slice %arg2[%dma_start3A_73, %dma_start3A_74] : memref<10240x32xf32, #tpu.memory_space<hbm>> -> memref<10240x32xf32, #tpu.memory_space<hbm>>
    tpu.enqueue_indirect_dma source(%dma_start3A_75 : memref<10240x32xf32, #tpu.memory_space<hbm>>) target(%arg9 : memref<80x32xf32, #tpu.memory_space<vmem>>) offsets(%dma_start3A_72 : memref<80xi32, #tpu.memory_space<vmem>>) semaphore(%arg14 : memref<!tpu.dma_semaphore, #tpu.memory_space<semaphore_mem>>)
    %dma_wait3A_76 = arith.constant 0 : i32
    %dma_wait3A_77 = arith.constant 0 : i32
    %dma_wait3A_78 = tpu.memref_slice %arg7[%dma_wait3A_76, %dma_wait3A_77] : memref<125x80xi32, #tpu.memory_space<vmem>> -> memref<1x80xi32, #tpu.memory_space<vmem>>
    %dma_wait3A_79 = tpu.memref_squeeze %dma_wait3A_78 : memref<1x80xi32, #tpu.memory_space<vmem>> -> memref<80xi32, #tpu.memory_space<vmem>>
    %dma_wait3A_80 = arith.constant 0 : i32
    %dma_wait3A_81 = arith.constant 0 : i32
    %dma_wait3A_82 = tpu.memref_slice %arg2[%dma_wait3A_80, %dma_wait3A_81] : memref<10240x32xf32, #tpu.memory_space<hbm>> -> memref<10240x32xf32, #tpu.memory_space<hbm>>
    tpu.wait_indirect_dma semaphore(%arg16 : memref<!tpu.dma_semaphore, #tpu.memory_space<semaphore_mem>>) src(%dma_wait3A_82 : memref<10240x32xf32, #tpu.memory_space<hbm>>) dst(%arg11 : memref<80x32xf32, #tpu.memory_space<vmem>>)
    %dma_start3A_83 = arith.constant 122 : i32
    %dma_start3A_84 = arith.constant 0 : i32
    %dma_start3A_85 = tpu.memref_slice %arg8[%dma_start3A_83, %dma_start3A_84] : memref<125x80xi32, #tpu.memory_space<vmem>> -> memref<1x80xi32, #tpu.memory_space<vmem>>
    %dma_start3A_86 = tpu.memref_squeeze %dma_start3A_85 : memref<1x80xi32, #tpu.memory_space<vmem>> -> memref<80xi32, #tpu.memory_space<vmem>>
    %dma_start3A_87 = arith.constant 0 : i32
    %dma_start3A_88 = arith.constant 0 : i32
    %dma_start3A_89 = tpu.memref_slice %arg13[%dma_start3A_87, %dma_start3A_88] : memref<10240x32xf32, #tpu.memory_space<vmem_shared>> -> memref<10240x32xf32, #tpu.memory_space<vmem_shared>>
    tpu.enqueue_indirect_dma source(%arg11 : memref<80x32xf32, #tpu.memory_space<vmem>>) target(%dma_start3A_89 : memref<10240x32xf32, #tpu.memory_space<vmem_shared>>) offsets(%dma_start3A_86 : memref<80xi32, #tpu.memory_space<vmem>>) semaphore(%arg20 : memref<!tpu.dma_semaphore, #tpu.memory_space<semaphore_mem>>) {add = true}
    %dma_wait3A_90 = arith.constant 0 : i32
    %dma_wait3A_91 = arith.constant 0 : i32
    %dma_wait3A_92 = tpu.memref_slice %arg7[%dma_wait3A_90, %dma_wait3A_91] : memref<125x80xi32, #tpu.memory_space<vmem>> -> memref<1x80xi32, #tpu.memory_space<vmem>>
    %dma_wait3A_93 = tpu.memref_squeeze %dma_wait3A_92 : memref<1x80xi32, #tpu.memory_space<vmem>> -> memref<80xi32, #tpu.memory_space<vmem>>
    %dma_wait3A_94 = arith.constant 0 : i32
    %dma_wait3A_95 = arith.constant 0 : i32
    %dma_wait3A_96 = tpu.memref_slice %arg2[%dma_wait3A_94, %dma_wait3A_95] : memref<10240x32xf32, #tpu.memory_space<hbm>> -> memref<10240x32xf32, #tpu.memory_space<hbm>>
    tpu.wait_indirect_dma semaphore(%arg19 : memref<!tpu.dma_semaphore, #tpu.memory_space<semaphore_mem>>) src(%dma_wait3A_96 : memref<10240x32xf32, #tpu.memory_space<hbm>>) dst(%arg10 : memref<80x32xf32, #tpu.memory_space<vmem>>)
    %dma_wait3A_97 = arith.constant 0 : i32
    %dma_wait3A_98 = arith.constant 0 : i32
    %dma_wait3A_99 = tpu.memref_slice %arg7[%dma_wait3A_97, %dma_wait3A_98] : memref<125x80xi32, #tpu.memory_space<vmem>> -> memref<1x80xi32, #tpu.memory_space<vmem>>
    %dma_wait3A_100 = tpu.memref_squeeze %dma_wait3A_99 : memref<1x80xi32, #tpu.memory_space<vmem>> -> memref<80xi32, #tpu.memory_space<vmem>>
    %dma_wait3A_101 = arith.constant 0 : i32
    %dma_wait3A_102 = arith.constant 0 : i32
    %dma_wait3A_103 = tpu.memref_slice %arg2[%dma_wait3A_101, %dma_wait3A_102] : memref<10240x32xf32, #tpu.memory_space<hbm>> -> memref<10240x32xf32, #tpu.memory_space<hbm>>
    tpu.wait_indirect_dma semaphore(%arg17 : memref<!tpu.dma_semaphore, #tpu.memory_space<semaphore_mem>>) src(%dma_wait3A_103 : memref<10240x32xf32, #tpu.memory_space<hbm>>) dst(%arg12 : memref<80x32xf32, #tpu.memory_space<vmem>>)
    %dma_start3A_104 = arith.constant 123 : i32
    %dma_start3A_105 = arith.constant 0 : i32
    %dma_start3A_106 = tpu.memref_slice %arg8[%dma_start3A_104, %dma_start3A_105] : memref<125x80xi32, #tpu.memory_space<vmem>> -> memref<1x80xi32, #tpu.memory_space<vmem>>
    %dma_start3A_107 = tpu.memref_squeeze %dma_start3A_106 : memref<1x80xi32, #tpu.memory_space<vmem>> -> memref<80xi32, #tpu.memory_space<vmem>>
    %dma_start3A_108 = arith.constant 0 : i32
    %dma_start3A_109 = arith.constant 0 : i32
    %dma_start3A_110 = tpu.memref_slice %arg13[%dma_start3A_108, %dma_start3A_109] : memref<10240x32xf32, #tpu.memory_space<vmem_shared>> -> memref<10240x32xf32, #tpu.memory_space<vmem_shared>>
    tpu.enqueue_indirect_dma source(%arg12 : memref<80x32xf32, #tpu.memory_space<vmem>>) target(%dma_start3A_110 : memref<10240x32xf32, #tpu.memory_space<vmem_shared>>) offsets(%dma_start3A_107 : memref<80xi32, #tpu.memory_space<vmem>>) semaphore(%arg21 : memref<!tpu.dma_semaphore, #tpu.memory_space<semaphore_mem>>) {add = true}
    %dma_wait3A_111 = arith.constant 0 : i32
    %dma_wait3A_112 = arith.constant 0 : i32
    %dma_wait3A_113 = tpu.memref_slice %arg7[%dma_wait3A_111, %dma_wait3A_112] : memref<125x80xi32, #tpu.memory_space<vmem>> -> memref<1x80xi32, #tpu.memory_space<vmem>>
    %dma_wait3A_114 = tpu.memref_squeeze %dma_wait3A_113 : memref<1x80xi32, #tpu.memory_space<vmem>> -> memref<80xi32, #tpu.memory_space<vmem>>
    %dma_wait3A_115 = arith.constant 0 : i32
    %dma_wait3A_116 = arith.constant 0 : i32
    %dma_wait3A_117 = tpu.memref_slice %arg2[%dma_wait3A_115, %dma_wait3A_116] : memref<10240x32xf32, #tpu.memory_space<hbm>> -> memref<10240x32xf32, #tpu.memory_space<hbm>>
    tpu.wait_indirect_dma semaphore(%arg20 : memref<!tpu.dma_semaphore, #tpu.memory_space<semaphore_mem>>) src(%dma_wait3A_117 : memref<10240x32xf32, #tpu.memory_space<hbm>>) dst(%arg11 : memref<80x32xf32, #tpu.memory_space<vmem>>)
    %dma_wait3A_118 = arith.constant 0 : i32
    %dma_wait3A_119 = arith.constant 0 : i32
    %dma_wait3A_120 = tpu.memref_slice %arg7[%dma_wait3A_118, %dma_wait3A_119] : memref<125x80xi32, #tpu.memory_space<vmem>> -> memref<1x80xi32, #tpu.memory_space<vmem>>
    %dma_wait3A_121 = tpu.memref_squeeze %dma_wait3A_120 : memref<1x80xi32, #tpu.memory_space<vmem>> -> memref<80xi32, #tpu.memory_space<vmem>>
    %dma_wait3A_122 = arith.constant 0 : i32
    %dma_wait3A_123 = arith.constant 0 : i32
    %dma_wait3A_124 = tpu.memref_slice %arg2[%dma_wait3A_122, %dma_wait3A_123] : memref<10240x32xf32, #tpu.memory_space<hbm>> -> memref<10240x32xf32, #tpu.memory_space<hbm>>
    tpu.wait_indirect_dma semaphore(%arg14 : memref<!tpu.dma_semaphore, #tpu.memory_space<semaphore_mem>>) src(%dma_wait3A_124 : memref<10240x32xf32, #tpu.memory_space<hbm>>) dst(%arg9 : memref<80x32xf32, #tpu.memory_space<vmem>>)
    %dma_start3A_125 = arith.constant 124 : i32
    %dma_start3A_126 = arith.constant 0 : i32
    %dma_start3A_127 = tpu.memref_slice %arg8[%dma_start3A_125, %dma_start3A_126] : memref<125x80xi32, #tpu.memory_space<vmem>> -> memref<1x80xi32, #tpu.memory_space<vmem>>
    %dma_start3A_128 = tpu.memref_squeeze %dma_start3A_127 : memref<1x80xi32, #tpu.memory_space<vmem>> -> memref<80xi32, #tpu.memory_space<vmem>>
    %dma_start3A_129 = arith.constant 0 : i32
    %dma_start3A_130 = arith.constant 0 : i32
    %dma_start3A_131 = tpu.memref_slice %arg13[%dma_start3A_129, %dma_start3A_130] : memref<10240x32xf32, #tpu.memory_space<vmem_shared>> -> memref<10240x32xf32, #tpu.memory_space<vmem_shared>>
    tpu.enqueue_indirect_dma source(%arg9 : memref<80x32xf32, #tpu.memory_space<vmem>>) target(%dma_start3A_131 : memref<10240x32xf32, #tpu.memory_space<vmem_shared>>) offsets(%dma_start3A_128 : memref<80xi32, #tpu.memory_space<vmem>>) semaphore(%arg18 : memref<!tpu.dma_semaphore, #tpu.memory_space<semaphore_mem>>) {add = true}
    %dma_wait3A_132 = arith.constant 0 : i32
    %dma_wait3A_133 = arith.constant 0 : i32
    %dma_wait3A_134 = tpu.memref_slice %arg7[%dma_wait3A_132, %dma_wait3A_133] : memref<125x80xi32, #tpu.memory_space<vmem>> -> memref<1x80xi32, #tpu.memory_space<vmem>>
    %dma_wait3A_135 = tpu.memref_squeeze %dma_wait3A_134 : memref<1x80xi32, #tpu.memory_space<vmem>> -> memref<80xi32, #tpu.memory_space<vmem>>
    %dma_wait3A_136 = arith.constant 0 : i32
    %dma_wait3A_137 = arith.constant 0 : i32
    %dma_wait3A_138 = tpu.memref_slice %arg2[%dma_wait3A_136, %dma_wait3A_137] : memref<10240x32xf32, #tpu.memory_space<hbm>> -> memref<10240x32xf32, #tpu.memory_space<hbm>>
    tpu.wait_indirect_dma semaphore(%arg21 : memref<!tpu.dma_semaphore, #tpu.memory_space<semaphore_mem>>) src(%dma_wait3A_138 : memref<10240x32xf32, #tpu.memory_space<hbm>>) dst(%arg12 : memref<80x32xf32, #tpu.memory_space<vmem>>)
    %dma_wait3A_139 = arith.constant 0 : i32
    %dma_wait3A_140 = arith.constant 0 : i32
    %dma_wait3A_141 = tpu.memref_slice %arg7[%dma_wait3A_139, %dma_wait3A_140] : memref<125x80xi32, #tpu.memory_space<vmem>> -> memref<1x80xi32, #tpu.memory_space<vmem>>
    %dma_wait3A_142 = tpu.memref_squeeze %dma_wait3A_141 : memref<1x80xi32, #tpu.memory_space<vmem>> -> memref<80xi32, #tpu.memory_space<vmem>>
    %dma_wait3A_143 = arith.constant 0 : i32
    %dma_wait3A_144 = arith.constant 0 : i32
    %dma_wait3A_145 = tpu.memref_slice %arg2[%dma_wait3A_143, %dma_wait3A_144] : memref<10240x32xf32, #tpu.memory_space<hbm>> -> memref<10240x32xf32, #tpu.memory_space<hbm>>
    tpu.wait_indirect_dma semaphore(%arg18 : memref<!tpu.dma_semaphore, #tpu.memory_space<semaphore_mem>>) src(%dma_wait3A_145 : memref<10240x32xf32, #tpu.memory_space<hbm>>) dst(%arg9 : memref<80x32xf32, #tpu.memory_space<vmem>>)
    %barrier3A_146 = arith.constant 0 : index
    tpu.barrier barrier_id(%barrier3A_146)
    "tpu.region"() ({
      %run_scoped3A = tpu.sem_alloc : memref<!tpu.dma_semaphore, #tpu.memory_space<semaphore_mem>>
      %dma_start3A_147 = arith.constant 0 : i32
      %dma_start3A_148 = tpu.memref_slice %arg6[%arg0, %mul3A_2, %dma_start3A_147] : memref<2x10240x32xf32, #tpu.memory_space<hbm>> -> memref<1x640x32xf32, #tpu.memory_space<hbm>>
      %dma_start3A_149 = tpu.memref_squeeze %dma_start3A_148 : memref<1x640x32xf32, #tpu.memory_space<hbm>> -> memref<640x32xf32, #tpu.memory_space<hbm>>
      %dma_start3A_150 = arith.constant 0 : i32
      %dma_start3A_151 = tpu.memref_slice %arg13[%mul3A_2, %dma_start3A_150] : memref<10240x32xf32, #tpu.memory_space<vmem_shared>> -> memref<640x32xf32, #tpu.memory_space<vmem_shared>>
      tpu.enqueue_dma source(%dma_start3A_151 : memref<640x32xf32, #tpu.memory_space<vmem_shared>>) target(%dma_start3A_149 : memref<640x32xf32, #tpu.memory_space<hbm>>) target_semaphore(%run_scoped3A : memref<!tpu.dma_semaphore, #tpu.memory_space<semaphore_mem>>)
      %dma_wait3A_152 = arith.constant 0 : i32
      %dma_wait3A_153 = tpu.memref_slice %arg6[%arg0, %mul3A_2, %dma_wait3A_152] : memref<2x10240x32xf32, #tpu.memory_space<hbm>> -> memref<1x640x32xf32, #tpu.memory_space<hbm>>
      %dma_wait3A_154 = tpu.memref_squeeze %dma_wait3A_153 : memref<1x640x32xf32, #tpu.memory_space<hbm>> -> memref<640x32xf32, #tpu.memory_space<hbm>>
      %dma_wait3A_155 = arith.constant 0 : i32
      %dma_wait3A_156 = tpu.memref_slice %arg13[%mul3A_2, %dma_wait3A_155] : memref<10240x32xf32, #tpu.memory_space<vmem_shared>> -> memref<640x32xf32, #tpu.memory_space<vmem_shared>>
      tpu.wait_dma2 semaphore(%run_scoped3A : memref<!tpu.dma_semaphore, #tpu.memory_space<semaphore_mem>>) src(%dma_wait3A_156 : memref<640x32xf32, #tpu.memory_space<vmem_shared>>) dst(%dma_wait3A_154 : memref<640x32xf32, #tpu.memory_space<hbm>>)
      tpu.yield
    }) : () -> ()
    return
  }
}

#map = affine_map<(d0, d1) -> (0, 0, 0)>
#map1 = affine_map<(d0, d1) -> (0, 0)>
module attributes {stable_mosaic.version = 14 : i64} {
  func.func @_g_body(%arg0: i32, %arg1: i32, %arg2: memref<2x10240x32xf32, #tpu.memory_space<hbm>>, %arg3: memref<10240x32xf32, #tpu.memory_space<hbm>>, %arg4: memref<10240x16xf32, #tpu.memory_space<hbm>>, %arg5: memref<10240x32xf32, #tpu.memory_space<hbm>>, %arg6: memref<320x32xf32, #tpu.memory_space<vmem>>, %arg7: memref<320x32xf32, #tpu.memory_space<vmem>>, %arg8: memref<320x32xf32, #tpu.memory_space<vmem>>, %arg9: memref<320x16xf32, #tpu.memory_space<vmem>>, %arg10: memref<320x32xf32, #tpu.memory_space<vmem>>) attributes {dimension_semantics = [#tpu.dimension_semantics<core_parallel>, #tpu.dimension_semantics<subcore_parallel>], iteration_bounds = array<i64: 2, 16>, scalar_prefetch = 0 : i64, scratch_operands = 5 : i64, tpu.core_type = #tpu.core_type<sc_vector_subcore>, window_params = [{transform_indices = #map}, {transform_indices = #map1}, {transform_indices = #map1}, {transform_indices = #map1}]} {
    %mul3A = arith.constant 16 : i32
    %mul3A_0 = arith.muli %arg0, %mul3A : i32
    %add3A = arith.addi %mul3A_0, %arg1 : i32
    %mul3A_1 = arith.constant 320 : i32
    %mul3A_2 = arith.muli %add3A, %mul3A_1 : i32
    %run_scoped3A = arith.constant 0 : i32
    "tpu.region"() ({
      %run_scoped3A_9 = tpu.sem_alloc : memref<!tpu.dma_semaphore, #tpu.memory_space<semaphore_mem>>
      %dma_start3A = arith.constant 0 : i32
      %dma_start3A_10 = tpu.memref_slice %arg2[%run_scoped3A, %mul3A_2, %dma_start3A] : memref<2x10240x32xf32, #tpu.memory_space<hbm>> -> memref<1x320x32xf32, #tpu.memory_space<hbm>>
      %dma_start3A_11 = tpu.memref_squeeze %dma_start3A_10 : memref<1x320x32xf32, #tpu.memory_space<hbm>> -> memref<320x32xf32, #tpu.memory_space<hbm>>
      %dma_start3A_12 = arith.constant 0 : i32
      %dma_start3A_13 = tpu.memref_slice %arg2[%run_scoped3A, %mul3A_2, %dma_start3A_12] : memref<2x10240x32xf32, #tpu.memory_space<hbm>> -> memref<1x320x32xf32, #tpu.memory_space<hbm>>
      %dma_start3A_14 = tpu.memref_squeeze %dma_start3A_13 : memref<1x320x32xf32, #tpu.memory_space<hbm>> -> memref<320x32xf32, #tpu.memory_space<hbm>>
      tpu.enqueue_dma source(%dma_start3A_14 : memref<320x32xf32, #tpu.memory_space<hbm>>) target(%arg6 : memref<320x32xf32, #tpu.memory_space<vmem>>) target_semaphore(%run_scoped3A_9 : memref<!tpu.dma_semaphore, #tpu.memory_space<semaphore_mem>>)
      %dma_wait3A = arith.constant 0 : i32
      %dma_wait3A_15 = tpu.memref_slice %arg2[%run_scoped3A, %mul3A_2, %dma_wait3A] : memref<2x10240x32xf32, #tpu.memory_space<hbm>> -> memref<1x320x32xf32, #tpu.memory_space<hbm>>
      %dma_wait3A_16 = tpu.memref_squeeze %dma_wait3A_15 : memref<1x320x32xf32, #tpu.memory_space<hbm>> -> memref<320x32xf32, #tpu.memory_space<hbm>>
      %dma_wait3A_17 = arith.constant 0 : i32
      %dma_wait3A_18 = tpu.memref_slice %arg2[%run_scoped3A, %mul3A_2, %dma_wait3A_17] : memref<2x10240x32xf32, #tpu.memory_space<hbm>> -> memref<1x320x32xf32, #tpu.memory_space<hbm>>
      %dma_wait3A_19 = tpu.memref_squeeze %dma_wait3A_18 : memref<1x320x32xf32, #tpu.memory_space<hbm>> -> memref<320x32xf32, #tpu.memory_space<hbm>>
      tpu.wait_dma2 semaphore(%run_scoped3A_9 : memref<!tpu.dma_semaphore, #tpu.memory_space<semaphore_mem>>) src(%dma_wait3A_19 : memref<320x32xf32, #tpu.memory_space<hbm>>) dst(%arg6 : memref<320x32xf32, #tpu.memory_space<vmem>>)
      tpu.yield
    }) : () -> ()
    %run_scoped3A_3 = arith.constant 1 : i32
    "tpu.region"() ({
      %run_scoped3A_9 = tpu.sem_alloc : memref<!tpu.dma_semaphore, #tpu.memory_space<semaphore_mem>>
      %dma_start3A = arith.constant 0 : i32
      %dma_start3A_10 = tpu.memref_slice %arg2[%run_scoped3A_3, %mul3A_2, %dma_start3A] : memref<2x10240x32xf32, #tpu.memory_space<hbm>> -> memref<1x320x32xf32, #tpu.memory_space<hbm>>
      %dma_start3A_11 = tpu.memref_squeeze %dma_start3A_10 : memref<1x320x32xf32, #tpu.memory_space<hbm>> -> memref<320x32xf32, #tpu.memory_space<hbm>>
      %dma_start3A_12 = arith.constant 0 : i32
      %dma_start3A_13 = tpu.memref_slice %arg2[%run_scoped3A_3, %mul3A_2, %dma_start3A_12] : memref<2x10240x32xf32, #tpu.memory_space<hbm>> -> memref<1x320x32xf32, #tpu.memory_space<hbm>>
      %dma_start3A_14 = tpu.memref_squeeze %dma_start3A_13 : memref<1x320x32xf32, #tpu.memory_space<hbm>> -> memref<320x32xf32, #tpu.memory_space<hbm>>
      tpu.enqueue_dma source(%dma_start3A_14 : memref<320x32xf32, #tpu.memory_space<hbm>>) target(%arg7 : memref<320x32xf32, #tpu.memory_space<vmem>>) target_semaphore(%run_scoped3A_9 : memref<!tpu.dma_semaphore, #tpu.memory_space<semaphore_mem>>)
      %dma_wait3A = arith.constant 0 : i32
      %dma_wait3A_15 = tpu.memref_slice %arg2[%run_scoped3A_3, %mul3A_2, %dma_wait3A] : memref<2x10240x32xf32, #tpu.memory_space<hbm>> -> memref<1x320x32xf32, #tpu.memory_space<hbm>>
      %dma_wait3A_16 = tpu.memref_squeeze %dma_wait3A_15 : memref<1x320x32xf32, #tpu.memory_space<hbm>> -> memref<320x32xf32, #tpu.memory_space<hbm>>
      %dma_wait3A_17 = arith.constant 0 : i32
      %dma_wait3A_18 = tpu.memref_slice %arg2[%run_scoped3A_3, %mul3A_2, %dma_wait3A_17] : memref<2x10240x32xf32, #tpu.memory_space<hbm>> -> memref<1x320x32xf32, #tpu.memory_space<hbm>>
      %dma_wait3A_19 = tpu.memref_squeeze %dma_wait3A_18 : memref<1x320x32xf32, #tpu.memory_space<hbm>> -> memref<320x32xf32, #tpu.memory_space<hbm>>
      tpu.wait_dma2 semaphore(%run_scoped3A_9 : memref<!tpu.dma_semaphore, #tpu.memory_space<semaphore_mem>>) src(%dma_wait3A_19 : memref<320x32xf32, #tpu.memory_space<hbm>>) dst(%arg7 : memref<320x32xf32, #tpu.memory_space<vmem>>)
      tpu.yield
    }) : () -> ()
    "tpu.region"() ({
      %run_scoped3A_9 = tpu.sem_alloc : memref<!tpu.dma_semaphore, #tpu.memory_space<semaphore_mem>>
      %dma_start3A = arith.constant 0 : i32
      %dma_start3A_10 = tpu.memref_slice %arg3[%mul3A_2, %dma_start3A] : memref<10240x32xf32, #tpu.memory_space<hbm>> -> memref<320x32xf32, #tpu.memory_space<hbm>>
      %dma_start3A_11 = arith.constant 0 : i32
      %dma_start3A_12 = tpu.memref_slice %arg3[%mul3A_2, %dma_start3A_11] : memref<10240x32xf32, #tpu.memory_space<hbm>> -> memref<320x32xf32, #tpu.memory_space<hbm>>
      tpu.enqueue_dma source(%dma_start3A_12 : memref<320x32xf32, #tpu.memory_space<hbm>>) target(%arg8 : memref<320x32xf32, #tpu.memory_space<vmem>>) target_semaphore(%run_scoped3A_9 : memref<!tpu.dma_semaphore, #tpu.memory_space<semaphore_mem>>)
      %dma_wait3A = arith.constant 0 : i32
      %dma_wait3A_13 = tpu.memref_slice %arg3[%mul3A_2, %dma_wait3A] : memref<10240x32xf32, #tpu.memory_space<hbm>> -> memref<320x32xf32, #tpu.memory_space<hbm>>
      %dma_wait3A_14 = arith.constant 0 : i32
      %dma_wait3A_15 = tpu.memref_slice %arg3[%mul3A_2, %dma_wait3A_14] : memref<10240x32xf32, #tpu.memory_space<hbm>> -> memref<320x32xf32, #tpu.memory_space<hbm>>
      tpu.wait_dma2 semaphore(%run_scoped3A_9 : memref<!tpu.dma_semaphore, #tpu.memory_space<semaphore_mem>>) src(%dma_wait3A_15 : memref<320x32xf32, #tpu.memory_space<hbm>>) dst(%arg8 : memref<320x32xf32, #tpu.memory_space<vmem>>)
      tpu.yield
    }) : () -> ()
    "tpu.region"() ({
      %run_scoped3A_9 = tpu.sem_alloc : memref<!tpu.dma_semaphore, #tpu.memory_space<semaphore_mem>>
      %dma_start3A = arith.constant 0 : i32
      %dma_start3A_10 = tpu.memref_slice %arg4[%mul3A_2, %dma_start3A] : memref<10240x16xf32, #tpu.memory_space<hbm>> -> memref<320x16xf32, #tpu.memory_space<hbm>>
      %dma_start3A_11 = arith.constant 0 : i32
      %dma_start3A_12 = tpu.memref_slice %arg4[%mul3A_2, %dma_start3A_11] : memref<10240x16xf32, #tpu.memory_space<hbm>> -> memref<320x16xf32, #tpu.memory_space<hbm>>
      tpu.enqueue_dma source(%dma_start3A_12 : memref<320x16xf32, #tpu.memory_space<hbm>>) target(%arg9 : memref<320x16xf32, #tpu.memory_space<vmem>>) target_semaphore(%run_scoped3A_9 : memref<!tpu.dma_semaphore, #tpu.memory_space<semaphore_mem>>)
      %dma_wait3A = arith.constant 0 : i32
      %dma_wait3A_13 = tpu.memref_slice %arg4[%mul3A_2, %dma_wait3A] : memref<10240x16xf32, #tpu.memory_space<hbm>> -> memref<320x16xf32, #tpu.memory_space<hbm>>
      %dma_wait3A_14 = arith.constant 0 : i32
      %dma_wait3A_15 = tpu.memref_slice %arg4[%mul3A_2, %dma_wait3A_14] : memref<10240x16xf32, #tpu.memory_space<hbm>> -> memref<320x16xf32, #tpu.memory_space<hbm>>
      tpu.wait_dma2 semaphore(%run_scoped3A_9 : memref<!tpu.dma_semaphore, #tpu.memory_space<semaphore_mem>>) src(%dma_wait3A_15 : memref<320x16xf32, #tpu.memory_space<hbm>>) dst(%arg9 : memref<320x16xf32, #tpu.memory_space<vmem>>)
      tpu.yield
    }) : () -> ()
    %scan3A = arith.constant 0 : i32
    %scan3A_4 = arith.constant 0 : i32
    %scan3A_5 = arith.constant 320 : i32
    %scan3A_6 = arith.addi %scan3A_4, %scan3A_5 : i32
    %scan3A_7 = arith.constant 1 : i32
    scf.for %scan3A_9 = %scan3A_4 to %scan3A_6 step %scan3A_7  : i32 {
      %get3A = arith.index_cast %scan3A_9 : i32 to index
      %get3A_10 = arith.constant 0 : index
      %get3A_11 = tpu.vector_load %arg9[%get3A, %get3A_10] {strides = array<i32>} : memref<320x16xf32, #tpu.memory_space<vmem>>, vector<1x16xf32>,
      %get3A_12 = vector.shape_cast %get3A_11 : vector<1x16xf32> to vector<16xf32>
      %get3A_13 = arith.index_cast %scan3A_9 : i32 to index
      %get3A_14 = arith.constant 0 : index
      %get3A_15 = tpu.vector_load %arg6[%get3A_13, %get3A_14] {strides = array<i32>} : memref<320x32xf32, #tpu.memory_space<vmem>>, vector<1x16xf32>,
      %get3A_16 = vector.shape_cast %get3A_15 : vector<1x16xf32> to vector<16xf32>
      %get3A_17 = arith.index_cast %scan3A_9 : i32 to index
      %get3A_18 = arith.constant 0 : index
      %get3A_19 = tpu.vector_load %arg7[%get3A_17, %get3A_18] {strides = array<i32>} : memref<320x32xf32, #tpu.memory_space<vmem>>, vector<1x16xf32>,
      %get3A_20 = vector.shape_cast %get3A_19 : vector<1x16xf32> to vector<16xf32>
      %add3A_21 = arith.addf %get3A_16, %get3A_20 : vector<16xf32>
      %get3A_22 = arith.index_cast %scan3A_9 : i32 to index
      %get3A_23 = arith.constant 0 : index
      %get3A_24 = tpu.vector_load %arg8[%get3A_22, %get3A_23] {strides = array<i32>} : memref<320x32xf32, #tpu.memory_space<vmem>>, vector<1x16xf32>,
      %get3A_25 = vector.shape_cast %get3A_24 : vector<1x16xf32> to vector<16xf32>
      %add3A_26 = arith.addf %add3A_21, %get3A_25 : vector<16xf32>
      %mul3A_27 = arith.mulf %get3A_12, %add3A_26 : vector<16xf32>
      %swap3A = arith.index_cast %scan3A_9 : i32 to index
      %swap3A_28 = arith.constant 0 : index
      %swap3A_29 = tpu.vector_load %arg10[%swap3A, %swap3A_28] {strides = array<i32>} : memref<320x32xf32, #tpu.memory_space<vmem>>, vector<1x16xf32>,
      %swap3A_30 = vector.shape_cast %swap3A_29 : vector<1x16xf32> to vector<16xf32>
      %swap3A_31 = vector.shape_cast %mul3A_27 : vector<16xf32> to vector<1x16xf32>
      tpu.vector_store %arg10[%swap3A, %swap3A_28], %swap3A_31 {strides = array<i32>} : memref<320x32xf32, #tpu.memory_space<vmem>>, vector<1x16xf32>,
      %get3A_32 = arith.index_cast %scan3A_9 : i32 to index
      %get3A_33 = arith.constant 16 : index
      %get3A_34 = tpu.vector_load %arg6[%get3A_32, %get3A_33] {strides = array<i32>} : memref<320x32xf32, #tpu.memory_space<vmem>>, vector<1x16xf32>,
      %get3A_35 = vector.shape_cast %get3A_34 : vector<1x16xf32> to vector<16xf32>
      %get3A_36 = arith.index_cast %scan3A_9 : i32 to index
      %get3A_37 = arith.constant 16 : index
      %get3A_38 = tpu.vector_load %arg7[%get3A_36, %get3A_37] {strides = array<i32>} : memref<320x32xf32, #tpu.memory_space<vmem>>, vector<1x16xf32>,
      %get3A_39 = vector.shape_cast %get3A_38 : vector<1x16xf32> to vector<16xf32>
      %add3A_40 = arith.addf %get3A_35, %get3A_39 : vector<16xf32>
      %get3A_41 = arith.index_cast %scan3A_9 : i32 to index
      %get3A_42 = arith.constant 16 : index
      %get3A_43 = tpu.vector_load %arg8[%get3A_41, %get3A_42] {strides = array<i32>} : memref<320x32xf32, #tpu.memory_space<vmem>>, vector<1x16xf32>,
      %get3A_44 = vector.shape_cast %get3A_43 : vector<1x16xf32> to vector<16xf32>
      %add3A_45 = arith.addf %add3A_40, %get3A_44 : vector<16xf32>
      %mul3A_46 = arith.mulf %get3A_12, %add3A_45 : vector<16xf32>
      %swap3A_47 = arith.index_cast %scan3A_9 : i32 to index
      %swap3A_48 = arith.constant 16 : index
      %swap3A_49 = tpu.vector_load %arg10[%swap3A_47, %swap3A_48] {strides = array<i32>} : memref<320x32xf32, #tpu.memory_space<vmem>>, vector<1x16xf32>,
      %swap3A_50 = vector.shape_cast %swap3A_49 : vector<1x16xf32> to vector<16xf32>
      %swap3A_51 = vector.shape_cast %mul3A_46 : vector<16xf32> to vector<1x16xf32>
      tpu.vector_store %arg10[%swap3A_47, %swap3A_48], %swap3A_51 {strides = array<i32>} : memref<320x32xf32, #tpu.memory_space<vmem>>, vector<1x16xf32>,
    }
    %scan3A_8 = arith.constant 320 : i32
    "tpu.region"() ({
      %run_scoped3A_9 = tpu.sem_alloc : memref<!tpu.dma_semaphore, #tpu.memory_space<semaphore_mem>>
      %dma_start3A = arith.constant 0 : i32
      %dma_start3A_10 = tpu.memref_slice %arg5[%mul3A_2, %dma_start3A] : memref<10240x32xf32, #tpu.memory_space<hbm>> -> memref<320x32xf32, #tpu.memory_space<hbm>>
      %dma_start3A_11 = arith.constant 0 : i32
      %dma_start3A_12 = tpu.memref_slice %arg5[%mul3A_2, %dma_start3A_11] : memref<10240x32xf32, #tpu.memory_space<hbm>> -> memref<320x32xf32, #tpu.memory_space<hbm>>
      tpu.enqueue_dma source(%arg10 : memref<320x32xf32, #tpu.memory_space<vmem>>) target(%dma_start3A_12 : memref<320x32xf32, #tpu.memory_space<hbm>>) target_semaphore(%run_scoped3A_9 : memref<!tpu.dma_semaphore, #tpu.memory_space<semaphore_mem>>)
      %dma_wait3A = arith.constant 0 : i32
      %dma_wait3A_13 = tpu.memref_slice %arg5[%mul3A_2, %dma_wait3A] : memref<10240x32xf32, #tpu.memory_space<hbm>> -> memref<320x32xf32, #tpu.memory_space<hbm>>
      %dma_wait3A_14 = arith.constant 0 : i32
      %dma_wait3A_15 = tpu.memref_slice %arg5[%mul3A_2, %dma_wait3A_14] : memref<10240x32xf32, #tpu.memory_space<hbm>> -> memref<320x32xf32, #tpu.memory_space<hbm>>
      tpu.wait_dma2 semaphore(%run_scoped3A_9 : memref<!tpu.dma_semaphore, #tpu.memory_space<semaphore_mem>>) src(%arg10 : memref<320x32xf32, #tpu.memory_space<vmem>>) dst(%dma_wait3A_15 : memref<320x32xf32, #tpu.memory_space<hbm>>)
      tpu.yield
    }) : () -> ()
    return
  }
}

module attributes {stable_mosaic.version = 14 : i64} {
  func.func @_tc_b0_body(%arg0: memref<10000x128xf32, #tpu.memory_space<vmem>>, %arg1: memref<128x32xf32, #tpu.memory_space<vmem>>, %arg2: memref<10240x32xf32, #tpu.memory_space<vmem>>) attributes {dimension_semantics = [], scalar_prefetch = 0 : i64, scratch_operands = 0 : i64, tpu.core_type = #tpu.core_type<tc>} {
    %get3A = arith.constant 0 : index
    %get3A_0 = arith.constant 0 : index
    %get3A_1 = vector.load %arg0[%get3A, %get3A_0] : memref<10000x128xf32, #tpu.memory_space<vmem>>, vector<10000x128xf32>
    %get3A_2 = arith.constant 0 : index
    %get3A_3 = arith.constant 0 : index
    %get3A_4 = vector.load %arg1[%get3A_2, %get3A_3] : memref<128x32xf32, #tpu.memory_space<vmem>>, vector<128x32xf32>
    %dot_general3A = arith.constant dense<0.000000e+00> : vector<10000x32xf32>
    %dot_general3A_5 = tpu.matmul %get3A_1, %get3A_4, %dot_general3A {dimension_numbers = #tpu.dot_dimension_numbers<[1], [0], [0], [1], [0, 0, 1, 1], [], []>, transpose_lhs_hint = false} : vector<10000x128xf32>, vector<128x32xf32>, vector<10000x32xf32> -> vector<10000x32xf32>
    %swap3A = arith.constant 0 : index
    %swap3A_6 = arith.constant 0 : index
    %swap3A_7 = vector.load %arg2[%swap3A, %swap3A_6] : memref<10240x32xf32, #tpu.memory_space<vmem>>, vector<10000x32xf32>
    tpu.vector_store %arg2[%swap3A, %swap3A_6], %dot_general3A_5 {strides = array<i32>} : memref<10240x32xf32, #tpu.memory_space<vmem>>, vector<10000x32xf32>,
    %broadcast_in_dim3A = arith.constant 0.000000e+00 : f32
    %broadcast_in_dim3A_8 = vector.broadcast %broadcast_in_dim3A : f32 to vector<240x32xf32>
    %swap3A_9 = arith.constant 10000 : index
    %swap3A_10 = arith.constant 0 : index
    %swap3A_11 = vector.load %arg2[%swap3A_9, %swap3A_10] : memref<10240x32xf32, #tpu.memory_space<vmem>>, vector<240x32xf32>
    tpu.vector_store %arg2[%swap3A_9, %swap3A_10], %broadcast_in_dim3A_8 {strides = array<i32>} : memref<10240x32xf32, #tpu.memory_space<vmem>>, vector<240x32xf32>,
    return
  }
}

module attributes {stable_mosaic.version = 14 : i64} {
  func.func @_tc_f_body(%arg0: memref<10240x32xf32, #tpu.memory_space<vmem>>, %arg1: memref<32x128xf32, #tpu.memory_space<vmem>>, %arg2: memref<1x128xf32, #tpu.memory_space<vmem>>, %arg3: memref<10000x128xf32, #tpu.memory_space<vmem>>) attributes {dimension_semantics = [], scalar_prefetch = 0 : i64, scratch_operands = 0 : i64, tpu.core_type = #tpu.core_type<tc>} {
    %get3A = arith.constant 0 : index
    %get3A_0 = arith.constant 0 : index
    %get3A_1 = vector.load %arg0[%get3A, %get3A_0] : memref<10240x32xf32, #tpu.memory_space<vmem>>, vector<10000x32xf32>
    %get3A_2 = arith.constant 0 : index
    %get3A_3 = arith.constant 0 : index
    %get3A_4 = vector.load %arg1[%get3A_2, %get3A_3] : memref<32x128xf32, #tpu.memory_space<vmem>>, vector<32x128xf32>
    %dot_general3A = arith.constant dense<0.000000e+00> : vector<10000x128xf32>
    %dot_general3A_5 = tpu.matmul %get3A_1, %get3A_4, %dot_general3A {dimension_numbers = #tpu.dot_dimension_numbers<[1], [0], [0], [1], [0, 0, 1, 1], [], []>, transpose_lhs_hint = false} : vector<10000x32xf32>, vector<32x128xf32>, vector<10000x128xf32> -> vector<10000x128xf32>
    %get3A_6 = arith.constant 0 : index
    %get3A_7 = arith.constant 0 : index
    %get3A_8 = vector.load %arg2[%get3A_6, %get3A_7] : memref<1x128xf32, #tpu.memory_space<vmem>>, vector<1x128xf32>
    %add3A = vector.broadcast %get3A_8 : vector<1x128xf32> to vector<10000x128xf32>
    %add3A_9 = arith.addf %dot_general3A_5, %add3A : vector<10000x128xf32>
    %swap3A = arith.constant 0 : index
    %swap3A_10 = arith.constant 0 : index
    %swap3A_11 = vector.load %arg3[%swap3A, %swap3A_10] : memref<10000x128xf32, #tpu.memory_space<vmem>>, vector<10000x128xf32>
    tpu.vector_store %arg3[%swap3A, %swap3A_10], %add3A_9 {strides = array<i32>} : memref<10000x128xf32, #tpu.memory_space<vmem>>, vector<10000x128xf32>,
    return
  }
}

</mosaic_0001>

<sc_bundles>
// kernel: kernel.10.cloned.1.call-start
scs
__scs_entry_jumppad:
0x0: {  	(pc) =	sbr.rel $0x88, $3  }
0x1: {  	(tag) =	ssettag $0x0;
	lr =	simm.s32 $0x1  }
0x2: {  	[smem:$0x3F9B] =	sst lr;
	_ =	strace $0xD0000000  }
0x3: {  	_ = 	snop  }
0x4: {  	_ = 	snop  }
0x5: {  	_ = 	snop  }
0x6: {  	_ = 	snop  }
0x7: {  	_ = 	snop  }
__scs_overlays_trampoline_lowered:
0x8: {  	[smem:$0x3FAA] =	sst s0  }
0x9: {  	[smem:$0x3FAB] =	sst s1  }
0xa: {  	[smem:$0x3FAC] =	sst s2  }
0xb: {  	[smem:$0x3FAD] =	sst s3  }
0xc: {  	[smem:$0x3FAE] =	sst s4  }
0xd: {  	[smem:$0x3FAF] =	sst s5  }
0xe: {  	[smem:$0x3FB0] =	sst s6  }
0xf: {  	[smem:$0x3FB1] =	sst s7  }
0x10: {  	[smem:$0x3FB2] =	sst s8  }
0x11: {  	[smem:$0x3FB3] =	sst s9;
	s0 =	simm.s32 @!p0 $0x0  }
0x12: {  	s1 =	sld [smem:$0x3F99];
	s0 =	simm.s32 @p0 $0x1  }
0x13: {  	[smem:$0x3FB4] =	sst s0;
	s0 =	simm.s32 @!p1 $0x0  }
0x14: {  	s2 =	sld [smem:$0x3F98];
	s0 =	simm.s32 @p1 $0x1  }
0x15: {  	[smem:$0x3FB5] =	sst s0;
	s0 =	simm.s32 @!p2 $0x0  }
0x16: {  	s3 =	sld [smem:$0x3FDB];
	s0 =	simm.s32 @p2 $0x1  }
0x17: {  	s4 =	simm.s32 $0x1BF5;
	[smem:$0x3FB7] =	sst s0  }
0x18: {  	s0 =	sld [smem:$0x3F9A];
	_ =	swait.ge [sflag:s4], $0x0  }
0x19: {  	s7 =	sld [smem:$0x3F9B]  }
0x1a: {  	s8 =	sadd.s32 $0xFFFFE003, lr  }
0x1b: {  	s9 =	sadd.s32 $0xFFFFFEF7, lr;
	s5 =	simm.s32 $0xFFFFFFFF;
	p2 =	slt.u32 s8, $0xFFFFF086  }
0x1c: {  	p1 =	slt.u32 s9, $0xF7A;
	s5 =	simm.s32 @!p2 $0x0  }
0x1d: {  	s5 =	simm.s32 @p1 $0x1;
	p0 =	seq.s32 s7, s2  }
0x1e: {  	s7 =	smul.u32 @!p0 $0xF7A, s2;
	p2 =	seq.s32 @!p0 s5, $0x0  }
0x1f: {  	s9 =	smul.u32 $0xF7A, s1;
	s8 =	simm.s32 @!p0 $0x1BF5;
	p2 =	por !p2, p0  }
0x20: {  	[sflag:s8] =	ssyncset.s32 @!p0 $0xFFFFF086;
	s6 =	sadd.s32 @!p0 s3, s7;
	s7 =	simm.s32 @!p0 $0x108  }
0x21: {  	s3 =	sadd.s32 s3, s9;
	s6 =	sadd.s32 @!p0 $0x88, s6;
	s7 =	simm.s32 @p2 $0x1082  }
0x22: {  	[simem:s7], [sflag:s8] =	dma.local @!p0 [hbm:s6], $0xF7A  }
0x23: {  	s9 =	sor.u32 $0xD0000000, s2;
	s6 =	simm.s32 $0x108;
	_ =	swait.ge @!p0 [sflag:s8], $0x0  }
0x24: {  	s3 =	sadd.s32 $0x88, s3;
	s6 =	simm.s32 @!p1 $0x1082;
	[sflag:s4] =	ssyncset.s32 $0xFFFFF086  }
0x25: {  	[simem:s6], [sflag:s4] =	dma.local [hbm:s3], $0xF7A  }
0x26: {  	[smem:$0x3F9B] =	sst s1;
	(tag) =	ssettag s2;
	_ =	strace s9  }
0x27: {  	s1 =	sld [smem:$0x3FAB]  }
0x28: {  	s2 =	sld [smem:$0x3FAC]  }
0x29: {  	s4 =	sld [smem:$0x3FAE]  }
0x2a: {  	p0 =	seq.s32 s5, $0x0;
	s5 =	sld [smem:$0x3FAF]  }
0x2b: {  	s6 =	sld [smem:$0x3FB0]  }
0x2c: {  	s7 =	sld [smem:$0x3FB1]  }
0x2d: {  	s3 =	simm.s32 $0x108;
	s8 =	sld [smem:$0x3FB2]  }
0x2e: {  	s3 =	simm.s32 @!p0 $0x1082;
	s9 =	sld [smem:$0x3FB3]  }
0x2f: {  	lr =	sadd.s32 s0, s3;
	s0 =	sld [smem:$0x3FAA]  }
0x30: {  	s3 =	sld [smem:$0x3FAD]  }
0x31: {  	[smem:$0x3FB6] =	sst s10  }
0x32: {  	s10 =	sld [smem:$0x3FB4];
	_ =	sdelay $0x3  }
0x33: {  	p0 =	seq.s32 s10, $0x1;
	s10 =	sld [smem:$0x3FB6];
	_ =	sdelay $0x3  }
0x34: {  	[smem:$0x3FB6] =	sst s10  }
0x35: {  	s10 =	sld [smem:$0x3FB5];
	_ =	sdelay $0x3  }
0x36: {  	p1 =	seq.s32 s10, $0x1;
	s10 =	sld [smem:$0x3FB6];
	_ =	sdelay $0x3  }
0x37: {  	[smem:$0x3FB6] =	sst s10  }
0x38: {  	s10 =	sld [smem:$0x3FB7]  }
0x39: {  	_ = 	snop;
	(pc) =	sbr.ind lr, $3  }
0x3a: {  	_ = 	snop  }
0x3b: {  	_ = 	snop  }
0x3c: {  	p2 =	seq.s32 s10, $0x1;
	s10 =	sld [smem:$0x3FB6]  }
0x3d: {  	_ =	shalt  }
0x3e: {  	_ =	shalt  }
0x3f: {  	_ =	shalt  }
0x40: {  	_ =	shalt  }
0x41: {  	_ =	shalt  }
0x42: {  	_ =	shalt  }
0x43: {  	_ =	shalt  }
0x44: {  	_ =	shalt  }
0x45: {  	_ =	shalt  }
0x46: {  	_ =	shalt  }
0x47: {  	_ =	shalt  }
0x48: {  	_ =	shalt  }
0x49: {  	_ =	shalt  }
0x4a: {  	_ =	shalt  }
0x4b: {  	_ =	shalt  }
0x4c: {  	_ =	shalt  }
0x4d: {  	_ =	shalt  }
0x4e: {  	_ =	shalt  }
0x4f: {  	_ =	shalt  }
0x50: {  	_ =	shalt  }
0x51: {  	_ =	shalt  }
0x52: {  	_ =	shalt  }
0x53: {  	_ =	shalt  }
0x54: {  	_ =	shalt  }
0x55: {  	_ =	shalt  }
0x56: {  	_ =	shalt  }
0x57: {  	_ =	shalt  }
0x58: {  	_ =	shalt  }
0x59: {  	_ =	shalt  }
0x5a: {  	_ =	shalt  }
0x5b: {  	_ =	shalt  }
0x5c: {  	_ =	shalt  }
0x5d: {  	_ =	shalt  }
0x5e: {  	_ =	shalt  }
0x5f: {  	_ =	shalt  }
0x60: {  	_ =	shalt  }
0x61: {  	_ =	shalt  }
0x62: {  	_ =	shalt  }
0x63: {  	_ =	shalt  }
0x64: {  	_ =	shalt  }
0x65: {  	_ =	shalt  }
0x66: {  	_ =	shalt  }
0x67: {  	_ =	shalt  }
0x68: {  	_ =	shalt  }
0x69: {  	_ =	shalt  }
0x6a: {  	_ =	shalt  }
0x6b: {  	_ =	shalt  }
0x6c: {  	_ =	shalt  }
0x6d: {  	_ =	shalt  }
0x6e: {  	_ =	shalt  }
0x6f: {  	_ =	shalt  }
0x70: {  	_ =	shalt  }
0x71: {  	_ =	shalt  }
0x72: {  	_ =	shalt  }
0x73: {  	_ =	shalt  }
0x74: {  	_ =	shalt  }
0x75: {  	_ =	shalt  }
0x76: {  	_ =	shalt  }
0x77: {  	_ =	shalt  }
0x78: {  	_ =	shalt  }
0x79: {  	_ =	shalt  }
0x7a: {  	_ =	shalt  }
0x7b: {  	_ =	shalt  }
0x7c: {  	_ =	shalt  }
0x7d: {  	_ =	shalt  }
0x7e: {  	_ =	shalt  }
0x7f: {  	_ =	shalt  }
0x80: {  	_ =	shalt  }
0x81: {  	_ =	shalt  }
0x82: {  	_ =	shalt  }
0x83: {  	_ =	shalt  }
0x84: {  	_ =	shalt  }
0x85: {  	_ =	shalt  }
0x86: {  	_ =	shalt  }
0x87: {  	_ =	shalt  }
.Lfunc_end0:
.L_simem_size_0:
called_computation_lowered:
.L_overlay_start_0:
0x88: {  	s2 =	sld [smem:$0x3FD9]  }
0x89: {  	s3 =	sld [smem:$0x3FFE];
	_ =	sdelay $0x1  }
0x8a: {  	s1 =	srdreg.scid  }
0x8b: {  	s0 =	sand.u32 $0x1, s1  }
0x8c: {  	s16 =	sshll.u32 s0, $0xA;
	s2 =	sadd.s32 s3, s2  }
0x8d: {  	s2 =	sadd.s32 s2, s16  }
0x8e: {  	[smem:$0x3FC2] =	sst s2  }
0x8f: {  	_ = 	snop  }
0x90: {  	(tm) =	ssettm $0x1  }
0x91: {  	s17 =	sld [smem:$0x3FFB];
	_ =	sdelay $0x3  }
0x92: {  	_ =	strace s17  }
0x93: {  	s2 =	sld [smem:$0x3FFC];
	_ =	sdelay $0x3  }
0x94: {  	_ =	strace s2  }
0x95: {  	s2 =	sld [smem:$0x3FFD];
	_ =	sdelay $0x3  }
0x96: {  	_ =	strace s2  }
0x97: {  	_ =	strace $0x8FFFFFFF  }
0x98: {  	s18 =	sld [smem:$0x3FDB];
	_ =	sdelay $0x1  }
0x99: {  	s19 =	simm.s32 $_scs_section_size  }
0x9a: {  	s4 =	simm.s32 $_size__tile_overlayer_lowered;
	s5 =	simm.s32 $_tile_overlayer_lowered  }
0x9b: {  	s22 =	simm.s32 $0x1BFF;
	s21 =	sshll.u32 s5, $0x1;
	s2 =	sadd.s32 s19, s18  }
0x9c: {  	s6 =	simm.s32 $0x0;
	s20 =	sshll.u32 s4, $0x1;
	s4 =	sadd.s32 s21, s2  }
0x9d: {  	[timem:s6], [sflag:s22] =	dma.local [hbm:s4], s20  }
0x9e: {  	_ =	swait.ge [sflag:s22], s20  }
0x9f: {  	s3 =	ssub.s32 $0x0, s20;
	[sflag:s22] =	ssyncset.done $0x0  }
0xa0: {  	[sflag:s22] =	ssyncadd.s32 s3;
	_ =	sdelay $0x1  }
0xa1: {  	s23 =	simm.s32 $0x1B8B  }
0xa2: {  	_ =	swait.ge [sflag:s23], $0x1  }
0xa3: {  	[sflag:s23] =	ssyncset.done $0x0  }
0xa4: {  	s25 =	simm.s32 $0x1B8E;
	s24 =	sld [smem:$0x3FFE];
	[sflag:s23] =	ssyncadd.s32 $0xFFFFFFFF  }
0xa5: {  	s26 =	simm.s32 $execute0_lowered;
	[smem:$0x3FD2] =	sst s25  }
0xa6: {  	s4 =	sshll.u32 s26, $0x1;
	_ =	strace $0x80000046;
	[dreg:$0x1] =	wrdreg $0xFFFFFFFF  }
0xa7: {  	s28 =	simm.s32 $_size_execute0_lowered;
	s2 =	sadd.s32 s2, s4;
	[dreg:$0x0] =	wrdreg $0x0  }
0xa8: {  	s4 =	sshll.u32 s28, $0x1;
	[dreg:$0x2] =	wrdreg s2  }
0xa9: {  	[dreg:$0x3] =	wrdreg s4  }
0xaa: {  	[dreg:$0x4] =	wrdreg $0xC0  }
0xab: {  	_ =	task [dreg:s6], $0x5FFFF  }
0xac: {  	[dreg:$0x1] =	wrdreg $0xFFFFFFFF  }
0xad: {  	[dreg:$0x0] =	wrdreg $0x60  }
0xae: {  	[dreg:$0x2] =	wrdreg s24  }
0xaf: {  	[dreg:$0x3] =	wrdreg $0x2C100  }
0xb0: {  	[dreg:$0x4] =	wrdreg $0x9  }
0xb1: {  	_ =	task.clear_ibuf [dreg:s6], $0x5FFFF;
	_ =	strace $0x90000046  }
0xb2: {  	s29 =	simm.s32 $0x9;
	_ =	strace $0x80000048  }
0xb3: {  	_ =	swait.ge [sflag:s29], $0x1  }
0xb4: {  	[sflag:s29] =	ssyncadd.s32 $0xFFFFFFFF  }
0xb5: {  	_ =	strace $0x90000048  }
0xb6: {  	_ =	sfence  }
0xb7: {  	s30 =	sld [smem:$0x0];
	_ =	sdelay $0x2  }
0xb8: {  	s31 =	sshll.u32 s1, $0xD;
	s1 =	sshrl.u32 s1, $0x2  }
0xb9: {  	s3 =	sand.u32 $0x4000, s31;
	s1 =	sadd.s32 s1, s30  }
0xba: {  	s0 =	sor.u32 s3, s0;
	s1 =	sshll.u32 s1, $0x11  }
0xbb: {  	s0 =	sor.u32 s1, s0  }
0xbc: {  	s0 =	sadd.s32 $0x8F2B, s0  }
0xbd: {  	[sflag:s0] =	ssyncadd.remote.s32 $0x1  }
0xbe: {  	_ =	sfence.sel $0xFFFF  }
0xbf: {  	[dreg:$0x0] =	wrdreg $0xFFFFFFFF;
	(pc) =	sbr.abs _section_cstart, $3  }
0xc0: {  	[dreg:$0x1] =	wrdreg $0xFFFFFFFF  }
0xc1: {  	_ =	task.clear_ibuf [dreg:s6], $0x2FFFF;
	_ =	strace $0x9FFFFFFF  }
0xc2: {  	(tm) =	ssettm $0x7FFFFFFF  }
0xc3: {  	_ =	shalt  }
tec
execute0_lowered:
.L_overlay_start_1:
0x0: {  	(tag) =	ssettag $0x1  }
0x1: {  	s6 =	rddreg [dreg:$0x0]  }
0x2: {  	s0 =	srdreg.scid;
	s2 =	rddreg [dreg:$0x1];
	s3 =	simm.s32 $0x0  }
0x3: {  	s13 =	simm.s32 $0x50;
	s5 =	sand.u32 $0x1, s0;
	s0 =	stileid.u32  }
0x4: {  	s14 =	simm.s32 $0x1;
	s15 =	simm.s32 $0x0;
	s7 =	smul.u32 $0x2800, s0  }
0x5: {  	[smem:$0x7FF] =	sst s3;
	s1 =	sshll.u32 s5, $0x4;
	s8 =	smul.u32 $0x28000, s5  }
0x6: {  	s5 =	ssub.s32 $0x2, s5;
	s31 =	sshll.u32 s0, $0x6;
	s1 =	sor.u32 s0, s1  }
0x7: {  	s11 =	sshrl.u32 s5, $0x1;
	s4 =	smul.u32 $0x4E2, s1;
	s1 =	rddreg [dreg:$0x2]  }
0x8: {  	_ =	strace $0x80000047;
	s10 =	sshrl.u32 s7, $0x3;
	s8 =	sadd.s32 s7, s8  }
0x9: {  	s11 =	ssub.s32 s5, s11;
	s12 =	sadd.s32 s7, s2;
	s10 =	sadd.s32 s10, s6  }
0xa: {  	s8 =	sshrl.u32 s8, $0x3;
	s9 =	sadd.s32 s4, s6;
	s4 =	sadd.s32 $0x1AE00, s6  }
0xb: {  	s8 =	sadd.s32 s8, s6;
	s5 =	sadd.s32 $0x15E00, s10;
	s6 =	sor.u32 $0x1C02, s31  }
0xc: {  	s10 =	sshrl.u32 s12, $0x3;
	s12 =	simm.s32 $0x2710;
	s7 =	sadd.s32 $0xC000, s9  }
0xd: {  	s8 =	sadd.s32 $0x1B000, s8;
	s9 =	smax.u32 s11, $0x1;
	s11 =	simm.s32 $0x2  }
.LBB2_1:
0xe: {  	[spmem:s10], [sflag:s6] =	dma.local [hbm:s5], $0x500  }
0xf: {  	_ =	swait.ge [sflag:s11], $0x500  }
0x10: {  	[sflag:s11] =	ssyncset.done $0x0  }
0x11: {  	[sflag:s11] =	ssyncadd.s32 $0xFFFFFB00  }
0x12: {  	[tilespmem:s12], [sflag:$0x2] =	stream.linear.gather [hbm4b:s4+s3], $0x500, $0x38;
	[tilespmem:$0x5410] =	vst v63  }
0x13: {  	_ =	swait.ge [sflag:s11], $0x500  }
0x14: {  	[sflag:s11] =	ssyncset.done $0x0  }
0x15: {  	[sflag:s11] =	ssyncadd.s32 $0xFFFFFB00  }
0x16: {  	[tilespmem:s3], [sflag:$0x2] =	stream.linear.gather [hbm4b:s7+s3], $0x2710, $0x38;
	[tilespmem:$0x5410] =	vst v63  }
0x17: {  	_ =	swait.ge [sflag:s11], $0x2710  }
0x18: {  	[sflag:s11] =	ssyncset.done $0x0  }
0x19: {  	[sflag:s11] =	ssyncadd.s32 $0xFFFFD8F0  }
0x1a: {  	s16 =	simm.s32 $0x0;
	[bflag:$0x0] =	sbarrier.arrive $0xFFFF  }
.LBB2_2:
0x1b: {  	p0 =	sne.s32 s16, $0x9B00  }
.Ltmp0:
0x1c: {  	_ = 	snop;
	(pc) =	sbr.rel @p0 .LBB2_2-.Ltmp0, $3  }
0x1d: {  	_ =	sdelay $0x1  }
0x1e: {  	s17 =	sshra.s32 s16, $0x2;
	s16 =	sadd.s32 $0x140, s16  }
0x1f: {  	[spmem:s2] =	stream.indirect.scatter.add.f32 [tilespmem:s12], [sflag:$0x1], $0x10, s17, s13, $0xb8;
	[tilespmem:$0x5410] =	vst v63  }
0x20: {  	_ =	swait.ge [sflag:s14], $0x500  }
0x21: {  	s16 =	simm.s32 $0x7C;
	[sflag:s14] =	ssyncset.done $0x0  }
.LBB2_4:
0x22: {  	p0 =	sne.s32 s16, $0x1;
	s16 =	sadd.s32 $0xFFFFFFFF, s16;
	[sflag:s14] =	ssyncadd.s32 $0xFFFFFB00  }
.Ltmp1:
0x23: {  	(pc) =	sbr.rel @p0 .LBB2_4-.Ltmp1, $3  }
0x24: {  	_ =	sdelay $0x1  }
0x25: {  	_ =	swait.ge [sflag:s14], $0x500  }
0x26: {  	[sflag:s14] =	ssyncset.done $0x0  }
0x27: {  	s15 =	sadd.s32 $0x1, s15  }
0x28: {  	[sflag:s14] =	ssyncadd.s32 $0xFFFFFB00;
	p0 =	sne.s32 s15, s9  }
.Ltmp2:
0x29: {  	[bflag:$0x0] =	sbarrier.arrive $0xFFFF;
	(pc) =	sbr.rel @p0 .LBB2_1-.Ltmp2, $4  }
0x2a: {  	[hbm:s8], [sflag:s6] =	dma.local [spmem:s10], $0x500  }
0x2b: {  	_ =	swait.ge [sflag:s11], $0x500  }
0x2c: {  	[sflag:s11] =	ssyncset.done $0x0  }
0x2d: {  	[sflag:s11] =	ssyncadd.s32 $0xFFFFFB00  }
0x2e: {  	_ =	sfence.sel $0x180000  }
0x2f: {  	[bflag:$0x0] =	sbarrier.arrive $0xFFFF  }
0x30: {  	p0 =	sne.s32 s0, $0x0;
	_ =	strace $0x90000047  }
0x31: {  	s0 =	sadd.s32 @!p0 $0x100000, s1;
	[bflag:$0x2] =	sbarrier.arrive $0xFFFF  }
0x32: {  	[sflag:s0] =	ssyncadd.tile.s32 @!p0 $0x1;
	_ =	shalt  }
.Lfunc_end2:
_tile_overlayer_lowered:
.L_overlay_start_2:
0x33: {  	(tag) =	ssettag $0x2  }
0x34: {  	s0 =	rddreg [dreg:$0x0];
	s2 =	stileid.u32  }
0x35: {  	s1 =	rddreg [dreg:$0x1];
	p0 =	sne.s32 s2, $0x0  }
0x36: {  	s3 =	rddreg [dreg:$0x2];
	[bflag:$0x3] =	sbarrier.arrive $0xFFFF;
	s2 =	simm.s32 @!p0 $0x1C02  }
0x37: {  	[timem:s3], [sflag:s2] =	dma.local @!p0 [hbm:s0], s1  }
0x38: {  	s0 =	simm.s32 @!p0 $0x2  }
0x39: {  	_ =	swait.ge @!p0 [sflag:s0], s1  }
0x3a: {  	s1 =	ssub.s32 @!p0 $0x0, s1;
	[sflag:s0] =	ssyncset.done @!p0 $0x0  }
0x3b: {  	[sflag:s0] =	ssyncadd.s32 @!p0 s1  }
0x3c: {  	[bflag:$0x3] =	sbarrier.arrive $0xFFFF  }
0x3d: {  	_ =	shalt  }

// kernel: kernel.13.cloned.1.call-start
scs
__scs_entry_jumppad:
0x0: {  	(pc) =	sbr.rel $0x88, $3  }
0x1: {  	(tag) =	ssettag $0x0;
	lr =	simm.s32 $0x1  }
0x2: {  	[smem:$0x3F9B] =	sst lr;
	_ =	strace $0xD0000000  }
0x3: {  	_ = 	snop  }
0x4: {  	_ = 	snop  }
0x5: {  	_ = 	snop  }
0x6: {  	_ = 	snop  }
0x7: {  	_ = 	snop  }
__scs_overlays_trampoline_lowered:
0x8: {  	[smem:$0x3FAA] =	sst s0  }
0x9: {  	[smem:$0x3FAB] =	sst s1  }
0xa: {  	[smem:$0x3FAC] =	sst s2  }
0xb: {  	[smem:$0x3FAD] =	sst s3  }
0xc: {  	[smem:$0x3FAE] =	sst s4  }
0xd: {  	[smem:$0x3FAF] =	sst s5  }
0xe: {  	[smem:$0x3FB0] =	sst s6  }
0xf: {  	[smem:$0x3FB1] =	sst s7  }
0x10: {  	[smem:$0x3FB2] =	sst s8  }
0x11: {  	[smem:$0x3FB3] =	sst s9;
	s0 =	simm.s32 @!p0 $0x0  }
0x12: {  	s1 =	sld [smem:$0x3F99];
	s0 =	simm.s32 @p0 $0x1  }
0x13: {  	[smem:$0x3FB4] =	sst s0;
	s0 =	simm.s32 @!p1 $0x0  }
0x14: {  	s2 =	sld [smem:$0x3F98];
	s0 =	simm.s32 @p1 $0x1  }
0x15: {  	[smem:$0x3FB5] =	sst s0;
	s0 =	simm.s32 @!p2 $0x0  }
0x16: {  	s3 =	sld [smem:$0x3FDB];
	s0 =	simm.s32 @p2 $0x1  }
0x17: {  	s4 =	simm.s32 $0x1BF5;
	[smem:$0x3FB7] =	sst s0  }
0x18: {  	s0 =	sld [smem:$0x3F9A];
	_ =	swait.ge [sflag:s4], $0x0  }
0x19: {  	s7 =	sld [smem:$0x3F9B]  }
0x1a: {  	s8 =	sadd.s32 $0xFFFFE003, lr  }
0x1b: {  	s9 =	sadd.s32 $0xFFFFFEF7, lr;
	s5 =	simm.s32 $0xFFFFFFFF;
	p2 =	slt.u32 s8, $0xFFFFF086  }
0x1c: {  	p1 =	slt.u32 s9, $0xF7A;
	s5 =	simm.s32 @!p2 $0x0  }
0x1d: {  	s5 =	simm.s32 @p1 $0x1;
	p0 =	seq.s32 s7, s2  }
0x1e: {  	s7 =	smul.u32 @!p0 $0xF7A, s2;
	p2 =	seq.s32 @!p0 s5, $0x0  }
0x1f: {  	s9 =	smul.u32 $0xF7A, s1;
	s8 =	simm.s32 @!p0 $0x1BF5;
	p2 =	por !p2, p0  }
0x20: {  	[sflag:s8] =	ssyncset.s32 @!p0 $0xFFFFF086;
	s6 =	sadd.s32 @!p0 s3, s7;
	s7 =	simm.s32 @!p0 $0x108  }
0x21: {  	s3 =	sadd.s32 s3, s9;
	s6 =	sadd.s32 @!p0 $0x88, s6;
	s7 =	simm.s32 @p2 $0x1082  }
0x22: {  	[simem:s7], [sflag:s8] =	dma.local @!p0 [hbm:s6], $0xF7A  }
0x23: {  	s9 =	sor.u32 $0xD0000000, s2;
	s6 =	simm.s32 $0x108;
	_ =	swait.ge @!p0 [sflag:s8], $0x0  }
0x24: {  	s3 =	sadd.s32 $0x88, s3;
	s6 =	simm.s32 @!p1 $0x1082;
	[sflag:s4] =	ssyncset.s32 $0xFFFFF086  }
0x25: {  	[simem:s6], [sflag:s4] =	dma.local [hbm:s3], $0xF7A  }
0x26: {  	[smem:$0x3F9B] =	sst s1;
	(tag) =	ssettag s2;
	_ =	strace s9  }
0x27: {  	s1 =	sld [smem:$0x3FAB]  }
0x28: {  	s2 =	sld [smem:$0x3FAC]  }
0x29: {  	s4 =	sld [smem:$0x3FAE]  }
0x2a: {  	p0 =	seq.s32 s5, $0x0;
	s5 =	sld [smem:$0x3FAF]  }
0x2b: {  	s6 =	sld [smem:$0x3FB0]  }
0x2c: {  	s7 =	sld [smem:$0x3FB1]  }
0x2d: {  	s3 =	simm.s32 $0x108;
	s8 =	sld [smem:$0x3FB2]  }
0x2e: {  	s3 =	simm.s32 @!p0 $0x1082;
	s9 =	sld [smem:$0x3FB3]  }
0x2f: {  	lr =	sadd.s32 s0, s3;
	s0 =	sld [smem:$0x3FAA]  }
0x30: {  	s3 =	sld [smem:$0x3FAD]  }
0x31: {  	[smem:$0x3FB6] =	sst s10  }
0x32: {  	s10 =	sld [smem:$0x3FB4];
	_ =	sdelay $0x3  }
0x33: {  	p0 =	seq.s32 s10, $0x1;
	s10 =	sld [smem:$0x3FB6];
	_ =	sdelay $0x3  }
0x34: {  	[smem:$0x3FB6] =	sst s10  }
0x35: {  	s10 =	sld [smem:$0x3FB5];
	_ =	sdelay $0x3  }
0x36: {  	p1 =	seq.s32 s10, $0x1;
	s10 =	sld [smem:$0x3FB6];
	_ =	sdelay $0x3  }
0x37: {  	[smem:$0x3FB6] =	sst s10  }
0x38: {  	s10 =	sld [smem:$0x3FB7]  }
0x39: {  	_ = 	snop;
	(pc) =	sbr.ind lr, $3  }
0x3a: {  	_ = 	snop  }
0x3b: {  	_ = 	snop  }
0x3c: {  	p2 =	seq.s32 s10, $0x1;
	s10 =	sld [smem:$0x3FB6]  }
0x3d: {  	_ =	shalt  }
0x3e: {  	_ =	shalt  }
0x3f: {  	_ =	shalt  }
0x40: {  	_ =	shalt  }
0x41: {  	_ =	shalt  }
0x42: {  	_ =	shalt  }
0x43: {  	_ =	shalt  }
0x44: {  	_ =	shalt  }
0x45: {  	_ =	shalt  }
0x46: {  	_ =	shalt  }
0x47: {  	_ =	shalt  }
0x48: {  	_ =	shalt  }
0x49: {  	_ =	shalt  }
0x4a: {  	_ =	shalt  }
0x4b: {  	_ =	shalt  }
0x4c: {  	_ =	shalt  }
0x4d: {  	_ =	shalt  }
0x4e: {  	_ =	shalt  }
0x4f: {  	_ =	shalt  }
0x50: {  	_ =	shalt  }
0x51: {  	_ =	shalt  }
0x52: {  	_ =	shalt  }
0x53: {  	_ =	shalt  }
0x54: {  	_ =	shalt  }
0x55: {  	_ =	shalt  }
0x56: {  	_ =	shalt  }
0x57: {  	_ =	shalt  }
0x58: {  	_ =	shalt  }
0x59: {  	_ =	shalt  }
0x5a: {  	_ =	shalt  }
0x5b: {  	_ =	shalt  }
0x5c: {  	_ =	shalt  }
0x5d: {  	_ =	shalt  }
0x5e: {  	_ =	shalt  }
0x5f: {  	_ =	shalt  }
0x60: {  	_ =	shalt  }
0x61: {  	_ =	shalt  }
0x62: {  	_ =	shalt  }
0x63: {  	_ =	shalt  }
0x64: {  	_ =	shalt  }
0x65: {  	_ =	shalt  }
0x66: {  	_ =	shalt  }
0x67: {  	_ =	shalt  }
0x68: {  	_ =	shalt  }
0x69: {  	_ =	shalt  }
0x6a: {  	_ =	shalt  }
0x6b: {  	_ =	shalt  }
0x6c: {  	_ =	shalt  }
0x6d: {  	_ =	shalt  }
0x6e: {  	_ =	shalt  }
0x6f: {  	_ =	shalt  }
0x70: {  	_ =	shalt  }
0x71: {  	_ =	shalt  }
0x72: {  	_ =	shalt  }
0x73: {  	_ =	shalt  }
0x74: {  	_ =	shalt  }
0x75: {  	_ =	shalt  }
0x76: {  	_ =	shalt  }
0x77: {  	_ =	shalt  }
0x78: {  	_ =	shalt  }
0x79: {  	_ =	shalt  }
0x7a: {  	_ =	shalt  }
0x7b: {  	_ =	shalt  }
0x7c: {  	_ =	shalt  }
0x7d: {  	_ =	shalt  }
0x7e: {  	_ =	shalt  }
0x7f: {  	_ =	shalt  }
0x80: {  	_ =	shalt  }
0x81: {  	_ =	shalt  }
0x82: {  	_ =	shalt  }
0x83: {  	_ =	shalt  }
0x84: {  	_ =	shalt  }
0x85: {  	_ =	shalt  }
0x86: {  	_ =	shalt  }
0x87: {  	_ =	shalt  }
.Lfunc_end0:
.L_simem_size_0:
called_computation.1_lowered:
.L_overlay_start_0:
0x88: {  	s2 =	sld [smem:$0x3FD9]  }
0x89: {  	s3 =	sld [smem:$0x3FFE];
	_ =	sdelay $0x1  }
0x8a: {  	s1 =	srdreg.scid  }
0x8b: {  	s0 =	sand.u32 $0x1, s1  }
0x8c: {  	s17 =	sshll.u32 s0, $0xA;
	s2 =	sadd.s32 s3, s2  }
0x8d: {  	s2 =	sadd.s32 s2, s17  }
0x8e: {  	[smem:$0x3FC2] =	sst s2  }
0x8f: {  	_ = 	snop  }
0x90: {  	s2 =	sld [smem:$0x3FD0];
	(tm) =	ssettm $0x1  }
0x91: {  	s18 =	sld [smem:$0x3FFB];
	_ =	sdelay $0x3  }
0x92: {  	_ =	strace s18  }
0x93: {  	s3 =	sld [smem:$0x3FFC];
	_ =	sdelay $0x3  }
0x94: {  	_ =	strace s3  }
0x95: {  	s3 =	sld [smem:$0x3FFD];
	_ =	sdelay $0x3  }
0x96: {  	_ =	strace s3  }
0x97: {  	_ =	strace $0x8FFFFFFF  }
0x98: {  	s19 =	sld [smem:$0x3FDB];
	_ =	sdelay $0x1  }
0x99: {  	s4 =	simm.s32 $_scs_section_size  }
0x9a: {  	s5 =	simm.s32 $_size__tile_overlayer_lowered;
	s6 =	simm.s32 $_tile_overlayer_lowered  }
0x9b: {  	s22 =	simm.s32 $0x1BFF;
	s21 =	sshll.u32 s6, $0x1;
	s3 =	sadd.s32 s4, s19  }
0x9c: {  	s7 =	simm.s32 $0x0;
	s20 =	sshll.u32 s5, $0x1;
	s5 =	sadd.s32 s21, s3  }
0x9d: {  	[timem:s7], [sflag:s22] =	dma.local [hbm:s5], s20  }
0x9e: {  	_ =	swait.ge [sflag:s22], s20  }
0x9f: {  	s4 =	ssub.s32 $0x0, s20;
	[sflag:s22] =	ssyncset.done $0x0  }
0xa0: {  	[sflag:s22] =	ssyncadd.s32 s4;
	_ =	sdelay $0x1  }
0xa1: {  	s23 =	simm.s32 $0x1B8B  }
0xa2: {  	_ =	swait.ge [sflag:s23], $0x1  }
0xa3: {  	[sflag:s23] =	ssyncset.done $0x0  }
0xa4: {  	s25 =	simm.s32 $0x1B8E;
	s24 =	sld [smem:$0x3FFE];
	[sflag:s23] =	ssyncadd.s32 $0xFFFFFFFF  }
0xa5: {  	s26 =	simm.s32 $execute0_lowered;
	[smem:$0x3FD2] =	sst s25  }
0xa6: {  	s5 =	sshll.u32 s26, $0x1;
	_ =	strace $0x80000049;
	[dreg:$0x1] =	wrdreg $0xFFFFFFFF  }
0xa7: {  	s28 =	simm.s32 $_size_execute0_lowered;
	s3 =	sadd.s32 s3, s5;
	[dreg:$0x0] =	wrdreg $0x0  }
0xa8: {  	s5 =	sshll.u32 s28, $0x1;
	[dreg:$0x2] =	wrdreg s3  }
0xa9: {  	[dreg:$0x3] =	wrdreg s5  }
0xaa: {  	[dreg:$0x4] =	wrdreg $0xC0  }
0xab: {  	_ =	task [dreg:s7], $0x5FFFF  }
0xac: {  	[dreg:$0x1] =	wrdreg $0xFFFFFFFF  }
0xad: {  	[dreg:$0x0] =	wrdreg $0x60  }
0xae: {  	[dreg:$0x2] =	wrdreg s24  }
0xaf: {  	[dreg:$0x3] =	wrdreg s2  }
0xb0: {  	[dreg:$0x4] =	wrdreg $0x9  }
0xb1: {  	_ =	task.clear_ibuf [dreg:s7], $0x5FFFF;
	_ =	strace $0x90000049  }
0xb2: {  	s29 =	simm.s32 $0x9;
	_ =	strace $0x8000004B  }
0xb3: {  	_ =	swait.ge [sflag:s29], $0x1  }
0xb4: {  	[sflag:s29] =	ssyncadd.s32 $0xFFFFFFFF  }
0xb5: {  	_ =	strace $0x9000004B  }
0xb6: {  	_ =	sfence  }
0xb7: {  	s30 =	sld [smem:$0x0];
	_ =	sdelay $0x2  }
0xb8: {  	s31 =	sshll.u32 s1, $0xD;
	s1 =	sshrl.u32 s1, $0x2  }
0xb9: {  	s3 =	sand.u32 $0x4000, s31;
	s1 =	sadd.s32 s1, s30  }
0xba: {  	s0 =	sor.u32 s3, s0;
	s1 =	sshll.u32 s1, $0x11  }
0xbb: {  	s0 =	sor.u32 s1, s0  }
0xbc: {  	s0 =	sadd.s32 $0x8F2B, s0  }
0xbd: {  	[sflag:s0] =	ssyncadd.remote.s32 $0x1  }
0xbe: {  	_ =	sfence.sel $0xFFFF  }
0xbf: {  	[dreg:$0x0] =	wrdreg $0xFFFFFFFF;
	(pc) =	sbr.abs _section_cstart, $3  }
0xc0: {  	[dreg:$0x1] =	wrdreg $0xFFFFFFFF  }
0xc1: {  	_ =	task.clear_ibuf [dreg:s7], $0x2FFFF;
	_ =	strace $0x9FFFFFFF  }
0xc2: {  	(tm) =	ssettm $0x7FFFFFFF  }
0xc3: {  	_ =	shalt  }
tec
execute0_lowered:
.L_overlay_start_1:
0x0: {  	(tag) =	ssettag $0x1  }
0x1: {  	s4 =	rddreg [dreg:$0x0]  }
0x2: {  	s0 =	srdreg.scid;
	s5 =	rddreg [dreg:$0x1];
	s2 =	simm.s32 $0x0  }
0x3: {  	s10 =	simm.s32 $0x1400;
	s11 =	simm.s32 $0x2800;
	s3 =	sand.u32 $0x1, s0  }
0x4: {  	s12 =	simm.s32 $0x5000;
	s0 =	stileid.u32;
	s1 =	sshll.u32 s3, $0x4  }
0x5: {  	s13 =	simm.s32 $0x7800;
	s3 =	ssub.s32 $0x2, s3;
	s6 =	sor.u32 s0, s1  }
0x6: {  	s14 =	simm.s32 $0x0;
	s8 =	sshrl.u32 s3, $0x1;
	s7 =	smul.u32 $0x1400, s6  }
0x7: {  	[smem:$0x7FF] =	sst s2;
	s6 =	smul.u32 $0x500, s6;
	s8 =	ssub.s32 s3, s8  }
0x8: {  	s1 =	rddreg [dreg:$0x2];
	_ =	strace $0x8000004A;
	s8 =	smax.u32 s8, $0x1  }
0x9: {  	s7 =	sshrl.u32 s7, $0x3;
	s9 =	sadd.s32 s6, s4;
	s5 =	sadd.s32 s5, s6  }
0xa: {  	s7 =	sadd.s32 s7, s4;
	s6 =	sadd.s32 $0x25000, s9;
	s9 =	simm.s32 $0x1  }
0xb: {  	s3 =	sadd.s32 $0x1B000, s7;
	s4 =	sadd.s32 $0x20000, s7;
	s7 =	sadd.s32 $0x15E00, s7  }
.LBB2_1:
0xc: {  	[tilespmem:s2], [sflag:$0x1] =	stream.linear.gather [hbm4b:s3+s2], $0x1400, $0x38;
	[tilespmem:$0x8C00] =	vst v63  }
0xd: {  	_ =	swait.ge [sflag:s9], $0x1400  }
0xe: {  	[sflag:s9] =	ssyncset.done $0x0  }
0xf: {  	[sflag:s9] =	ssyncadd.s32 $0xFFFFEC00  }
0x10: {  	[tilespmem:s10], [sflag:$0x1] =	stream.linear.gather [hbm4b:s4+s2], $0x1400, $0x38;
	[tilespmem:$0x8C00] =	vst v63  }
0x11: {  	_ =	swait.ge [sflag:s9], $0x1400  }
0x12: {  	[sflag:s9] =	ssyncset.done $0x0  }
0x13: {  	[sflag:s9] =	ssyncadd.s32 $0xFFFFEC00  }
0x14: {  	[tilespmem:s11], [sflag:$0x1] =	stream.linear.gather [hbm4b:s5+s2], $0x2800, $0x38;
	[tilespmem:$0x8C00] =	vst v63  }
0x15: {  	_ =	swait.ge [sflag:s9], $0x2800  }
0x16: {  	[sflag:s9] =	ssyncset.done $0x0  }
0x17: {  	s16 =	simm.s32 $0x0;
	[sflag:s9] =	ssyncadd.s32 $0xFFFFD800  }
0x18: {  	v0 =	vld [tilespmem:s16+$0x0]  }
0x19: {  	v1 =	vld [tilespmem:s16+$0x1400];
	_ =	sdelay $0x4  }
0x1a: {  	v0 =	vadd.f32 v1, v0;
	_ =	sdelay $0x1  }
0x1b: {  	v0 =	vadd.f32 $1.000000000e+00, v0;
	_ =	sdelay $0x1  }
0x1c: {  	v1 =	vshrl.u32 v0, $0x1;
	v0 =	vmul.f32 $5.000000000e-01, v0  }
0x1d: {  	v1 =	vsub.s32 $0x5F3759DF, v1  }
0x1e: {  	v2 =	vmul.f32 v1, v0;
	_ =	sdelay $0x1  }
0x1f: {  	v2 =	vmul.f32 v1, v2;
	_ =	sdelay $0x1  }
0x20: {  	v2 =	vsub.f32 $1.500000000e+00, v2;
	_ =	sdelay $0x1  }
0x21: {  	v1 =	vmul.f32 v1, v2;
	_ =	sdelay $0x1  }
0x22: {  	v2 =	vmul.f32 v1, v0;
	_ =	sdelay $0x1  }
0x23: {  	v2 =	vmul.f32 v2, v1;
	_ =	sdelay $0x1  }
0x24: {  	v2 =	vsub.f32 $1.500000000e+00, v2;
	_ =	sdelay $0x1  }
0x25: {  	v1 =	vmul.f32 v2, v1;
	_ =	sdelay $0x1  }
0x26: {  	v0 =	vmul.f32 v1, v0;
	_ =	sdelay $0x1  }
0x27: {  	v0 =	vmul.f32 v0, v1;
	_ =	sdelay $0x1  }
0x28: {  	v0 =	vsub.f32 $1.500000000e+00, v0;
	_ =	sdelay $0x1  }
0x29: {  	v0 =	vmul.f32 v0, v1;
	_ =	sdelay $0x1  }
0x2a: {  	s15 =	simm.s32 $0x2810;
	[tilespmem:s16+$0x7800] =	vst v0  }
0x2b: {  	v1 =	vld [tilespmem:s15+$0xFFFFFFF0];
	_ =	sdelay $0x4  }
0x2c: {  	v1 =	vmul.f32 v0, v1  }
0x2d: {  	s16 =	simm.s32 $0x5010  }
0x2e: {  	[tilespmem:s16+$0xFFFFFFF0] =	vst v1  }
0x2f: {  	v1 =	vld [tilespmem:s15+$0x0];
	_ =	sdelay $0x4  }
0x30: {  	v0 =	vmul.f32 v0, v1;
	_ =	sdelay $0x1  }
0x31: {  	s18 =	simm.s32 $0x10;
	[tilespmem:s16+$0x0] =	vst v0  }
0x32: {  	s17 =	simm.s32 $0x80;
	v0 =	vld [tilespmem:s18+$0x0]  }
.LBB2_2:
0x33: {  	p0 =	sne.s32 s17, $0x4FC0;
	v1 =	vld [tilespmem:s18+$0x1400];
	_ =	sdelay $0x4  }
0x34: {  	v0 =	vadd.f32 v1, v0;
	_ =	sdelay $0x1  }
0x35: {  	v0 =	vadd.f32 $1.000000000e+00, v0;
	_ =	sdelay $0x1  }
0x36: {  	v1 =	vshrl.u32 v0, $0x1;
	v0 =	vmul.f32 $5.000000000e-01, v0  }
0x37: {  	v1 =	vsub.s32 $0x5F3759DF, v1  }
0x38: {  	v2 =	vmul.f32 v1, v0;
	_ =	sdelay $0x1  }
0x39: {  	v2 =	vmul.f32 v1, v2;
	_ =	sdelay $0x1  }
0x3a: {  	v2 =	vsub.f32 $1.500000000e+00, v2;
	_ =	sdelay $0x1  }
0x3b: {  	v1 =	vmul.f32 v1, v2;
	_ =	sdelay $0x1  }
0x3c: {  	v2 =	vmul.f32 v1, v0;
	_ =	sdelay $0x1  }
0x3d: {  	v2 =	vmul.f32 v2, v1;
	_ =	sdelay $0x1  }
0x3e: {  	v2 =	vsub.f32 $1.500000000e+00, v2;
	_ =	sdelay $0x1  }
0x3f: {  	v1 =	vmul.f32 v2, v1;
	_ =	sdelay $0x1  }
0x40: {  	v0 =	vmul.f32 v1, v0;
	_ =	sdelay $0x1  }
0x41: {  	v0 =	vmul.f32 v0, v1;
	_ =	sdelay $0x1  }
0x42: {  	v0 =	vsub.f32 $1.500000000e+00, v0;
	_ =	sdelay $0x1  }
0x43: {  	v0 =	vmul.f32 v0, v1;
	_ =	sdelay $0x1  }
0x44: {  	s15 =	sadd.s32 $0x20, s15;
	[tilespmem:s18+$0x7800] =	vst v0  }
0x45: {  	v1 =	vld [tilespmem:s15+$0xFFFFFFF0];
	_ =	sdelay $0x4  }
0x46: {  	v1 =	vmul.f32 v0, v1  }
0x47: {  	s16 =	sadd.s32 $0x20, s16  }
0x48: {  	[tilespmem:s16+$0xFFFFFFF0] =	vst v1  }
0x49: {  	v1 =	vld [tilespmem:s15+$0x0];
	_ =	sdelay $0x3  }
.Ltmp0:
0x4a: {  	(pc) =	sbr.rel @p0 .LBB2_2-.Ltmp0, $3  }
0x4b: {  	v0 =	vmul.f32 v0, v1;
	_ =	sdelay $0x1  }
0x4c: {  	s18 =	sshra.s32 s17, $0x2;
	[tilespmem:s16+$0x0] =	vst v0  }
0x4d: {  	s17 =	sadd.s32 $0x40, s17;
	v0 =	vld [tilespmem:s18+$0x0]  }
0x4e: {  	v1 =	vld [tilespmem:s18+$0x1400];
	_ =	sdelay $0x4  }
0x4f: {  	v0 =	vadd.f32 v1, v0;
	_ =	sdelay $0x1  }
0x50: {  	v0 =	vadd.f32 $1.000000000e+00, v0;
	_ =	sdelay $0x1  }
0x51: {  	v62 =	vshrl.u32 v0, $0x1;
	v0 =	vmul.f32 $5.000000000e-01, v0  }
0x52: {  	v1 =	vsub.s32 $0x5F3759DF, v62  }
0x53: {  	v2 =	vmul.f32 v1, v0;
	_ =	sdelay $0x1  }
0x54: {  	v2 =	vmul.f32 v1, v2;
	_ =	sdelay $0x1  }
0x55: {  	v2 =	vsub.f32 $1.500000000e+00, v2;
	_ =	sdelay $0x1  }
0x56: {  	v1 =	vmul.f32 v1, v2;
	_ =	sdelay $0x1  }
0x57: {  	v2 =	vmul.f32 v1, v0;
	_ =	sdelay $0x1  }
0x58: {  	v2 =	vmul.f32 v2, v1;
	_ =	sdelay $0x1  }
0x59: {  	v2 =	vsub.f32 $1.500000000e+00, v2;
	_ =	sdelay $0x1  }
0x5a: {  	v1 =	vmul.f32 v2, v1;
	_ =	sdelay $0x1  }
0x5b: {  	v0 =	vmul.f32 v1, v0;
	_ =	sdelay $0x1  }
0x5c: {  	v0 =	vmul.f32 v0, v1;
	_ =	sdelay $0x1  }
0x5d: {  	v0 =	vsub.f32 $1.500000000e+00, v0;
	_ =	sdelay $0x1  }
0x5e: {  	v0 =	vmul.f32 v0, v1;
	_ =	sdelay $0x1  }
0x5f: {  	s15 =	sadd.s32 $0x20, s15;
	[tilespmem:s18+$0x7800] =	vst v0  }
0x60: {  	v63 =	vld [tilespmem:s15+$0xFFFFFFF0];
	_ =	sdelay $0x4  }
0x61: {  	v1 =	vmul.f32 v0, v63  }
0x62: {  	s16 =	sadd.s32 $0x20, s16  }
0x63: {  	[tilespmem:s16+$0xFFFFFFF0] =	vst v1  }
0x64: {  	v1 =	vld [tilespmem:s15+$0x0];
	_ =	sdelay $0x4  }
0x65: {  	v0 =	vmul.f32 v0, v1;
	_ =	sdelay $0x1  }
0x66: {  	[tilespmem:s16+$0x0] =	vst v0  }
0x67: {  	[hbm4b:s6+s2] =	stream.linear.scatter [tilespmem:s12], [sflag:$0x1], $0x2800, $0x38;
	[tilespmem:$0x8C00] =	vst v63  }
0x68: {  	s14 =	sadd.s32 $0x1, s14;
	_ =	swait.ge [sflag:s9], $0x2800  }
0x69: {  	p0 =	sne.s32 s14, s8;
	[sflag:s9] =	ssyncset.done $0x0  }
.Ltmp1:
0x6a: {  	[sflag:s9] =	ssyncadd.s32 $0xFFFFD800;
	(pc) =	sbr.rel @p0 .LBB2_1-.Ltmp1, $4  }
0x6b: {  	[hbm4b:s7+s2] =	stream.linear.scatter [tilespmem:s13], [sflag:$0x1], $0x1400, $0x38;
	[tilespmem:$0x8C00] =	vst v63  }
0x6c: {  	_ =	swait.ge [sflag:s9], $0x1400  }
0x6d: {  	[sflag:s9] =	ssyncset.done $0x0  }
0x6e: {  	[sflag:s9] =	ssyncadd.s32 $0xFFFFEC00  }
0x6f: {  	_ =	sfence.sel $0x180000  }
0x70: {  	[bflag:$0x0] =	sbarrier.arrive $0xFFFF  }
0x71: {  	p0 =	sne.s32 s0, $0x0;
	_ =	strace $0x9000004A  }
0x72: {  	s0 =	sadd.s32 @!p0 $0x100000, s1;
	[bflag:$0x2] =	sbarrier.arrive $0xFFFF  }
0x73: {  	[sflag:s0] =	ssyncadd.tile.s32 @!p0 $0x1;
	_ =	shalt  }
.Lfunc_end2:
_tile_overlayer_lowered:
.L_overlay_start_2:
0x74: {  	(tag) =	ssettag $0x2  }
0x75: {  	s0 =	rddreg [dreg:$0x0];
	s2 =	stileid.u32  }
0x76: {  	s1 =	rddreg [dreg:$0x1];
	p0 =	sne.s32 s2, $0x0  }
0x77: {  	s3 =	rddreg [dreg:$0x2];
	[bflag:$0x3] =	sbarrier.arrive $0xFFFF;
	s2 =	simm.s32 @!p0 $0x1C01  }
0x78: {  	[timem:s3], [sflag:s2] =	dma.local @!p0 [hbm:s0], s1  }
0x79: {  	s0 =	simm.s32 @!p0 $0x1  }
0x7a: {  	_ =	swait.ge @!p0 [sflag:s0], s1  }
0x7b: {  	s1 =	ssub.s32 @!p0 $0x0, s1;
	[sflag:s0] =	ssyncset.done @!p0 $0x0  }
0x7c: {  	[sflag:s0] =	ssyncadd.s32 @!p0 s1  }
0x7d: {  	[bflag:$0x3] =	sbarrier.arrive $0xFFFF  }
0x7e: {  	_ =	shalt  }

// kernel: kernel.16.cloned.1.call-start
scs
__scs_entry_jumppad:
0x0: {  	(pc) =	sbr.rel $0x88, $3  }
0x1: {  	(tag) =	ssettag $0x0;
	lr =	simm.s32 $0x1  }
0x2: {  	[smem:$0x3F9B] =	sst lr;
	_ =	strace $0xD0000000  }
0x3: {  	_ = 	snop  }
0x4: {  	_ = 	snop  }
0x5: {  	_ = 	snop  }
0x6: {  	_ = 	snop  }
0x7: {  	_ = 	snop  }
__scs_overlays_trampoline_lowered:
0x8: {  	[smem:$0x3FAA] =	sst s0  }
0x9: {  	[smem:$0x3FAB] =	sst s1  }
0xa: {  	[smem:$0x3FAC] =	sst s2  }
0xb: {  	[smem:$0x3FAD] =	sst s3  }
0xc: {  	[smem:$0x3FAE] =	sst s4  }
0xd: {  	[smem:$0x3FAF] =	sst s5  }
0xe: {  	[smem:$0x3FB0] =	sst s6  }
0xf: {  	[smem:$0x3FB1] =	sst s7  }
0x10: {  	[smem:$0x3FB2] =	sst s8  }
0x11: {  	[smem:$0x3FB3] =	sst s9;
	s0 =	simm.s32 @!p0 $0x0  }
0x12: {  	s1 =	sld [smem:$0x3F99];
	s0 =	simm.s32 @p0 $0x1  }
0x13: {  	[smem:$0x3FB4] =	sst s0;
	s0 =	simm.s32 @!p1 $0x0  }
0x14: {  	s2 =	sld [smem:$0x3F98];
	s0 =	simm.s32 @p1 $0x1  }
0x15: {  	[smem:$0x3FB5] =	sst s0;
	s0 =	simm.s32 @!p2 $0x0  }
0x16: {  	s3 =	sld [smem:$0x3FDB];
	s0 =	simm.s32 @p2 $0x1  }
0x17: {  	s4 =	simm.s32 $0x1BF5;
	[smem:$0x3FB7] =	sst s0  }
0x18: {  	s0 =	sld [smem:$0x3F9A];
	_ =	swait.ge [sflag:s4], $0x0  }
0x19: {  	s7 =	sld [smem:$0x3F9B]  }
0x1a: {  	s8 =	sadd.s32 $0xFFFFE003, lr  }
0x1b: {  	s9 =	sadd.s32 $0xFFFFFEF7, lr;
	s5 =	simm.s32 $0xFFFFFFFF;
	p2 =	slt.u32 s8, $0xFFFFF086  }
0x1c: {  	p1 =	slt.u32 s9, $0xF7A;
	s5 =	simm.s32 @!p2 $0x0  }
0x1d: {  	s5 =	simm.s32 @p1 $0x1;
	p0 =	seq.s32 s7, s2  }
0x1e: {  	s7 =	smul.u32 @!p0 $0xF7A, s2;
	p2 =	seq.s32 @!p0 s5, $0x0  }
0x1f: {  	s9 =	smul.u32 $0xF7A, s1;
	s8 =	simm.s32 @!p0 $0x1BF5;
	p2 =	por !p2, p0  }
0x20: {  	[sflag:s8] =	ssyncset.s32 @!p0 $0xFFFFF086;
	s6 =	sadd.s32 @!p0 s3, s7;
	s7 =	simm.s32 @!p0 $0x108  }
0x21: {  	s3 =	sadd.s32 s3, s9;
	s6 =	sadd.s32 @!p0 $0x88, s6;
	s7 =	simm.s32 @p2 $0x1082  }
0x22: {  	[simem:s7], [sflag:s8] =	dma.local @!p0 [hbm:s6], $0xF7A  }
0x23: {  	s9 =	sor.u32 $0xD0000000, s2;
	s6 =	simm.s32 $0x108;
	_ =	swait.ge @!p0 [sflag:s8], $0x0  }
0x24: {  	s3 =	sadd.s32 $0x88, s3;
	s6 =	simm.s32 @!p1 $0x1082;
	[sflag:s4] =	ssyncset.s32 $0xFFFFF086  }
0x25: {  	[simem:s6], [sflag:s4] =	dma.local [hbm:s3], $0xF7A  }
0x26: {  	[smem:$0x3F9B] =	sst s1;
	(tag) =	ssettag s2;
	_ =	strace s9  }
0x27: {  	s1 =	sld [smem:$0x3FAB]  }
0x28: {  	s2 =	sld [smem:$0x3FAC]  }
0x29: {  	s4 =	sld [smem:$0x3FAE]  }
0x2a: {  	p0 =	seq.s32 s5, $0x0;
	s5 =	sld [smem:$0x3FAF]  }
0x2b: {  	s6 =	sld [smem:$0x3FB0]  }
0x2c: {  	s7 =	sld [smem:$0x3FB1]  }
0x2d: {  	s3 =	simm.s32 $0x108;
	s8 =	sld [smem:$0x3FB2]  }
0x2e: {  	s3 =	simm.s32 @!p0 $0x1082;
	s9 =	sld [smem:$0x3FB3]  }
0x2f: {  	lr =	sadd.s32 s0, s3;
	s0 =	sld [smem:$0x3FAA]  }
0x30: {  	s3 =	sld [smem:$0x3FAD]  }
0x31: {  	[smem:$0x3FB6] =	sst s10  }
0x32: {  	s10 =	sld [smem:$0x3FB4];
	_ =	sdelay $0x3  }
0x33: {  	p0 =	seq.s32 s10, $0x1;
	s10 =	sld [smem:$0x3FB6];
	_ =	sdelay $0x3  }
0x34: {  	[smem:$0x3FB6] =	sst s10  }
0x35: {  	s10 =	sld [smem:$0x3FB5];
	_ =	sdelay $0x3  }
0x36: {  	p1 =	seq.s32 s10, $0x1;
	s10 =	sld [smem:$0x3FB6];
	_ =	sdelay $0x3  }
0x37: {  	[smem:$0x3FB6] =	sst s10  }
0x38: {  	s10 =	sld [smem:$0x3FB7]  }
0x39: {  	_ = 	snop;
	(pc) =	sbr.ind lr, $3  }
0x3a: {  	_ = 	snop  }
0x3b: {  	_ = 	snop  }
0x3c: {  	p2 =	seq.s32 s10, $0x1;
	s10 =	sld [smem:$0x3FB6]  }
0x3d: {  	_ =	shalt  }
0x3e: {  	_ =	shalt  }
0x3f: {  	_ =	shalt  }
0x40: {  	_ =	shalt  }
0x41: {  	_ =	shalt  }
0x42: {  	_ =	shalt  }
0x43: {  	_ =	shalt  }
0x44: {  	_ =	shalt  }
0x45: {  	_ =	shalt  }
0x46: {  	_ =	shalt  }
0x47: {  	_ =	shalt  }
0x48: {  	_ =	shalt  }
0x49: {  	_ =	shalt  }
0x4a: {  	_ =	shalt  }
0x4b: {  	_ =	shalt  }
0x4c: {  	_ =	shalt  }
0x4d: {  	_ =	shalt  }
0x4e: {  	_ =	shalt  }
0x4f: {  	_ =	shalt  }
0x50: {  	_ =	shalt  }
0x51: {  	_ =	shalt  }
0x52: {  	_ =	shalt  }
0x53: {  	_ =	shalt  }
0x54: {  	_ =	shalt  }
0x55: {  	_ =	shalt  }
0x56: {  	_ =	shalt  }
0x57: {  	_ =	shalt  }
0x58: {  	_ =	shalt  }
0x59: {  	_ =	shalt  }
0x5a: {  	_ =	shalt  }
0x5b: {  	_ =	shalt  }
0x5c: {  	_ =	shalt  }
0x5d: {  	_ =	shalt  }
0x5e: {  	_ =	shalt  }
0x5f: {  	_ =	shalt  }
0x60: {  	_ =	shalt  }
0x61: {  	_ =	shalt  }
0x62: {  	_ =	shalt  }
0x63: {  	_ =	shalt  }
0x64: {  	_ =	shalt  }
0x65: {  	_ =	shalt  }
0x66: {  	_ =	shalt  }
0x67: {  	_ =	shalt  }
0x68: {  	_ =	shalt  }
0x69: {  	_ =	shalt  }
0x6a: {  	_ =	shalt  }
0x6b: {  	_ =	shalt  }
0x6c: {  	_ =	shalt  }
0x6d: {  	_ =	shalt  }
0x6e: {  	_ =	shalt  }
0x6f: {  	_ =	shalt  }
0x70: {  	_ =	shalt  }
0x71: {  	_ =	shalt  }
0x72: {  	_ =	shalt  }
0x73: {  	_ =	shalt  }
0x74: {  	_ =	shalt  }
0x75: {  	_ =	shalt  }
0x76: {  	_ =	shalt  }
0x77: {  	_ =	shalt  }
0x78: {  	_ =	shalt  }
0x79: {  	_ =	shalt  }
0x7a: {  	_ =	shalt  }
0x7b: {  	_ =	shalt  }
0x7c: {  	_ =	shalt  }
0x7d: {  	_ =	shalt  }
0x7e: {  	_ =	shalt  }
0x7f: {  	_ =	shalt  }
0x80: {  	_ =	shalt  }
0x81: {  	_ =	shalt  }
0x82: {  	_ =	shalt  }
0x83: {  	_ =	shalt  }
0x84: {  	_ =	shalt  }
0x85: {  	_ =	shalt  }
0x86: {  	_ =	shalt  }
0x87: {  	_ =	shalt  }
.Lfunc_end0:
.L_simem_size_0:
called_computation.2_lowered:
.L_overlay_start_0:
0x88: {  	s2 =	sld [smem:$0x3FD9]  }
0x89: {  	s3 =	sld [smem:$0x3FFE];
	_ =	sdelay $0x1  }
0x8a: {  	s1 =	srdreg.scid  }
0x8b: {  	s0 =	sand.u32 $0x1, s1  }
0x8c: {  	s17 =	sshll.u32 s0, $0xA;
	s2 =	sadd.s32 s3, s2  }
0x8d: {  	s2 =	sadd.s32 s2, s17  }
0x8e: {  	[smem:$0x3FC2] =	sst s2  }
0x8f: {  	_ = 	snop  }
0x90: {  	s2 =	sld [smem:$0x3FD0];
	(tm) =	ssettm $0x1  }
0x91: {  	s18 =	sld [smem:$0x3FFB];
	_ =	sdelay $0x3  }
0x92: {  	_ =	strace s18  }
0x93: {  	s3 =	sld [smem:$0x3FFC];
	_ =	sdelay $0x3  }
0x94: {  	_ =	strace s3  }
0x95: {  	s3 =	sld [smem:$0x3FFD];
	_ =	sdelay $0x3  }
0x96: {  	_ =	strace s3  }
0x97: {  	_ =	strace $0x8FFFFFFF  }
0x98: {  	s19 =	sld [smem:$0x3FDB];
	_ =	sdelay $0x1  }
0x99: {  	s4 =	simm.s32 $_scs_section_size  }
0x9a: {  	s5 =	simm.s32 $_size__tile_overlayer_lowered;
	s6 =	simm.s32 $_tile_overlayer_lowered  }
0x9b: {  	s22 =	simm.s32 $0x1BFF;
	s21 =	sshll.u32 s6, $0x1;
	s3 =	sadd.s32 s4, s19  }
0x9c: {  	s7 =	simm.s32 $0x0;
	s20 =	sshll.u32 s5, $0x1;
	s5 =	sadd.s32 s21, s3  }
0x9d: {  	[timem:s7], [sflag:s22] =	dma.local [hbm:s5], s20  }
0x9e: {  	_ =	swait.ge [sflag:s22], s20  }
0x9f: {  	s4 =	ssub.s32 $0x0, s20;
	[sflag:s22] =	ssyncset.done $0x0  }
0xa0: {  	[sflag:s22] =	ssyncadd.s32 s4;
	_ =	sdelay $0x1  }
0xa1: {  	s23 =	simm.s32 $0x1B8B  }
0xa2: {  	_ =	swait.ge [sflag:s23], $0x1  }
0xa3: {  	[sflag:s23] =	ssyncset.done $0x0  }
0xa4: {  	s25 =	simm.s32 $0x1B8E;
	s24 =	sld [smem:$0x3FFE];
	[sflag:s23] =	ssyncadd.s32 $0xFFFFFFFF  }
0xa5: {  	s26 =	simm.s32 $execute0_lowered;
	[smem:$0x3FD2] =	sst s25  }
0xa6: {  	s5 =	sshll.u32 s26, $0x1;
	_ =	strace $0x8000004C;
	[dreg:$0x1] =	wrdreg $0xFFFFFFFF  }
0xa7: {  	s28 =	simm.s32 $_size_execute0_lowered;
	s3 =	sadd.s32 s3, s5;
	[dreg:$0x0] =	wrdreg $0x0  }
0xa8: {  	s5 =	sshll.u32 s28, $0x1;
	[dreg:$0x2] =	wrdreg s3  }
0xa9: {  	[dreg:$0x3] =	wrdreg s5  }
0xaa: {  	[dreg:$0x4] =	wrdreg $0xC0  }
0xab: {  	_ =	task [dreg:s7], $0x5FFFF  }
0xac: {  	[dreg:$0x1] =	wrdreg $0xFFFFFFFF  }
0xad: {  	[dreg:$0x0] =	wrdreg $0x60  }
0xae: {  	[dreg:$0x2] =	wrdreg s24  }
0xaf: {  	[dreg:$0x3] =	wrdreg s2  }
0xb0: {  	[dreg:$0x4] =	wrdreg $0x76200  }
0xb1: {  	[dreg:$0x5] =	wrdreg $0x9  }
0xb2: {  	_ =	task.clear_ibuf [dreg:s7], $0x6FFFF;
	_ =	strace $0x9000004C  }
0xb3: {  	s29 =	simm.s32 $0x9;
	_ =	strace $0x8000004E  }
0xb4: {  	_ =	swait.ge [sflag:s29], $0x1  }
0xb5: {  	[sflag:s29] =	ssyncadd.s32 $0xFFFFFFFF  }
0xb6: {  	_ =	strace $0x9000004E  }
0xb7: {  	_ =	sfence  }
0xb8: {  	s30 =	sld [smem:$0x0];
	_ =	sdelay $0x2  }
0xb9: {  	s31 =	sshll.u32 s1, $0xD;
	s1 =	sshrl.u32 s1, $0x2  }
0xba: {  	s3 =	sand.u32 $0x4000, s31;
	s1 =	sadd.s32 s1, s30  }
0xbb: {  	s0 =	sor.u32 s3, s0;
	s1 =	sshll.u32 s1, $0x11  }
0xbc: {  	s0 =	sor.u32 s1, s0  }
0xbd: {  	s0 =	sadd.s32 $0x8F2B, s0  }
0xbe: {  	[sflag:s0] =	ssyncadd.remote.s32 $0x1  }
0xbf: {  	_ =	sfence.sel $0xFFFF  }
0xc0: {  	[dreg:$0x0] =	wrdreg $0xFFFFFFFF;
	(pc) =	sbr.abs _section_cstart, $3  }
0xc1: {  	[dreg:$0x1] =	wrdreg $0xFFFFFFFF  }
0xc2: {  	_ =	task.clear_ibuf [dreg:s7], $0x2FFFF;
	_ =	strace $0x9FFFFFFF  }
0xc3: {  	(tm) =	ssettm $0x7FFFFFFF  }
tec
execute0_lowered:
.L_overlay_start_1:
0x0: {  	(tag) =	ssettag $0x1  }
0x1: {  	s0 =	rddreg [dreg:$0x0]  }
0x2: {  	s1 =	srdreg.scid;
	s9 =	rddreg [dreg:$0x1]  }
0x3: {  	s2 =	rddreg [dreg:$0x2];
	s12 =	stileid.u32  }
0x4: {  	s3 =	simm.s32 $0x0;
	s13 =	simm.s32 $0x2710;
	s14 =	simm.s32 $0x50  }
0x5: {  	s15 =	simm.s32 $0x4E20;
	s16 =	simm.s32 $0x5820;
	s18 =	simm.s32 $0x6220  }
0x6: {  	s19 =	simm.s32 $0x1;
	s21 =	simm.s32 $0x6C20;
	s22 =	simm.s32 $0x2  }
0x7: {  	s24 =	simm.s32 $0x5;
	s28 =	simm.s32 $0x4;
	s29 =	simm.s32 $0x7  }
0x8: {  	s30 =	simm.s32 $0x8;
	s17 =	simm.s32 $0x4DD0;
	s20 =	simm.s32 $0x0  }
0x9: {  	s1 =	sand.u32 $0x1, s1;
	[smem:$0x7FF] =	sst s3;
	s6 =	smul.u32 $0x5000, s12  }
0xa: {  	s26 =	sshll.u32 s12, $0x6;
	s4 =	sshll.u32 s1, $0x4;
	_ =	strace $0x8000004D  }
0xb: {  	s25 =	ssub.s32 $0x2, s1;
	s1 =	smul.u32 $0x50000, s1;
	s4 =	sor.u32 s12, s4  }
0xc: {  	s7 =	sshrl.u32 s6, $0x3;
	s10 =	sshrl.u32 s25, $0x1;
	s11 =	sadd.s32 s6, s2  }
0xd: {  	s12 =	simm.s32 $0x9;
	s5 =	smul.u32 $0x4E2, s4;
	s4 =	sadd.s32 $0x25000, s0  }
0xe: {  	s10 =	ssub.s32 s25, s10;
	s1 =	sadd.s32 s6, s1;
	s6 =	sor.u32 $0x1C09, s26  }
0xf: {  	s11 =	sshrl.u32 s11, $0x3;
	s25 =	simm.s32 $0x3;
	s26 =	simm.s32 $0x6  }
0x10: {  	s31 =	sshrl.u32 s1, $0x3;
	s10 =	smax.u32 s10, $0x1;
	s1 =	simm.s32 $0x4D80  }
0x11: {  	s8 =	sadd.s32 s5, s0;
	s0 =	sadd.s32 s7, s0;
	s9 =	sadd.s32 s9, s31  }
0x12: {  	s5 =	sadd.s32 $0x1AE00, s0;
	s7 =	sadd.s32 $0x2200, s8;
	s8 =	sadd.s32 $0xC000, s8  }
.LBB2_1:
0x13: {  	[spmem:s11], [sflag:s6] =	dma.local [hbm:s5], $0xA00  }
0x14: {  	_ =	swait.ge [sflag:s12], $0xA00  }
0x15: {  	[sflag:s12] =	ssyncset.done $0x0  }
0x16: {  	[sflag:s12] =	ssyncadd.s32 $0xFFFFF600  }
0x17: {  	[tilespmem:s3], [sflag:$0x9] =	stream.linear.gather [hbm4b:s7+s3], $0x2710, $0x38;
	[tilespmem:$0xC620] =	vst v63  }
0x18: {  	_ =	swait.ge [sflag:s12], $0x2710  }
0x19: {  	[sflag:s12] =	ssyncset.done $0x0  }
0x1a: {  	[sflag:s12] =	ssyncadd.s32 $0xFFFFD8F0  }
0x1b: {  	[tilespmem:s13], [sflag:$0x9] =	stream.linear.gather [hbm4b:s8+s3], $0x2710, $0x38;
	[tilespmem:$0xC620] =	vst v63  }
0x1c: {  	_ =	swait.ge [sflag:s12], $0x2710  }
0x1d: {  	[sflag:s12] =	ssyncset.done $0x0  }
0x1e: {  	[sflag:s12] =	ssyncadd.s32 $0xFFFFD8F0  }
0x1f: {  	[bflag:$0x0] =	sbarrier.arrive $0xFFFF  }
0x20: {  	[tilespmem:s15], [sflag:$0x1] =	stream.indirect.gather [hbm4b:s4+s14], $0x20, s3, s14, $0xb8;
	[tilespmem:$0xC620] =	vst v63  }
0x21: {  	_ = 	snop  }
0x22: {  	[tilespmem:s16], [sflag:$0x2] =	stream.indirect.gather [hbm4b:s4+s14], $0x20, s14, s14, $0xb8;
	[tilespmem:$0xC620] =	vst v63  }
0x23: {  	s0 =	simm.s32 $0xA0  }
0x24: {  	[tilespmem:s18], [sflag:$0x3] =	stream.indirect.gather [hbm4b:s4+s14], $0x20, s0, s14, $0xb8;
	[tilespmem:$0xC620] =	vst v63  }
0x25: {  	_ =	swait.ge [sflag:s19], $0xA00  }
0x26: {  	[sflag:s19] =	ssyncset.done $0x0  }
0x27: {  	[sflag:s19] =	ssyncadd.s32 $0xFFFFF600  }
0x28: {  	[spmem:s2] =	stream.indirect.scatter.add.f32 [tilespmem:s15], [sflag:$0x5], $0x20, s13, s14, $0xb8;
	[tilespmem:$0xC620] =	vst v63  }
0x29: {  	s23 =	simm.s32 $0xF0  }
0x2a: {  	[tilespmem:s21], [sflag:$0x4] =	stream.indirect.gather [hbm4b:s4+s14], $0x20, s23, s14, $0xb8;
	[tilespmem:$0xC620] =	vst v63  }
0x2b: {  	_ =	swait.ge [sflag:s22], $0xA00  }
0x2c: {  	[sflag:s22] =	ssyncset.done $0x0  }
0x2d: {  	s23 =	simm.s32 $0x2760;
	[sflag:s22] =	ssyncadd.s32 $0xFFFFF600  }
0x2e: {  	[spmem:s2] =	stream.indirect.scatter.add.f32 [tilespmem:s16], [sflag:$0x6], $0x20, s23, s14, $0xb8;
	[tilespmem:$0xC620] =	vst v63  }
0x2f: {  	_ =	swait.ge [sflag:s24], $0xA00  }
0x30: {  	[sflag:s24] =	ssyncset.done $0x0  }
0x31: {  	s23 =	simm.s32 $0x140;
	[sflag:s24] =	ssyncadd.s32 $0xFFFFF600  }
0x32: {  	[tilespmem:s15], [sflag:$0x1] =	stream.indirect.gather [hbm4b:s4+s14], $0x20, s23, s14, $0xb8;
	[tilespmem:$0xC620] =	vst v63  }
0x33: {  	_ =	swait.ge [sflag:s25], $0xA00  }
0x34: {  	[sflag:s25] =	ssyncset.done $0x0  }
0x35: {  	s0 =	simm.s32 $0x27B0;
	[sflag:s25] =	ssyncadd.s32 $0xFFFFF600  }
0x36: {  	[spmem:s2] =	stream.indirect.scatter.add.f32 [tilespmem:s18], [sflag:$0x7], $0x20, s0, s14, $0xb8;
	[tilespmem:$0xC620] =	vst v63  }
0x37: {  	_ =	swait.ge [sflag:s26], $0xA00  }
0x38: {  	[sflag:s26] =	ssyncset.done $0x0  }
0x39: {  	s0 =	simm.s32 $0x190;
	[sflag:s26] =	ssyncadd.s32 $0xFFFFF600  }
0x3a: {  	[tilespmem:s16], [sflag:$0x2] =	stream.indirect.gather [hbm4b:s4+s14], $0x20, s0, s14, $0xb8;
	[tilespmem:$0xC620] =	vst v63  }
0x3b: {  	_ =	swait.ge [sflag:s28], $0xA00  }
0x3c: {  	[sflag:s28] =	ssyncset.done $0x0  }
0x3d: {  	s0 =	simm.s32 $0x2800;
	[sflag:s28] =	ssyncadd.s32 $0xFFFFF600  }
0x3e: {  	[spmem:s2] =	stream.indirect.scatter.add.f32 [tilespmem:s21], [sflag:$0x8], $0x20, s0, s14, $0xb8;
	[tilespmem:$0xC620] =	vst v63  }
0x3f: {  	_ =	swait.ge [sflag:s29], $0xA00  }
0x40: {  	[sflag:s29] =	ssyncset.done $0x0  }
0x41: {  	s0 =	simm.s32 $0x1E0;
	[sflag:s29] =	ssyncadd.s32 $0xFFFFF600  }
0x42: {  	[tilespmem:s18], [sflag:$0x3] =	stream.indirect.gather [hbm4b:s4+s14], $0x20, s0, s14, $0xb8;
	[tilespmem:$0xC620] =	vst v63  }
0x43: {  	_ =	swait.ge [sflag:s19], $0xA00  }
0x44: {  	[sflag:s19] =	ssyncset.done $0x0  }
0x45: {  	s0 =	simm.s32 $0x2850;
	[sflag:s19] =	ssyncadd.s32 $0xFFFFF600  }
0x46: {  	[spmem:s2] =	stream.indirect.scatter.add.f32 [tilespmem:s15], [sflag:$0x5], $0x20, s0, s14, $0xb8;
	[tilespmem:$0xC620] =	vst v63  }
0x47: {  	_ =	swait.ge [sflag:s30], $0xA00  }
0x48: {  	[sflag:s30] =	ssyncset.done $0x0  }
0x49: {  	s0 =	simm.s32 $0x230;
	[sflag:s30] =	ssyncadd.s32 $0xFFFFF600  }
0x4a: {  	[tilespmem:s21], [sflag:$0x4] =	stream.indirect.gather [hbm4b:s4+s14], $0x20, s0, s14, $0xb8;
	[tilespmem:$0xC620] =	vst v63  }
0x4b: {  	_ =	swait.ge [sflag:s22], $0xA00  }
0x4c: {  	[sflag:s22] =	ssyncset.done $0x0  }
0x4d: {  	s31 =	simm.s32 $0x28A0;
	s23 =	simm.s32 $0x500;
	[sflag:s22] =	ssyncadd.s32 $0xFFFFF600  }
.LBB2_2:
0x4e: {  	[spmem:s2] =	stream.indirect.scatter.add.f32 [tilespmem:s16], [sflag:$0x6], $0x20, s31, s14, $0xb8;
	[tilespmem:$0xC620] =	vst v63  }
0x4f: {  	s31 =	smov.u32 s23  }
0x50: {  	p0 =	sne.s32 s23, $0x9100;
	s23 =	sadd.s32 $0x500, s23;
	_ =	swait.ge [sflag:s24], $0xA00  }
0x51: {  	s31 =	sshra.s32 s31, $0x2;
	[sflag:s24] =	ssyncset.done $0x0  }
0x52: {  	s0 =	sadd.s32 $0x140, s31;
	[sflag:s24] =	ssyncadd.s32 $0xFFFFF600  }
0x53: {  	[tilespmem:s15], [sflag:$0x1] =	stream.indirect.gather [hbm4b:s4+s14], $0x20, s0, s14, $0xb8;
	[tilespmem:$0xC620] =	vst v63  }
0x54: {  	_ =	swait.ge [sflag:s25], $0xA00  }
0x55: {  	[sflag:s25] =	ssyncset.done $0x0  }
0x56: {  	s0 =	sadd.s32 $0x27B0, s31;
	[sflag:s25] =	ssyncadd.s32 $0xFFFFF600  }
0x57: {  	[spmem:s2] =	stream.indirect.scatter.add.f32 [tilespmem:s18], [sflag:$0x7], $0x20, s0, s14, $0xb8;
	[tilespmem:$0xC620] =	vst v63  }
0x58: {  	_ =	swait.ge [sflag:s26], $0xA00  }
0x59: {  	[sflag:s26] =	ssyncset.done $0x0  }
0x5a: {  	s0 =	sadd.s32 $0x190, s31;
	[sflag:s26] =	ssyncadd.s32 $0xFFFFF600  }
0x5b: {  	[tilespmem:s16], [sflag:$0x2] =	stream.indirect.gather [hbm4b:s4+s14], $0x20, s0, s14, $0xb8;
	[tilespmem:$0xC620] =	vst v63  }
0x5c: {  	_ =	swait.ge [sflag:s28], $0xA00  }
0x5d: {  	[sflag:s28] =	ssyncset.done $0x0  }
0x5e: {  	s0 =	sadd.s32 $0x2800, s31;
	[sflag:s28] =	ssyncadd.s32 $0xFFFFF600  }
0x5f: {  	[spmem:s2] =	stream.indirect.scatter.add.f32 [tilespmem:s21], [sflag:$0x8], $0x20, s0, s14, $0xb8;
	[tilespmem:$0xC620] =	vst v63  }
0x60: {  	_ =	swait.ge [sflag:s29], $0xA00  }
0x61: {  	[sflag:s29] =	ssyncset.done $0x0  }
0x62: {  	s0 =	sadd.s32 $0x1E0, s31;
	[sflag:s29] =	ssyncadd.s32 $0xFFFFF600  }
0x63: {  	[tilespmem:s18], [sflag:$0x3] =	stream.indirect.gather [hbm4b:s4+s14], $0x20, s0, s14, $0xb8;
	[tilespmem:$0xC620] =	vst v63  }
0x64: {  	_ =	swait.ge [sflag:s19], $0xA00  }
0x65: {  	[sflag:s19] =	ssyncset.done $0x0  }
0x66: {  	s0 =	sadd.s32 $0x2850, s31;
	[sflag:s19] =	ssyncadd.s32 $0xFFFFF600  }
0x67: {  	[spmem:s2] =	stream.indirect.scatter.add.f32 [tilespmem:s15], [sflag:$0x5], $0x20, s0, s14, $0xb8;
	[tilespmem:$0xC620] =	vst v63  }
0x68: {  	_ =	swait.ge [sflag:s30], $0xA00  }
0x69: {  	[sflag:s30] =	ssyncset.done $0x0  }
.Ltmp0:
0x6a: {  	s0 =	sadd.s32 $0x230, s31;
	[sflag:s30] =	ssyncadd.s32 $0xFFFFF600;
	(pc) =	sbr.rel @p0 .LBB2_2-.Ltmp0, $4  }
0x6b: {  	[tilespmem:s21], [sflag:$0x4] =	stream.indirect.gather [hbm4b:s4+s14], $0x20, s0, s14, $0xb8;
	[tilespmem:$0xC620] =	vst v63  }
0x6c: {  	_ =	swait.ge [sflag:s22], $0xA00  }
0x6d: {  	[sflag:s22] =	ssyncset.done $0x0  }
0x6e: {  	s31 =	sadd.s32 $0x28A0, s31;
	[sflag:s22] =	ssyncadd.s32 $0xFFFFF600  }
0x6f: {  	[spmem:s2] =	stream.indirect.scatter.add.f32 [tilespmem:s16], [sflag:$0x6], $0x20, s31, s14, $0xb8;
	[tilespmem:$0xC620] =	vst v63  }
0x70: {  	_ =	swait.ge [sflag:s24], $0xA00  }
0x71: {  	[sflag:s24] =	ssyncset.done $0x0  }
0x72: {  	s0 =	simm.s32 $0x26C0;
	[sflag:s24] =	ssyncadd.s32 $0xFFFFF600  }
0x73: {  	[tilespmem:s15], [sflag:$0x1] =	stream.indirect.gather [hbm4b:s4+s14], $0x20, s0, s14, $0xb8;
	[tilespmem:$0xC620] =	vst v63  }
0x74: {  	_ =	swait.ge [sflag:s25], $0xA00  }
0x75: {  	[sflag:s25] =	ssyncset.done $0x0  }
0x76: {  	s31 =	simm.s32 $0x4D30;
	[sflag:s25] =	ssyncadd.s32 $0xFFFFF600  }
0x77: {  	[spmem:s2] =	stream.indirect.scatter.add.f32 [tilespmem:s18], [sflag:$0x7], $0x20, s31, s14, $0xb8;
	[tilespmem:$0xC620] =	vst v63  }
0x78: {  	_ =	swait.ge [sflag:s26], $0xA00  }
0x79: {  	[sflag:s26] =	ssyncset.done $0x0  }
0x7a: {  	[sflag:s26] =	ssyncadd.s32 $0xFFFFF600  }
0x7b: {  	_ =	swait.ge [sflag:s28], $0xA00  }
0x7c: {  	[sflag:s28] =	ssyncset.done $0x0  }
0x7d: {  	[sflag:s28] =	ssyncadd.s32 $0xFFFFF600  }
0x7e: {  	[spmem:s2] =	stream.indirect.scatter.add.f32 [tilespmem:s21], [sflag:$0x8], $0x20, s1, s14, $0xb8;
	[tilespmem:$0xC620] =	vst v63  }
0x7f: {  	_ =	swait.ge [sflag:s29], $0xA00  }
0x80: {  	[sflag:s29] =	ssyncset.done $0x0  }
0x81: {  	[sflag:s29] =	ssyncadd.s32 $0xFFFFF600  }
0x82: {  	_ =	swait.ge [sflag:s19], $0xA00  }
0x83: {  	[sflag:s19] =	ssyncset.done $0x0  }
0x84: {  	[sflag:s19] =	ssyncadd.s32 $0xFFFFF600  }
0x85: {  	[spmem:s2] =	stream.indirect.scatter.add.f32 [tilespmem:s15], [sflag:$0x5], $0x20, s17, s14, $0xb8;
	[tilespmem:$0xC620] =	vst v63  }
0x86: {  	_ =	swait.ge [sflag:s30], $0xA00  }
0x87: {  	[sflag:s30] =	ssyncset.done $0x0  }
0x88: {  	[sflag:s30] =	ssyncadd.s32 $0xFFFFF600  }
0x89: {  	_ =	swait.ge [sflag:s24], $0xA00  }
0x8a: {  	s20 =	sadd.s32 $0x1, s20;
	[sflag:s24] =	ssyncset.done $0x0  }
0x8b: {  	p0 =	sne.s32 s20, s10;
	[sflag:s24] =	ssyncadd.s32 $0xFFFFF600  }
.Ltmp1:
0x8c: {  	[bflag:$0x0] =	sbarrier.arrive $0xFFFF;
	(pc) =	sbr.rel @p0 .LBB2_1-.Ltmp1, $4  }
0x8d: {  	[hbm:s9], [sflag:s6] =	dma.local [spmem:s11], $0xA00  }
0x8e: {  	_ =	swait.ge [sflag:s12], $0xA00  }
0x8f: {  	[sflag:s12] =	ssyncset.done $0x0  }
0x90: {  	[sflag:s12] =	ssyncadd.s32 $0xFFFFF600  }
0x91: {  	_ =	sfence.sel $0x180000  }
0x92: {  	[bflag:$0x0] =	sbarrier.arrive $0xFFFF  }
0x93: {  	_ =	strace $0x9000004D  }
0x94: {  	s0 =	stileid.u32;
	[bflag:$0x2] =	sbarrier.arrive $0xFFFF  }
0x95: {  	p0 =	sne.s32 s0, $0x0;
	s0 =	rddreg [dreg:$0x3]  }
0x96: {  	s0 =	sadd.s32 @!p0 $0x100000, s0  }
0x97: {  	[sflag:s0] =	ssyncadd.tile.s32 @!p0 $0x1;
	_ =	shalt  }
.Lfunc_end2:
_tile_overlayer_lowered:
.L_overlay_start_2:
0x98: {  	(tag) =	ssettag $0x2  }
0x99: {  	s0 =	rddreg [dreg:$0x0];
	s2 =	stileid.u32  }
0x9a: {  	s1 =	rddreg [dreg:$0x1];
	p0 =	sne.s32 s2, $0x0  }
0x9b: {  	s3 =	rddreg [dreg:$0x2];
	[bflag:$0x3] =	sbarrier.arrive $0xFFFF;
	s2 =	simm.s32 @!p0 $0x1C09  }
0x9c: {  	[timem:s3], [sflag:s2] =	dma.local @!p0 [hbm:s0], s1  }
0x9d: {  	s0 =	simm.s32 @!p0 $0x9  }
0x9e: {  	_ =	swait.ge @!p0 [sflag:s0], s1  }
0x9f: {  	s1 =	ssub.s32 @!p0 $0x0, s1;
	[sflag:s0] =	ssyncset.done @!p0 $0x0  }
0xa0: {  	[sflag:s0] =	ssyncadd.s32 @!p0 s1  }
0xa1: {  	[bflag:$0x3] =	sbarrier.arrive $0xFFFF  }
0xa2: {  	_ =	shalt  }

// kernel: kernel.19.cloned.1.call-start
scs
__scs_entry_jumppad:
0x0: {  	(pc) =	sbr.rel $0x88, $3  }
0x1: {  	(tag) =	ssettag $0x0;
	lr =	simm.s32 $0x1  }
0x2: {  	[smem:$0x3F9B] =	sst lr;
	_ =	strace $0xD0000000  }
0x3: {  	_ = 	snop  }
0x4: {  	_ = 	snop  }
0x5: {  	_ = 	snop  }
0x6: {  	_ = 	snop  }
0x7: {  	_ = 	snop  }
__scs_overlays_trampoline_lowered:
0x8: {  	[smem:$0x3FAA] =	sst s0  }
0x9: {  	[smem:$0x3FAB] =	sst s1  }
0xa: {  	[smem:$0x3FAC] =	sst s2  }
0xb: {  	[smem:$0x3FAD] =	sst s3  }
0xc: {  	[smem:$0x3FAE] =	sst s4  }
0xd: {  	[smem:$0x3FAF] =	sst s5  }
0xe: {  	[smem:$0x3FB0] =	sst s6  }
0xf: {  	[smem:$0x3FB1] =	sst s7  }
0x10: {  	[smem:$0x3FB2] =	sst s8  }
0x11: {  	[smem:$0x3FB3] =	sst s9;
	s0 =	simm.s32 @!p0 $0x0  }
0x12: {  	s1 =	sld [smem:$0x3F99];
	s0 =	simm.s32 @p0 $0x1  }
0x13: {  	[smem:$0x3FB4] =	sst s0;
	s0 =	simm.s32 @!p1 $0x0  }
0x14: {  	s2 =	sld [smem:$0x3F98];
	s0 =	simm.s32 @p1 $0x1  }
0x15: {  	[smem:$0x3FB5] =	sst s0;
	s0 =	simm.s32 @!p2 $0x0  }
0x16: {  	s3 =	sld [smem:$0x3FDB];
	s0 =	simm.s32 @p2 $0x1  }
0x17: {  	s4 =	simm.s32 $0x1BF5;
	[smem:$0x3FB7] =	sst s0  }
0x18: {  	s0 =	sld [smem:$0x3F9A];
	_ =	swait.ge [sflag:s4], $0x0  }
0x19: {  	s7 =	sld [smem:$0x3F9B]  }
0x1a: {  	s8 =	sadd.s32 $0xFFFFE003, lr  }
0x1b: {  	s9 =	sadd.s32 $0xFFFFFEF7, lr;
	s5 =	simm.s32 $0xFFFFFFFF;
	p2 =	slt.u32 s8, $0xFFFFF086  }
0x1c: {  	p1 =	slt.u32 s9, $0xF7A;
	s5 =	simm.s32 @!p2 $0x0  }
0x1d: {  	s5 =	simm.s32 @p1 $0x1;
	p0 =	seq.s32 s7, s2  }
0x1e: {  	s7 =	smul.u32 @!p0 $0xF7A, s2;
	p2 =	seq.s32 @!p0 s5, $0x0  }
0x1f: {  	s9 =	smul.u32 $0xF7A, s1;
	s8 =	simm.s32 @!p0 $0x1BF5;
	p2 =	por !p2, p0  }
0x20: {  	[sflag:s8] =	ssyncset.s32 @!p0 $0xFFFFF086;
	s6 =	sadd.s32 @!p0 s3, s7;
	s7 =	simm.s32 @!p0 $0x108  }
0x21: {  	s3 =	sadd.s32 s3, s9;
	s6 =	sadd.s32 @!p0 $0x88, s6;
	s7 =	simm.s32 @p2 $0x1082  }
0x22: {  	[simem:s7], [sflag:s8] =	dma.local @!p0 [hbm:s6], $0xF7A  }
0x23: {  	s9 =	sor.u32 $0xD0000000, s2;
	s6 =	simm.s32 $0x108;
	_ =	swait.ge @!p0 [sflag:s8], $0x0  }
0x24: {  	s3 =	sadd.s32 $0x88, s3;
	s6 =	simm.s32 @!p1 $0x1082;
	[sflag:s4] =	ssyncset.s32 $0xFFFFF086  }
0x25: {  	[simem:s6], [sflag:s4] =	dma.local [hbm:s3], $0xF7A  }
0x26: {  	[smem:$0x3F9B] =	sst s1;
	(tag) =	ssettag s2;
	_ =	strace s9  }
0x27: {  	s1 =	sld [smem:$0x3FAB]  }
0x28: {  	s2 =	sld [smem:$0x3FAC]  }
0x29: {  	s4 =	sld [smem:$0x3FAE]  }
0x2a: {  	p0 =	seq.s32 s5, $0x0;
	s5 =	sld [smem:$0x3FAF]  }
0x2b: {  	s6 =	sld [smem:$0x3FB0]  }
0x2c: {  	s7 =	sld [smem:$0x3FB1]  }
0x2d: {  	s3 =	simm.s32 $0x108;
	s8 =	sld [smem:$0x3FB2]  }
0x2e: {  	s3 =	simm.s32 @!p0 $0x1082;
	s9 =	sld [smem:$0x3FB3]  }
0x2f: {  	lr =	sadd.s32 s0, s3;
	s0 =	sld [smem:$0x3FAA]  }
0x30: {  	s3 =	sld [smem:$0x3FAD]  }
0x31: {  	[smem:$0x3FB6] =	sst s10  }
0x32: {  	s10 =	sld [smem:$0x3FB4];
	_ =	sdelay $0x3  }
0x33: {  	p0 =	seq.s32 s10, $0x1;
	s10 =	sld [smem:$0x3FB6];
	_ =	sdelay $0x3  }
0x34: {  	[smem:$0x3FB6] =	sst s10  }
0x35: {  	s10 =	sld [smem:$0x3FB5];
	_ =	sdelay $0x3  }
0x36: {  	p1 =	seq.s32 s10, $0x1;
	s10 =	sld [smem:$0x3FB6];
	_ =	sdelay $0x3  }
0x37: {  	[smem:$0x3FB6] =	sst s10  }
0x38: {  	s10 =	sld [smem:$0x3FB7]  }
0x39: {  	_ = 	snop;
	(pc) =	sbr.ind lr, $3  }
0x3a: {  	_ = 	snop  }
0x3b: {  	_ = 	snop  }
0x3c: {  	p2 =	seq.s32 s10, $0x1;
	s10 =	sld [smem:$0x3FB6]  }
0x3d: {  	_ =	shalt  }
0x3e: {  	_ =	shalt  }
0x3f: {  	_ =	shalt  }
0x40: {  	_ =	shalt  }
0x41: {  	_ =	shalt  }
0x42: {  	_ =	shalt  }
0x43: {  	_ =	shalt  }
0x44: {  	_ =	shalt  }
0x45: {  	_ =	shalt  }
0x46: {  	_ =	shalt  }
0x47: {  	_ =	shalt  }
0x48: {  	_ =	shalt  }
0x49: {  	_ =	shalt  }
0x4a: {  	_ =	shalt  }
0x4b: {  	_ =	shalt  }
0x4c: {  	_ =	shalt  }
0x4d: {  	_ =	shalt  }
0x4e: {  	_ =	shalt  }
0x4f: {  	_ =	shalt  }
0x50: {  	_ =	shalt  }
0x51: {  	_ =	shalt  }
0x52: {  	_ =	shalt  }
0x53: {  	_ =	shalt  }
0x54: {  	_ =	shalt  }
0x55: {  	_ =	shalt  }
0x56: {  	_ =	shalt  }
0x57: {  	_ =	shalt  }
0x58: {  	_ =	shalt  }
0x59: {  	_ =	shalt  }
0x5a: {  	_ =	shalt  }
0x5b: {  	_ =	shalt  }
0x5c: {  	_ =	shalt  }
0x5d: {  	_ =	shalt  }
0x5e: {  	_ =	shalt  }
0x5f: {  	_ =	shalt  }
0x60: {  	_ =	shalt  }
0x61: {  	_ =	shalt  }
0x62: {  	_ =	shalt  }
0x63: {  	_ =	shalt  }
0x64: {  	_ =	shalt  }
0x65: {  	_ =	shalt  }
0x66: {  	_ =	shalt  }
0x67: {  	_ =	shalt  }
0x68: {  	_ =	shalt  }
0x69: {  	_ =	shalt  }
0x6a: {  	_ =	shalt  }
0x6b: {  	_ =	shalt  }
0x6c: {  	_ =	shalt  }
0x6d: {  	_ =	shalt  }
0x6e: {  	_ =	shalt  }
0x6f: {  	_ =	shalt  }
0x70: {  	_ =	shalt  }
0x71: {  	_ =	shalt  }
0x72: {  	_ =	shalt  }
0x73: {  	_ =	shalt  }
0x74: {  	_ =	shalt  }
0x75: {  	_ =	shalt  }
0x76: {  	_ =	shalt  }
0x77: {  	_ =	shalt  }
0x78: {  	_ =	shalt  }
0x79: {  	_ =	shalt  }
0x7a: {  	_ =	shalt  }
0x7b: {  	_ =	shalt  }
0x7c: {  	_ =	shalt  }
0x7d: {  	_ =	shalt  }
0x7e: {  	_ =	shalt  }
0x7f: {  	_ =	shalt  }
0x80: {  	_ =	shalt  }
0x81: {  	_ =	shalt  }
0x82: {  	_ =	shalt  }
0x83: {  	_ =	shalt  }
0x84: {  	_ =	shalt  }
0x85: {  	_ =	shalt  }
0x86: {  	_ =	shalt  }
0x87: {  	_ =	shalt  }
.Lfunc_end0:
.L_simem_size_0:
called_computation.3_lowered:
.L_overlay_start_0:
0x88: {  	s2 =	sld [smem:$0x3FD9]  }
0x89: {  	s3 =	sld [smem:$0x3FFE];
	_ =	sdelay $0x1  }
0x8a: {  	s1 =	srdreg.scid  }
0x8b: {  	s0 =	sand.u32 $0x1, s1  }
0x8c: {  	s17 =	sshll.u32 s0, $0xA;
	s2 =	sadd.s32 s3, s2  }
0x8d: {  	s2 =	sadd.s32 s2, s17  }
0x8e: {  	[smem:$0x3FC2] =	sst s2  }
0x8f: {  	_ = 	snop  }
0x90: {  	s2 =	sld [smem:$0x3FC6]  }
0x91: {  	s18 =	sld [smem:$0x3FD0];
	(tm) =	ssettm $0x1  }
0x92: {  	s4 =	sld [smem:$0x3FFB];
	_ =	sdelay $0x3  }
0x93: {  	_ =	strace s4  }
0x94: {  	s4 =	sld [smem:$0x3FFC];
	_ =	sdelay $0x3  }
0x95: {  	_ =	strace s4  }
0x96: {  	s4 =	sld [smem:$0x3FFD];
	_ =	sdelay $0x3  }
0x97: {  	_ =	strace s4  }
0x98: {  	_ =	strace $0x8FFFFFFF  }
0x99: {  	s19 =	sld [smem:$0x3FDB];
	_ =	sdelay $0x1  }
0x9a: {  	s5 =	simm.s32 $_scs_section_size  }
0x9b: {  	s6 =	simm.s32 $_size__tile_overlayer_lowered;
	s7 =	simm.s32 $_tile_overlayer_lowered  }
0x9c: {  	s22 =	simm.s32 $0x1BFF;
	s21 =	sshll.u32 s7, $0x1;
	s4 =	sadd.s32 s5, s19  }
0x9d: {  	s8 =	simm.s32 $0x0;
	s20 =	sshll.u32 s6, $0x1;
	s6 =	sadd.s32 s21, s4  }
0x9e: {  	[timem:s8], [sflag:s22] =	dma.local [hbm:s6], s20  }
0x9f: {  	_ =	swait.ge [sflag:s22], s20  }
0xa0: {  	s5 =	ssub.s32 $0x0, s20;
	[sflag:s22] =	ssyncset.done $0x0  }
0xa1: {  	[sflag:s22] =	ssyncadd.s32 s5;
	_ =	sdelay $0x1  }
0xa2: {  	s23 =	simm.s32 $0x1B8B  }
0xa3: {  	_ =	swait.ge [sflag:s23], $0x1  }
0xa4: {  	[sflag:s23] =	ssyncset.done $0x0  }
0xa5: {  	s25 =	simm.s32 $0x1B8E;
	s24 =	sld [smem:$0x3FFE];
	[sflag:s23] =	ssyncadd.s32 $0xFFFFFFFF  }
0xa6: {  	s26 =	simm.s32 $execute0_lowered;
	[smem:$0x3FD2] =	sst s25  }
0xa7: {  	s6 =	sshll.u32 s26, $0x1;
	_ =	strace $0x8000004F;
	[dreg:$0x1] =	wrdreg $0xFFFFFFFF  }
0xa8: {  	s28 =	simm.s32 $_size_execute0_lowered;
	s4 =	sadd.s32 s4, s6;
	[dreg:$0x0] =	wrdreg $0x0  }
0xa9: {  	s6 =	sshll.u32 s28, $0x1;
	[dreg:$0x2] =	wrdreg s4  }
0xaa: {  	[dreg:$0x3] =	wrdreg s6  }
0xab: {  	[dreg:$0x4] =	wrdreg $0xC0  }
0xac: {  	_ =	task [dreg:s8], $0x5FFFF  }
0xad: {  	[dreg:$0x1] =	wrdreg $0xFFFFFFFF  }
0xae: {  	[dreg:$0x0] =	wrdreg $0x60  }
0xaf: {  	[dreg:$0x2] =	wrdreg s18  }
0xb0: {  	[dreg:$0x3] =	wrdreg s24  }
0xb1: {  	[dreg:$0x4] =	wrdreg s2  }
0xb2: {  	[dreg:$0x5] =	wrdreg $0x9  }
0xb3: {  	_ =	task.clear_ibuf [dreg:s8], $0x6FFFF;
	_ =	strace $0x9000004F  }
0xb4: {  	s29 =	simm.s32 $0x9;
	_ =	strace $0x80000051  }
0xb5: {  	_ =	swait.ge [sflag:s29], $0x1  }
0xb6: {  	[sflag:s29] =	ssyncadd.s32 $0xFFFFFFFF  }
0xb7: {  	_ =	strace $0x90000051  }
0xb8: {  	_ =	sfence  }
0xb9: {  	s30 =	sld [smem:$0x0];
	_ =	sdelay $0x2  }
0xba: {  	s31 =	sshll.u32 s1, $0xD;
	s1 =	sshrl.u32 s1, $0x2  }
0xbb: {  	s3 =	sand.u32 $0x4000, s31;
	s1 =	sadd.s32 s1, s30  }
0xbc: {  	s0 =	sor.u32 s3, s0;
	s1 =	sshll.u32 s1, $0x11  }
0xbd: {  	s0 =	sor.u32 s1, s0  }
0xbe: {  	s0 =	sadd.s32 $0x8F2B, s0  }
0xbf: {  	[sflag:s0] =	ssyncadd.remote.s32 $0x1  }
0xc0: {  	_ =	sfence.sel $0xFFFF  }
0xc1: {  	[dreg:$0x0] =	wrdreg $0xFFFFFFFF;
	(pc) =	sbr.abs _section_cstart, $3  }
0xc2: {  	[dreg:$0x1] =	wrdreg $0xFFFFFFFF  }
0xc3: {  	_ =	task.clear_ibuf [dreg:s8], $0x2FFFF;
	_ =	strace $0x9FFFFFFF  }
0xc4: {  	(tm) =	ssettm $0x7FFFFFFF  }
0xc5: {  	_ =	shalt  }
tec
execute0_lowered:
.L_overlay_start_1:
0x0: {  	(tag) =	ssettag $0x1  }
0x1: {  	s4 =	rddreg [dreg:$0x0]  }
0x2: {  	s0 =	srdreg.scid;
	s6 =	rddreg [dreg:$0x1]  }
0x3: {  	s2 =	rddreg [dreg:$0x2];
	s5 =	sand.u32 $0x1, s0  }
0x4: {  	s3 =	simm.s32 $0x0;
	s0 =	stileid.u32;
	s1 =	sshll.u32 s5, $0x4  }
0x5: {  	s11 =	simm.s32 $0x2800;
	s12 =	simm.s32 $0x5000;
	s7 =	sor.u32 s0, s1  }
0x6: {  	s13 =	simm.s32 $0x8C00;
	s14 =	simm.s32 $0x8C20;
	s8 =	smul.u32 $0x280, s7  }
0x7: {  	[smem:$0x7FF] =	sst s3;
	s5 =	ssub.s32 $0x2, s5;
	s7 =	smul.u32 $0x2800, s7  }
0x8: {  	s15 =	simm.s32 $0x0;
	s1 =	rddreg [dreg:$0x3];
	s31 =	sshrl.u32 s5, $0x1  }
0x9: {  	_ =	strace $0x80000050;
	s10 =	ssub.s32 s5, s31;
	s7 =	sshrl.u32 s7, $0x3  }
0xa: {  	s8 =	sadd.s32 s8, s6;
	s9 =	sadd.s32 s7, s6;
	s4 =	sadd.s32 s4, s7  }
0xb: {  	s7 =	sadd.s32 $0x15E00, s8;
	s5 =	sadd.s32 $0xA000, s4;
	s6 =	sadd.s32 $0x25000, s9  }
0xc: {  	s8 =	sadd.s32 $0x2F000, s9;
	s9 =	smax.u32 s10, $0x1;
	s10 =	simm.s32 $0x1  }
.LBB2_1:
0xd: {  	[tilespmem:s3], [sflag:$0x1] =	stream.linear.gather [hbm4b:s4+s3], $0x2800, $0x38;
	[tilespmem:$0xB420] =	vst v63  }
0xe: {  	_ =	swait.ge [sflag:s10], $0x2800  }
0xf: {  	[sflag:s10] =	ssyncset.done $0x0  }
0x10: {  	[sflag:s10] =	ssyncadd.s32 $0xFFFFD800  }
0x11: {  	[tilespmem:s11], [sflag:$0x1] =	stream.linear.gather [hbm4b:s5+s3], $0x2800, $0x38;
	[tilespmem:$0xB420] =	vst v63  }
0x12: {  	_ =	swait.ge [sflag:s10], $0x2800  }
0x13: {  	[sflag:s10] =	ssyncset.done $0x0  }
0x14: {  	[sflag:s10] =	ssyncadd.s32 $0xFFFFD800  }
0x15: {  	[tilespmem:s12], [sflag:$0x1] =	stream.linear.gather [hbm4b:s6+s3], $0x2800, $0x38;
	[tilespmem:$0xB420] =	vst v63  }
0x16: {  	_ =	swait.ge [sflag:s10], $0x2800  }
0x17: {  	[sflag:s10] =	ssyncset.done $0x0  }
0x18: {  	s16 =	simm.s32 $0x7800;
	[sflag:s10] =	ssyncadd.s32 $0xFFFFD800  }
0x19: {  	[tilespmem:s16], [sflag:$0x1] =	stream.linear.gather [hbm4b:s7+s3], $0x1400, $0x38;
	[tilespmem:$0xB420] =	vst v63  }
0x1a: {  	_ =	swait.ge [sflag:s10], $0x1400  }
0x1b: {  	[sflag:s10] =	ssyncset.done $0x0  }
0x1c: {  	[sflag:s10] =	ssyncadd.s32 $0xFFFFEC00  }
0x1d: {  	[tilespmem:s13], [sflag:$0x1] =	stream.linear.gather [hbm4b:s2+s3], $0x20, $0x38;
	[tilespmem:$0xB420] =	vst v63  }
0x1e: {  	_ =	swait.ge [sflag:s10], $0x20  }
0x1f: {  	[sflag:s10] =	ssyncset.done $0x0  }
0x20: {  	s17 =	simm.s32 $0x0;
	[sflag:s10] =	ssyncadd.s32 $0xFFFFFFE0  }
0x21: {  	v1 =	vld [tilespmem:s17+$0x0]  }
0x22: {  	v3 =	vld [tilespmem:s17+$0x2800]  }
0x23: {  	v4 =	vld [tilespmem:s17+$0x10]  }
0x24: {  	v5 =	vld [tilespmem:s17+$0x2810]  }
0x25: {  	v6 =	vld [tilespmem:s17+$0x5000]  }
0x26: {  	v7 =	vld [tilespmem:s17+$0x5010];
	_ =	sdelay $0x1  }
0x27: {  	v2 =	vld [tilespmem:s16+$0x0]  }
0x28: {  	v0 =	vld [tilespmem:$0x8C00];
	v3 =	vadd.f32 v3, v1;
	v4 =	vadd.f32 v5, v4  }
0x29: {  	v1 =	vld [tilespmem:$0x8C10]  }
0x2a: {  	v3 =	vadd.f32 v6, v3;
	v4 =	vadd.f32 v7, v4;
	_ =	sdelay $0x1  }
0x2b: {  	v5 =	vmul.f32 v3, v2;
	v4 =	vmul.f32 v4, v2  }
0x2c: {  	s18 =	simm.s32 $0x20  }
0x2d: {  	v3 =	vld [tilespmem:s18+$0x0];
	v6 =	vadd.f32 v5, v0;
	v8 =	vadd.f32 v4, v1  }
0x2e: {  	v4 =	vld [tilespmem:s18+$0x2800]  }
0x2f: {  	s19 =	simm.s32 $0x100;
	v5 =	vld [tilespmem:s18+$0x10];
	v7 =	vmax.f32 v6, $0.0e+00;
	v6 =	vmax.f32 v8, $0.0e+00  }
.LBB2_2:
0x30: {  	p0 =	sne.s32 s19, $0x9F80;
	v8 =	vld [tilespmem:s18+$0x2810];
	v7 =	vmul.f32 v7, v2;
	v2 =	vmul.f32 v6, v2  }
0x31: {  	v6 =	vld [tilespmem:s18+$0x5000]  }
0x32: {  	v9 =	vld [tilespmem:s18+$0x5010];
	[tilespmem:s17+$0x8C20] =	vst v7  }
0x33: {  	s16 =	sadd.s32 $0x10, s16;
	[tilespmem:s17+$0x8C30] =	vst v2;
	s17 =	smov.u32 s18  }
0x34: {  	v2 =	vld [tilespmem:s16+$0x0]  }
0x35: {  	v3 =	vadd.f32 v4, v3;
	v4 =	vadd.f32 v8, v5;
	_ =	sdelay $0x1  }
0x36: {  	v3 =	vadd.f32 v6, v3;
	v4 =	vadd.f32 v9, v4;
	_ =	sdelay $0x1  }
.Ltmp0:
0x37: {  	v5 =	vmul.f32 v3, v2;
	v4 =	vmul.f32 v4, v2;
	(pc) =	sbr.rel @p0 .LBB2_2-.Ltmp0, $4  }
0x38: {  	s18 =	sshra.s32 s19, $0x2  }
0x39: {  	v3 =	vld [tilespmem:s18+$0x0];
	v6 =	vadd.f32 v5, v0;
	v8 =	vadd.f32 v4, v1  }
0x3a: {  	v4 =	vld [tilespmem:s18+$0x2800]  }
0x3b: {  	s19 =	sadd.s32 $0x80, s19;
	v5 =	vld [tilespmem:s18+$0x10];
	v7 =	vmax.f32 v6, $0.0e+00;
	v6 =	vmax.f32 v8, $0.0e+00  }
0x3c: {  	v8 =	vld [tilespmem:s18+$0x2810];
	v7 =	vmul.f32 v7, v2  }
0x3d: {  	v9 =	vld [tilespmem:s18+$0x5000];
	v61 =	vmul.f32 v6, v2  }
0x3e: {  	v62 =	vld [tilespmem:s18+$0x5010];
	[tilespmem:s17+$0x8C20] =	vst v7  }
0x3f: {  	s16 =	sadd.s32 $0x10, s16;
	[tilespmem:s17+$0x8C30] =	vst v61  }
0x40: {  	v2 =	vld [tilespmem:s16+$0x0]  }
0x41: {  	v3 =	vadd.f32 v4, v3  }
0x42: {  	v63 =	vadd.f32 v8, v5  }
0x43: {  	v3 =	vadd.f32 v9, v3  }
0x44: {  	v4 =	vadd.f32 v62, v63  }
0x45: {  	v3 =	vmul.f32 v3, v2  }
0x46: {  	v4 =	vmul.f32 v4, v2  }
0x47: {  	v0 =	vadd.f32 v3, v0  }
0x48: {  	v1 =	vadd.f32 v4, v1  }
0x49: {  	v0 =	vmax.f32 v0, $0.0e+00  }
0x4a: {  	v1 =	vmax.f32 v1, $0.0e+00;
	v0 =	vmul.f32 v0, v2  }
0x4b: {  	s15 =	sadd.s32 $0x1, s15;
	v1 =	vmul.f32 v1, v2  }
0x4c: {  	p0 =	sne.s32 s15, s9;
	[tilespmem:s18+$0x8C20] =	vst v0  }
.Ltmp1:
0x4d: {  	[tilespmem:s18+$0x8C30] =	vst v1;
	(pc) =	sbr.rel @p0 .LBB2_1-.Ltmp1, $4  }
0x4e: {  	[hbm4b:s8+s3] =	stream.linear.scatter [tilespmem:s14], [sflag:$0x1], $0x2800, $0x38;
	[tilespmem:$0xB420] =	vst v63  }
0x4f: {  	_ =	swait.ge [sflag:s10], $0x2800  }
0x50: {  	[sflag:s10] =	ssyncset.done $0x0  }
0x51: {  	[sflag:s10] =	ssyncadd.s32 $0xFFFFD800  }
0x52: {  	_ =	sfence.sel $0x180000  }
0x53: {  	[bflag:$0x0] =	sbarrier.arrive $0xFFFF  }
0x54: {  	p0 =	sne.s32 s0, $0x0;
	_ =	strace $0x90000050  }
0x55: {  	s0 =	sadd.s32 @!p0 $0x100000, s1;
	[bflag:$0x2] =	sbarrier.arrive $0xFFFF  }
0x56: {  	[sflag:s0] =	ssyncadd.tile.s32 @!p0 $0x1;
	_ =	shalt  }
.Lfunc_end2:
_tile_overlayer_lowered:
.L_overlay_start_2:
0x57: {  	(tag) =	ssettag $0x2  }
0x58: {  	s0 =	rddreg [dreg:$0x0];
	s2 =	stileid.u32  }
0x59: {  	s1 =	rddreg [dreg:$0x1];
	p0 =	sne.s32 s2, $0x0  }
0x5a: {  	s3 =	rddreg [dreg:$0x2];
	[bflag:$0x3] =	sbarrier.arrive $0xFFFF;
	s2 =	simm.s32 @!p0 $0x1C01  }
0x5b: {  	[timem:s3], [sflag:s2] =	dma.local @!p0 [hbm:s0], s1  }
0x5c: {  	s0 =	simm.s32 @!p0 $0x1  }
0x5d: {  	_ =	swait.ge @!p0 [sflag:s0], s1  }
0x5e: {  	s1 =	ssub.s32 @!p0 $0x0, s1;
	[sflag:s0] =	ssyncset.done @!p0 $0x0  }
0x5f: {  	[sflag:s0] =	ssyncadd.s32 @!p0 s1  }
0x60: {  	[bflag:$0x3] =	sbarrier.arrive $0xFFFF  }
0x61: {  	_ =	shalt  }

// kernel: kernel.22.cloned.1.call-start
scs
__scs_entry_jumppad:
0x0: {  	(pc) =	sbr.rel $0x88, $3  }
0x1: {  	(tag) =	ssettag $0x0;
	lr =	simm.s32 $0x1  }
0x2: {  	[smem:$0x3F9B] =	sst lr;
	_ =	strace $0xD0000000  }
0x3: {  	_ = 	snop  }
0x4: {  	_ = 	snop  }
0x5: {  	_ = 	snop  }
0x6: {  	_ = 	snop  }
0x7: {  	_ = 	snop  }
__scs_overlays_trampoline_lowered:
0x8: {  	[smem:$0x3FAA] =	sst s0  }
0x9: {  	[smem:$0x3FAB] =	sst s1  }
0xa: {  	[smem:$0x3FAC] =	sst s2  }
0xb: {  	[smem:$0x3FAD] =	sst s3  }
0xc: {  	[smem:$0x3FAE] =	sst s4  }
0xd: {  	[smem:$0x3FAF] =	sst s5  }
0xe: {  	[smem:$0x3FB0] =	sst s6  }
0xf: {  	[smem:$0x3FB1] =	sst s7  }
0x10: {  	[smem:$0x3FB2] =	sst s8  }
0x11: {  	[smem:$0x3FB3] =	sst s9;
	s0 =	simm.s32 @!p0 $0x0  }
0x12: {  	s1 =	sld [smem:$0x3F99];
	s0 =	simm.s32 @p0 $0x1  }
0x13: {  	[smem:$0x3FB4] =	sst s0;
	s0 =	simm.s32 @!p1 $0x0  }
0x14: {  	s2 =	sld [smem:$0x3F98];
	s0 =	simm.s32 @p1 $0x1  }
0x15: {  	[smem:$0x3FB5] =	sst s0;
	s0 =	simm.s32 @!p2 $0x0  }
0x16: {  	s3 =	sld [smem:$0x3FDB];
	s0 =	simm.s32 @p2 $0x1  }
0x17: {  	s4 =	simm.s32 $0x1BF5;
	[smem:$0x3FB7] =	sst s0  }
0x18: {  	s0 =	sld [smem:$0x3F9A];
	_ =	swait.ge [sflag:s4], $0x0  }
0x19: {  	s7 =	sld [smem:$0x3F9B]  }
0x1a: {  	s8 =	sadd.s32 $0xFFFFE003, lr  }
0x1b: {  	s9 =	sadd.s32 $0xFFFFFEF7, lr;
	s5 =	simm.s32 $0xFFFFFFFF;
	p2 =	slt.u32 s8, $0xFFFFF086  }
0x1c: {  	p1 =	slt.u32 s9, $0xF7A;
	s5 =	simm.s32 @!p2 $0x0  }
0x1d: {  	s5 =	simm.s32 @p1 $0x1;
	p0 =	seq.s32 s7, s2  }
0x1e: {  	s7 =	smul.u32 @!p0 $0xF7A, s2;
	p2 =	seq.s32 @!p0 s5, $0x0  }
0x1f: {  	s9 =	smul.u32 $0xF7A, s1;
	s8 =	simm.s32 @!p0 $0x1BF5;
	p2 =	por !p2, p0  }
0x20: {  	[sflag:s8] =	ssyncset.s32 @!p0 $0xFFFFF086;
	s6 =	sadd.s32 @!p0 s3, s7;
	s7 =	simm.s32 @!p0 $0x108  }
0x21: {  	s3 =	sadd.s32 s3, s9;
	s6 =	sadd.s32 @!p0 $0x88, s6;
	s7 =	simm.s32 @p2 $0x1082  }
0x22: {  	[simem:s7], [sflag:s8] =	dma.local @!p0 [hbm:s6], $0xF7A  }
0x23: {  	s9 =	sor.u32 $0xD0000000, s2;
	s6 =	simm.s32 $0x108;
	_ =	swait.ge @!p0 [sflag:s8], $0x0  }
0x24: {  	s3 =	sadd.s32 $0x88, s3;
	s6 =	simm.s32 @!p1 $0x1082;
	[sflag:s4] =	ssyncset.s32 $0xFFFFF086  }
0x25: {  	[simem:s6], [sflag:s4] =	dma.local [hbm:s3], $0xF7A  }
0x26: {  	[smem:$0x3F9B] =	sst s1;
	(tag) =	ssettag s2;
	_ =	strace s9  }
0x27: {  	s1 =	sld [smem:$0x3FAB]  }
0x28: {  	s2 =	sld [smem:$0x3FAC]  }
0x29: {  	s4 =	sld [smem:$0x3FAE]  }
0x2a: {  	p0 =	seq.s32 s5, $0x0;
	s5 =	sld [smem:$0x3FAF]  }
0x2b: {  	s6 =	sld [smem:$0x3FB0]  }
0x2c: {  	s7 =	sld [smem:$0x3FB1]  }
0x2d: {  	s3 =	simm.s32 $0x108;
	s8 =	sld [smem:$0x3FB2]  }
0x2e: {  	s3 =	simm.s32 @!p0 $0x1082;
	s9 =	sld [smem:$0x3FB3]  }
0x2f: {  	lr =	sadd.s32 s0, s3;
	s0 =	sld [smem:$0x3FAA]  }
0x30: {  	s3 =	sld [smem:$0x3FAD]  }
0x31: {  	[smem:$0x3FB6] =	sst s10  }
0x32: {  	s10 =	sld [smem:$0x3FB4];
	_ =	sdelay $0x3  }
0x33: {  	p0 =	seq.s32 s10, $0x1;
	s10 =	sld [smem:$0x3FB6];
	_ =	sdelay $0x3  }
0x34: {  	[smem:$0x3FB6] =	sst s10  }
0x35: {  	s10 =	sld [smem:$0x3FB5];
	_ =	sdelay $0x3  }
0x36: {  	p1 =	seq.s32 s10, $0x1;
	s10 =	sld [smem:$0x3FB6];
	_ =	sdelay $0x3  }
0x37: {  	[smem:$0x3FB6] =	sst s10  }
0x38: {  	s10 =	sld [smem:$0x3FB7]  }
0x39: {  	_ = 	snop;
	(pc) =	sbr.ind lr, $3  }
0x3a: {  	_ = 	snop  }
0x3b: {  	_ = 	snop  }
0x3c: {  	p2 =	seq.s32 s10, $0x1;
	s10 =	sld [smem:$0x3FB6]  }
0x3d: {  	_ =	shalt  }
0x3e: {  	_ =	shalt  }
0x3f: {  	_ =	shalt  }
0x40: {  	_ =	shalt  }
0x41: {  	_ =	shalt  }
0x42: {  	_ =	shalt  }
0x43: {  	_ =	shalt  }
0x44: {  	_ =	shalt  }
0x45: {  	_ =	shalt  }
0x46: {  	_ =	shalt  }
0x47: {  	_ =	shalt  }
0x48: {  	_ =	shalt  }
0x49: {  	_ =	shalt  }
0x4a: {  	_ =	shalt  }
0x4b: {  	_ =	shalt  }
0x4c: {  	_ =	shalt  }
0x4d: {  	_ =	shalt  }
0x4e: {  	_ =	shalt  }
0x4f: {  	_ =	shalt  }
0x50: {  	_ =	shalt  }
0x51: {  	_ =	shalt  }
0x52: {  	_ =	shalt  }
0x53: {  	_ =	shalt  }
0x54: {  	_ =	shalt  }
0x55: {  	_ =	shalt  }
0x56: {  	_ =	shalt  }
0x57: {  	_ =	shalt  }
0x58: {  	_ =	shalt  }
0x59: {  	_ =	shalt  }
0x5a: {  	_ =	shalt  }
0x5b: {  	_ =	shalt  }
0x5c: {  	_ =	shalt  }
0x5d: {  	_ =	shalt  }
0x5e: {  	_ =	shalt  }
0x5f: {  	_ =	shalt  }
0x60: {  	_ =	shalt  }
0x61: {  	_ =	shalt  }
0x62: {  	_ =	shalt  }
0x63: {  	_ =	shalt  }
0x64: {  	_ =	shalt  }
0x65: {  	_ =	shalt  }
0x66: {  	_ =	shalt  }
0x67: {  	_ =	shalt  }
0x68: {  	_ =	shalt  }
0x69: {  	_ =	shalt  }
0x6a: {  	_ =	shalt  }
0x6b: {  	_ =	shalt  }
0x6c: {  	_ =	shalt  }
0x6d: {  	_ =	shalt  }
0x6e: {  	_ =	shalt  }
0x6f: {  	_ =	shalt  }
0x70: {  	_ =	shalt  }
0x71: {  	_ =	shalt  }
0x72: {  	_ =	shalt  }
0x73: {  	_ =	shalt  }
0x74: {  	_ =	shalt  }
0x75: {  	_ =	shalt  }
0x76: {  	_ =	shalt  }
0x77: {  	_ =	shalt  }
0x78: {  	_ =	shalt  }
0x79: {  	_ =	shalt  }
0x7a: {  	_ =	shalt  }
0x7b: {  	_ =	shalt  }
0x7c: {  	_ =	shalt  }
0x7d: {  	_ =	shalt  }
0x7e: {  	_ =	shalt  }
0x7f: {  	_ =	shalt  }
0x80: {  	_ =	shalt  }
0x81: {  	_ =	shalt  }
0x82: {  	_ =	shalt  }
0x83: {  	_ =	shalt  }
0x84: {  	_ =	shalt  }
0x85: {  	_ =	shalt  }
0x86: {  	_ =	shalt  }
0x87: {  	_ =	shalt  }
.Lfunc_end0:
.L_simem_size_0:
called_computation.4_lowered:
.L_overlay_start_0:
0x88: {  	s2 =	sld [smem:$0x3FD9]  }
0x89: {  	s3 =	sld [smem:$0x3FFE];
	_ =	sdelay $0x1  }
0x8a: {  	s1 =	srdreg.scid  }
0x8b: {  	s0 =	sand.u32 $0x1, s1  }
0x8c: {  	s17 =	sshll.u32 s0, $0xA;
	s2 =	sadd.s32 s3, s2  }
0x8d: {  	s2 =	sadd.s32 s2, s17  }
0x8e: {  	[smem:$0x3FC2] =	sst s2  }
0x8f: {  	_ = 	snop  }
0x90: {  	s2 =	sld [smem:$0x3FD0];
	(tm) =	ssettm $0x1  }
0x91: {  	s18 =	sld [smem:$0x3FFB];
	_ =	sdelay $0x3  }
0x92: {  	_ =	strace s18  }
0x93: {  	s3 =	sld [smem:$0x3FFC];
	_ =	sdelay $0x3  }
0x94: {  	_ =	strace s3  }
0x95: {  	s3 =	sld [smem:$0x3FFD];
	_ =	sdelay $0x3  }
0x96: {  	_ =	strace s3  }
0x97: {  	_ =	strace $0x8FFFFFFF  }
0x98: {  	s19 =	sld [smem:$0x3FDB];
	_ =	sdelay $0x1  }
0x99: {  	s4 =	simm.s32 $_scs_section_size  }
0x9a: {  	s5 =	simm.s32 $_size__tile_overlayer_lowered;
	s6 =	simm.s32 $_tile_overlayer_lowered  }
0x9b: {  	s22 =	simm.s32 $0x1BFF;
	s21 =	sshll.u32 s6, $0x1;
	s3 =	sadd.s32 s4, s19  }
0x9c: {  	s7 =	simm.s32 $0x0;
	s20 =	sshll.u32 s5, $0x1;
	s5 =	sadd.s32 s21, s3  }
0x9d: {  	[timem:s7], [sflag:s22] =	dma.local [hbm:s5], s20  }
0x9e: {  	_ =	swait.ge [sflag:s22], s20  }
0x9f: {  	s4 =	ssub.s32 $0x0, s20;
	[sflag:s22] =	ssyncset.done $0x0  }
0xa0: {  	[sflag:s22] =	ssyncadd.s32 s4;
	_ =	sdelay $0x1  }
0xa1: {  	s23 =	simm.s32 $0x1B8B  }
0xa2: {  	_ =	swait.ge [sflag:s23], $0x1  }
0xa3: {  	[sflag:s23] =	ssyncset.done $0x0  }
0xa4: {  	s25 =	simm.s32 $0x1B8E;
	s24 =	sld [smem:$0x3FFE];
	[sflag:s23] =	ssyncadd.s32 $0xFFFFFFFF  }
0xa5: {  	s26 =	simm.s32 $execute0_lowered;
	[smem:$0x3FD2] =	sst s25  }
0xa6: {  	s5 =	sshll.u32 s26, $0x1;
	_ =	strace $0x80000052;
	[dreg:$0x1] =	wrdreg $0xFFFFFFFF  }
0xa7: {  	s28 =	simm.s32 $_size_execute0_lowered;
	s3 =	sadd.s32 s3, s5;
	[dreg:$0x0] =	wrdreg $0x0  }
0xa8: {  	s5 =	sshll.u32 s28, $0x1;
	[dreg:$0x2] =	wrdreg s3  }
0xa9: {  	[dreg:$0x3] =	wrdreg s5  }
0xaa: {  	[dreg:$0x4] =	wrdreg $0xC0  }
0xab: {  	_ =	task [dreg:s7], $0x5FFFF  }
0xac: {  	[dreg:$0x1] =	wrdreg $0xFFFFFFFF  }
0xad: {  	[dreg:$0x0] =	wrdreg $0x60  }
0xae: {  	[dreg:$0x2] =	wrdreg s24  }
0xaf: {  	[dreg:$0x3] =	wrdreg s2  }
0xb0: {  	[dreg:$0x4] =	wrdreg $0x76200  }
0xb1: {  	[dreg:$0x5] =	wrdreg $0x9  }
0xb2: {  	_ =	task.clear_ibuf [dreg:s7], $0x6FFFF;
	_ =	strace $0x90000052  }
0xb3: {  	s29 =	simm.s32 $0x9;
	_ =	strace $0x80000054  }
0xb4: {  	_ =	swait.ge [sflag:s29], $0x1  }
0xb5: {  	[sflag:s29] =	ssyncadd.s32 $0xFFFFFFFF  }
0xb6: {  	_ =	strace $0x90000054  }
0xb7: {  	_ =	sfence  }
0xb8: {  	s30 =	sld [smem:$0x0];
	_ =	sdelay $0x2  }
0xb9: {  	s31 =	sshll.u32 s1, $0xD;
	s1 =	sshrl.u32 s1, $0x2  }
0xba: {  	s3 =	sand.u32 $0x4000, s31;
	s1 =	sadd.s32 s1, s30  }
0xbb: {  	s0 =	sor.u32 s3, s0;
	s1 =	sshll.u32 s1, $0x11  }
0xbc: {  	s0 =	sor.u32 s1, s0  }
0xbd: {  	s0 =	sadd.s32 $0x8F2B, s0  }
0xbe: {  	[sflag:s0] =	ssyncadd.remote.s32 $0x1  }
0xbf: {  	_ =	sfence.sel $0xFFFF  }
0xc0: {  	[dreg:$0x0] =	wrdreg $0xFFFFFFFF;
	(pc) =	sbr.abs _section_cstart, $3  }
0xc1: {  	[dreg:$0x1] =	wrdreg $0xFFFFFFFF  }
0xc2: {  	_ =	task.clear_ibuf [dreg:s7], $0x2FFFF;
	_ =	strace $0x9FFFFFFF  }
0xc3: {  	(tm) =	ssettm $0x7FFFFFFF  }
tec
execute0_lowered:
.L_overlay_start_1:
0x0: {  	(tag) =	ssettag $0x1  }
0x1: {  	s0 =	rddreg [dreg:$0x0]  }
0x2: {  	s1 =	srdreg.scid;
	s9 =	rddreg [dreg:$0x1]  }
0x3: {  	s2 =	rddreg [dreg:$0x2];
	s12 =	stileid.u32  }
0x4: {  	s3 =	simm.s32 $0x0;
	s13 =	simm.s32 $0x2710;
	s14 =	simm.s32 $0x50  }
0x5: {  	s15 =	simm.s32 $0x4E20;
	s16 =	simm.s32 $0x5820;
	s18 =	simm.s32 $0x6220  }
0x6: {  	s19 =	simm.s32 $0x1;
	s21 =	simm.s32 $0x6C20;
	s22 =	simm.s32 $0x2  }
0x7: {  	s24 =	simm.s32 $0x5;
	s28 =	simm.s32 $0x4;
	s29 =	simm.s32 $0x7  }
0x8: {  	s30 =	simm.s32 $0x8;
	s17 =	simm.s32 $0x4DD0;
	s20 =	simm.s32 $0x0  }
0x9: {  	s1 =	sand.u32 $0x1, s1;
	[smem:$0x7FF] =	sst s3;
	s6 =	smul.u32 $0x5000, s12  }
0xa: {  	s26 =	sshll.u32 s12, $0x6;
	s4 =	sshll.u32 s1, $0x4;
	_ =	strace $0x80000053  }
0xb: {  	s25 =	ssub.s32 $0x2, s1;
	s1 =	smul.u32 $0x50000, s1;
	s4 =	sor.u32 s12, s4  }
0xc: {  	s7 =	sshrl.u32 s6, $0x3;
	s10 =	sshrl.u32 s25, $0x1;
	s11 =	sadd.s32 s6, s2  }
0xd: {  	s12 =	simm.s32 $0x9;
	s5 =	smul.u32 $0x4E2, s4;
	s4 =	sadd.s32 $0x2F000, s0  }
0xe: {  	s10 =	ssub.s32 s25, s10;
	s1 =	sadd.s32 s6, s1;
	s6 =	sor.u32 $0x1C09, s26  }
0xf: {  	s11 =	sshrl.u32 s11, $0x3;
	s25 =	simm.s32 $0x3;
	s26 =	simm.s32 $0x6  }
0x10: {  	s31 =	sshrl.u32 s1, $0x3;
	s10 =	smax.u32 s10, $0x1;
	s1 =	simm.s32 $0x4D80  }
0x11: {  	s8 =	sadd.s32 s5, s0;
	s0 =	sadd.s32 s7, s0;
	s9 =	sadd.s32 s9, s31  }
0x12: {  	s5 =	sadd.s32 $0x1AE00, s0;
	s7 =	sadd.s32 $0x2200, s8;
	s8 =	sadd.s32 $0xC000, s8  }
.LBB2_1:
0x13: {  	[spmem:s11], [sflag:s6] =	dma.local [hbm:s5], $0xA00  }
0x14: {  	_ =	swait.ge [sflag:s12], $0xA00  }
0x15: {  	[sflag:s12] =	ssyncset.done $0x0  }
0x16: {  	[sflag:s12] =	ssyncadd.s32 $0xFFFFF600  }
0x17: {  	[tilespmem:s3], [sflag:$0x9] =	stream.linear.gather [hbm4b:s7+s3], $0x2710, $0x38;
	[tilespmem:$0xC620] =	vst v63  }
0x18: {  	_ =	swait.ge [sflag:s12], $0x2710  }
0x19: {  	[sflag:s12] =	ssyncset.done $0x0  }
0x1a: {  	[sflag:s12] =	ssyncadd.s32 $0xFFFFD8F0  }
0x1b: {  	[tilespmem:s13], [sflag:$0x9] =	stream.linear.gather [hbm4b:s8+s3], $0x2710, $0x38;
	[tilespmem:$0xC620] =	vst v63  }
0x1c: {  	_ =	swait.ge [sflag:s12], $0x2710  }
0x1d: {  	[sflag:s12] =	ssyncset.done $0x0  }
0x1e: {  	[sflag:s12] =	ssyncadd.s32 $0xFFFFD8F0  }
0x1f: {  	[bflag:$0x0] =	sbarrier.arrive $0xFFFF  }
0x20: {  	[tilespmem:s15], [sflag:$0x1] =	stream.indirect.gather [hbm4b:s4+s14], $0x20, s3, s14, $0xb8;
	[tilespmem:$0xC620] =	vst v63  }
0x21: {  	_ = 	snop  }
0x22: {  	[tilespmem:s16], [sflag:$0x2] =	stream.indirect.gather [hbm4b:s4+s14], $0x20, s14, s14, $0xb8;
	[tilespmem:$0xC620] =	vst v63  }
0x23: {  	s0 =	simm.s32 $0xA0  }
0x24: {  	[tilespmem:s18], [sflag:$0x3] =	stream.indirect.gather [hbm4b:s4+s14], $0x20, s0, s14, $0xb8;
	[tilespmem:$0xC620] =	vst v63  }
0x25: {  	_ =	swait.ge [sflag:s19], $0xA00  }
0x26: {  	[sflag:s19] =	ssyncset.done $0x0  }
0x27: {  	[sflag:s19] =	ssyncadd.s32 $0xFFFFF600  }
0x28: {  	[spmem:s2] =	stream.indirect.scatter.add.f32 [tilespmem:s15], [sflag:$0x5], $0x20, s13, s14, $0xb8;
	[tilespmem:$0xC620] =	vst v63  }
0x29: {  	s23 =	simm.s32 $0xF0  }
0x2a: {  	[tilespmem:s21], [sflag:$0x4] =	stream.indirect.gather [hbm4b:s4+s14], $0x20, s23, s14, $0xb8;
	[tilespmem:$0xC620] =	vst v63  }
0x2b: {  	_ =	swait.ge [sflag:s22], $0xA00  }
0x2c: {  	[sflag:s22] =	ssyncset.done $0x0  }
0x2d: {  	s23 =	simm.s32 $0x2760;
	[sflag:s22] =	ssyncadd.s32 $0xFFFFF600  }
0x2e: {  	[spmem:s2] =	stream.indirect.scatter.add.f32 [tilespmem:s16], [sflag:$0x6], $0x20, s23, s14, $0xb8;
	[tilespmem:$0xC620] =	vst v63  }
0x2f: {  	_ =	swait.ge [sflag:s24], $0xA00  }
0x30: {  	[sflag:s24] =	ssyncset.done $0x0  }
0x31: {  	s23 =	simm.s32 $0x140;
	[sflag:s24] =	ssyncadd.s32 $0xFFFFF600  }
0x32: {  	[tilespmem:s15], [sflag:$0x1] =	stream.indirect.gather [hbm4b:s4+s14], $0x20, s23, s14, $0xb8;
	[tilespmem:$0xC620] =	vst v63  }
0x33: {  	_ =	swait.ge [sflag:s25], $0xA00  }
0x34: {  	[sflag:s25] =	ssyncset.done $0x0  }
0x35: {  	s0 =	simm.s32 $0x27B0;
	[sflag:s25] =	ssyncadd.s32 $0xFFFFF600  }
0x36: {  	[spmem:s2] =	stream.indirect.scatter.add.f32 [tilespmem:s18], [sflag:$0x7], $0x20, s0, s14, $0xb8;
	[tilespmem:$0xC620] =	vst v63  }
0x37: {  	_ =	swait.ge [sflag:s26], $0xA00  }
0x38: {  	[sflag:s26] =	ssyncset.done $0x0  }
0x39: {  	s0 =	simm.s32 $0x190;
	[sflag:s26] =	ssyncadd.s32 $0xFFFFF600  }
0x3a: {  	[tilespmem:s16], [sflag:$0x2] =	stream.indirect.gather [hbm4b:s4+s14], $0x20, s0, s14, $0xb8;
	[tilespmem:$0xC620] =	vst v63  }
0x3b: {  	_ =	swait.ge [sflag:s28], $0xA00  }
0x3c: {  	[sflag:s28] =	ssyncset.done $0x0  }
0x3d: {  	s0 =	simm.s32 $0x2800;
	[sflag:s28] =	ssyncadd.s32 $0xFFFFF600  }
0x3e: {  	[spmem:s2] =	stream.indirect.scatter.add.f32 [tilespmem:s21], [sflag:$0x8], $0x20, s0, s14, $0xb8;
	[tilespmem:$0xC620] =	vst v63  }
0x3f: {  	_ =	swait.ge [sflag:s29], $0xA00  }
0x40: {  	[sflag:s29] =	ssyncset.done $0x0  }
0x41: {  	s0 =	simm.s32 $0x1E0;
	[sflag:s29] =	ssyncadd.s32 $0xFFFFF600  }
0x42: {  	[tilespmem:s18], [sflag:$0x3] =	stream.indirect.gather [hbm4b:s4+s14], $0x20, s0, s14, $0xb8;
	[tilespmem:$0xC620] =	vst v63  }
0x43: {  	_ =	swait.ge [sflag:s19], $0xA00  }
0x44: {  	[sflag:s19] =	ssyncset.done $0x0  }
0x45: {  	s0 =	simm.s32 $0x2850;
	[sflag:s19] =	ssyncadd.s32 $0xFFFFF600  }
0x46: {  	[spmem:s2] =	stream.indirect.scatter.add.f32 [tilespmem:s15], [sflag:$0x5], $0x20, s0, s14, $0xb8;
	[tilespmem:$0xC620] =	vst v63  }
0x47: {  	_ =	swait.ge [sflag:s30], $0xA00  }
0x48: {  	[sflag:s30] =	ssyncset.done $0x0  }
0x49: {  	s0 =	simm.s32 $0x230;
	[sflag:s30] =	ssyncadd.s32 $0xFFFFF600  }
0x4a: {  	[tilespmem:s21], [sflag:$0x4] =	stream.indirect.gather [hbm4b:s4+s14], $0x20, s0, s14, $0xb8;
	[tilespmem:$0xC620] =	vst v63  }
0x4b: {  	_ =	swait.ge [sflag:s22], $0xA00  }
0x4c: {  	[sflag:s22] =	ssyncset.done $0x0  }
0x4d: {  	s31 =	simm.s32 $0x28A0;
	s23 =	simm.s32 $0x500;
	[sflag:s22] =	ssyncadd.s32 $0xFFFFF600  }
.LBB2_2:
0x4e: {  	[spmem:s2] =	stream.indirect.scatter.add.f32 [tilespmem:s16], [sflag:$0x6], $0x20, s31, s14, $0xb8;
	[tilespmem:$0xC620] =	vst v63  }
0x4f: {  	s31 =	smov.u32 s23  }
0x50: {  	p0 =	sne.s32 s23, $0x9100;
	s23 =	sadd.s32 $0x500, s23;
	_ =	swait.ge [sflag:s24], $0xA00  }
0x51: {  	s31 =	sshra.s32 s31, $0x2;
	[sflag:s24] =	ssyncset.done $0x0  }
0x52: {  	s0 =	sadd.s32 $0x140, s31;
	[sflag:s24] =	ssyncadd.s32 $0xFFFFF600  }
0x53: {  	[tilespmem:s15], [sflag:$0x1] =	stream.indirect.gather [hbm4b:s4+s14], $0x20, s0, s14, $0xb8;
	[tilespmem:$0xC620] =	vst v63  }
0x54: {  	_ =	swait.ge [sflag:s25], $0xA00  }
0x55: {  	[sflag:s25] =	ssyncset.done $0x0  }
0x56: {  	s0 =	sadd.s32 $0x27B0, s31;
	[sflag:s25] =	ssyncadd.s32 $0xFFFFF600  }
0x57: {  	[spmem:s2] =	stream.indirect.scatter.add.f32 [tilespmem:s18], [sflag:$0x7], $0x20, s0, s14, $0xb8;
	[tilespmem:$0xC620] =	vst v63  }
0x58: {  	_ =	swait.ge [sflag:s26], $0xA00  }
0x59: {  	[sflag:s26] =	ssyncset.done $0x0  }
0x5a: {  	s0 =	sadd.s32 $0x190, s31;
	[sflag:s26] =	ssyncadd.s32 $0xFFFFF600  }
0x5b: {  	[tilespmem:s16], [sflag:$0x2] =	stream.indirect.gather [hbm4b:s4+s14], $0x20, s0, s14, $0xb8;
	[tilespmem:$0xC620] =	vst v63  }
0x5c: {  	_ =	swait.ge [sflag:s28], $0xA00  }
0x5d: {  	[sflag:s28] =	ssyncset.done $0x0  }
0x5e: {  	s0 =	sadd.s32 $0x2800, s31;
	[sflag:s28] =	ssyncadd.s32 $0xFFFFF600  }
0x5f: {  	[spmem:s2] =	stream.indirect.scatter.add.f32 [tilespmem:s21], [sflag:$0x8], $0x20, s0, s14, $0xb8;
	[tilespmem:$0xC620] =	vst v63  }
0x60: {  	_ =	swait.ge [sflag:s29], $0xA00  }
0x61: {  	[sflag:s29] =	ssyncset.done $0x0  }
0x62: {  	s0 =	sadd.s32 $0x1E0, s31;
	[sflag:s29] =	ssyncadd.s32 $0xFFFFF600  }
0x63: {  	[tilespmem:s18], [sflag:$0x3] =	stream.indirect.gather [hbm4b:s4+s14], $0x20, s0, s14, $0xb8;
	[tilespmem:$0xC620] =	vst v63  }
0x64: {  	_ =	swait.ge [sflag:s19], $0xA00  }
0x65: {  	[sflag:s19] =	ssyncset.done $0x0  }
0x66: {  	s0 =	sadd.s32 $0x2850, s31;
	[sflag:s19] =	ssyncadd.s32 $0xFFFFF600  }
0x67: {  	[spmem:s2] =	stream.indirect.scatter.add.f32 [tilespmem:s15], [sflag:$0x5], $0x20, s0, s14, $0xb8;
	[tilespmem:$0xC620] =	vst v63  }
0x68: {  	_ =	swait.ge [sflag:s30], $0xA00  }
0x69: {  	[sflag:s30] =	ssyncset.done $0x0  }
.Ltmp0:
0x6a: {  	s0 =	sadd.s32 $0x230, s31;
	[sflag:s30] =	ssyncadd.s32 $0xFFFFF600;
	(pc) =	sbr.rel @p0 .LBB2_2-.Ltmp0, $4  }
0x6b: {  	[tilespmem:s21], [sflag:$0x4] =	stream.indirect.gather [hbm4b:s4+s14], $0x20, s0, s14, $0xb8;
	[tilespmem:$0xC620] =	vst v63  }
0x6c: {  	_ =	swait.ge [sflag:s22], $0xA00  }
0x6d: {  	[sflag:s22] =	ssyncset.done $0x0  }
0x6e: {  	s31 =	sadd.s32 $0x28A0, s31;
	[sflag:s22] =	ssyncadd.s32 $0xFFFFF600  }
0x6f: {  	[spmem:s2] =	stream.indirect.scatter.add.f32 [tilespmem:s16], [sflag:$0x6], $0x20, s31, s14, $0xb8;
	[tilespmem:$0xC620] =	vst v63  }
0x70: {  	_ =	swait.ge [sflag:s24], $0xA00  }
0x71: {  	[sflag:s24] =	ssyncset.done $0x0  }
0x72: {  	s0 =	simm.s32 $0x26C0;
	[sflag:s24] =	ssyncadd.s32 $0xFFFFF600  }
0x73: {  	[tilespmem:s15], [sflag:$0x1] =	stream.indirect.gather [hbm4b:s4+s14], $0x20, s0, s14, $0xb8;
	[tilespmem:$0xC620] =	vst v63  }
0x74: {  	_ =	swait.ge [sflag:s25], $0xA00  }
0x75: {  	[sflag:s25] =	ssyncset.done $0x0  }
0x76: {  	s31 =	simm.s32 $0x4D30;
	[sflag:s25] =	ssyncadd.s32 $0xFFFFF600  }
0x77: {  	[spmem:s2] =	stream.indirect.scatter.add.f32 [tilespmem:s18], [sflag:$0x7], $0x20, s31, s14, $0xb8;
	[tilespmem:$0xC620] =	vst v63  }
0x78: {  	_ =	swait.ge [sflag:s26], $0xA00  }
0x79: {  	[sflag:s26] =	ssyncset.done $0x0  }
0x7a: {  	[sflag:s26] =	ssyncadd.s32 $0xFFFFF600  }
0x7b: {  	_ =	swait.ge [sflag:s28], $0xA00  }
0x7c: {  	[sflag:s28] =	ssyncset.done $0x0  }
0x7d: {  	[sflag:s28] =	ssyncadd.s32 $0xFFFFF600  }
0x7e: {  	[spmem:s2] =	stream.indirect.scatter.add.f32 [tilespmem:s21], [sflag:$0x8], $0x20, s1, s14, $0xb8;
	[tilespmem:$0xC620] =	vst v63  }
0x7f: {  	_ =	swait.ge [sflag:s29], $0xA00  }
0x80: {  	[sflag:s29] =	ssyncset.done $0x0  }
0x81: {  	[sflag:s29] =	ssyncadd.s32 $0xFFFFF600  }
0x82: {  	_ =	swait.ge [sflag:s19], $0xA00  }
0x83: {  	[sflag:s19] =	ssyncset.done $0x0  }
0x84: {  	[sflag:s19] =	ssyncadd.s32 $0xFFFFF600  }
0x85: {  	[spmem:s2] =	stream.indirect.scatter.add.f32 [tilespmem:s15], [sflag:$0x5], $0x20, s17, s14, $0xb8;
	[tilespmem:$0xC620] =	vst v63  }
0x86: {  	_ =	swait.ge [sflag:s30], $0xA00  }
0x87: {  	[sflag:s30] =	ssyncset.done $0x0  }
0x88: {  	[sflag:s30] =	ssyncadd.s32 $0xFFFFF600  }
0x89: {  	_ =	swait.ge [sflag:s24], $0xA00  }
0x8a: {  	s20 =	sadd.s32 $0x1, s20;
	[sflag:s24] =	ssyncset.done $0x0  }
0x8b: {  	p0 =	sne.s32 s20, s10;
	[sflag:s24] =	ssyncadd.s32 $0xFFFFF600  }
.Ltmp1:
0x8c: {  	[bflag:$0x0] =	sbarrier.arrive $0xFFFF;
	(pc) =	sbr.rel @p0 .LBB2_1-.Ltmp1, $4  }
0x8d: {  	[hbm:s9], [sflag:s6] =	dma.local [spmem:s11], $0xA00  }
0x8e: {  	_ =	swait.ge [sflag:s12], $0xA00  }
0x8f: {  	[sflag:s12] =	ssyncset.done $0x0  }
0x90: {  	[sflag:s12] =	ssyncadd.s32 $0xFFFFF600  }
0x91: {  	_ =	sfence.sel $0x180000  }
0x92: {  	[bflag:$0x0] =	sbarrier.arrive $0xFFFF  }
0x93: {  	_ =	strace $0x90000053  }
0x94: {  	s0 =	stileid.u32;
	[bflag:$0x2] =	sbarrier.arrive $0xFFFF  }
0x95: {  	p0 =	sne.s32 s0, $0x0;
	s0 =	rddreg [dreg:$0x3]  }
0x96: {  	s0 =	sadd.s32 @!p0 $0x100000, s0  }
0x97: {  	[sflag:s0] =	ssyncadd.tile.s32 @!p0 $0x1;
	_ =	shalt  }
.Lfunc_end2:
_tile_overlayer_lowered:
.L_overlay_start_2:
0x98: {  	(tag) =	ssettag $0x2  }
0x99: {  	s0 =	rddreg [dreg:$0x0];
	s2 =	stileid.u32  }
0x9a: {  	s1 =	rddreg [dreg:$0x1];
	p0 =	sne.s32 s2, $0x0  }
0x9b: {  	s3 =	rddreg [dreg:$0x2];
	[bflag:$0x3] =	sbarrier.arrive $0xFFFF;
	s2 =	simm.s32 @!p0 $0x1C09  }
0x9c: {  	[timem:s3], [sflag:s2] =	dma.local @!p0 [hbm:s0], s1  }
0x9d: {  	s0 =	simm.s32 @!p0 $0x9  }
0x9e: {  	_ =	swait.ge @!p0 [sflag:s0], s1  }
0x9f: {  	s1 =	ssub.s32 @!p0 $0x0, s1;
	[sflag:s0] =	ssyncset.done @!p0 $0x0  }
0xa0: {  	[sflag:s0] =	ssyncadd.s32 @!p0 s1  }
0xa1: {  	[bflag:$0x3] =	sbarrier.arrive $0xFFFF  }
0xa2: {  	_ =	shalt  }

// kernel: kernel.25.cloned.1.call-start
scs
__scs_entry_jumppad:
0x0: {  	(pc) =	sbr.rel $0x88, $3  }
0x1: {  	(tag) =	ssettag $0x0;
	lr =	simm.s32 $0x1  }
0x2: {  	[smem:$0x3F9B] =	sst lr;
	_ =	strace $0xD0000000  }
0x3: {  	_ = 	snop  }
0x4: {  	_ = 	snop  }
0x5: {  	_ = 	snop  }
0x6: {  	_ = 	snop  }
0x7: {  	_ = 	snop  }
__scs_overlays_trampoline_lowered:
0x8: {  	[smem:$0x3FAA] =	sst s0  }
0x9: {  	[smem:$0x3FAB] =	sst s1  }
0xa: {  	[smem:$0x3FAC] =	sst s2  }
0xb: {  	[smem:$0x3FAD] =	sst s3  }
0xc: {  	[smem:$0x3FAE] =	sst s4  }
0xd: {  	[smem:$0x3FAF] =	sst s5  }
0xe: {  	[smem:$0x3FB0] =	sst s6  }
0xf: {  	[smem:$0x3FB1] =	sst s7  }
0x10: {  	[smem:$0x3FB2] =	sst s8  }
0x11: {  	[smem:$0x3FB3] =	sst s9;
	s0 =	simm.s32 @!p0 $0x0  }
0x12: {  	s1 =	sld [smem:$0x3F99];
	s0 =	simm.s32 @p0 $0x1  }
0x13: {  	[smem:$0x3FB4] =	sst s0;
	s0 =	simm.s32 @!p1 $0x0  }
0x14: {  	s2 =	sld [smem:$0x3F98];
	s0 =	simm.s32 @p1 $0x1  }
0x15: {  	[smem:$0x3FB5] =	sst s0;
	s0 =	simm.s32 @!p2 $0x0  }
0x16: {  	s3 =	sld [smem:$0x3FDB];
	s0 =	simm.s32 @p2 $0x1  }
0x17: {  	s4 =	simm.s32 $0x1BF5;
	[smem:$0x3FB7] =	sst s0  }
0x18: {  	s0 =	sld [smem:$0x3F9A];
	_ =	swait.ge [sflag:s4], $0x0  }
0x19: {  	s7 =	sld [smem:$0x3F9B]  }
0x1a: {  	s8 =	sadd.s32 $0xFFFFE003, lr  }
0x1b: {  	s9 =	sadd.s32 $0xFFFFFEF7, lr;
	s5 =	simm.s32 $0xFFFFFFFF;
	p2 =	slt.u32 s8, $0xFFFFF086  }
0x1c: {  	p1 =	slt.u32 s9, $0xF7A;
	s5 =	simm.s32 @!p2 $0x0  }
0x1d: {  	s5 =	simm.s32 @p1 $0x1;
	p0 =	seq.s32 s7, s2  }
0x1e: {  	s7 =	smul.u32 @!p0 $0xF7A, s2;
	p2 =	seq.s32 @!p0 s5, $0x0  }
0x1f: {  	s9 =	smul.u32 $0xF7A, s1;
	s8 =	simm.s32 @!p0 $0x1BF5;
	p2 =	por !p2, p0  }
0x20: {  	[sflag:s8] =	ssyncset.s32 @!p0 $0xFFFFF086;
	s6 =	sadd.s32 @!p0 s3, s7;
	s7 =	simm.s32 @!p0 $0x108  }
0x21: {  	s3 =	sadd.s32 s3, s9;
	s6 =	sadd.s32 @!p0 $0x88, s6;
	s7 =	simm.s32 @p2 $0x1082  }
0x22: {  	[simem:s7], [sflag:s8] =	dma.local @!p0 [hbm:s6], $0xF7A  }
0x23: {  	s9 =	sor.u32 $0xD0000000, s2;
	s6 =	simm.s32 $0x108;
	_ =	swait.ge @!p0 [sflag:s8], $0x0  }
0x24: {  	s3 =	sadd.s32 $0x88, s3;
	s6 =	simm.s32 @!p1 $0x1082;
	[sflag:s4] =	ssyncset.s32 $0xFFFFF086  }
0x25: {  	[simem:s6], [sflag:s4] =	dma.local [hbm:s3], $0xF7A  }
0x26: {  	[smem:$0x3F9B] =	sst s1;
	(tag) =	ssettag s2;
	_ =	strace s9  }
0x27: {  	s1 =	sld [smem:$0x3FAB]  }
0x28: {  	s2 =	sld [smem:$0x3FAC]  }
0x29: {  	s4 =	sld [smem:$0x3FAE]  }
0x2a: {  	p0 =	seq.s32 s5, $0x0;
	s5 =	sld [smem:$0x3FAF]  }
0x2b: {  	s6 =	sld [smem:$0x3FB0]  }
0x2c: {  	s7 =	sld [smem:$0x3FB1]  }
0x2d: {  	s3 =	simm.s32 $0x108;
	s8 =	sld [smem:$0x3FB2]  }
0x2e: {  	s3 =	simm.s32 @!p0 $0x1082;
	s9 =	sld [smem:$0x3FB3]  }
0x2f: {  	lr =	sadd.s32 s0, s3;
	s0 =	sld [smem:$0x3FAA]  }
0x30: {  	s3 =	sld [smem:$0x3FAD]  }
0x31: {  	[smem:$0x3FB6] =	sst s10  }
0x32: {  	s10 =	sld [smem:$0x3FB4];
	_ =	sdelay $0x3  }
0x33: {  	p0 =	seq.s32 s10, $0x1;
	s10 =	sld [smem:$0x3FB6];
	_ =	sdelay $0x3  }
0x34: {  	[smem:$0x3FB6] =	sst s10  }
0x35: {  	s10 =	sld [smem:$0x3FB5];
	_ =	sdelay $0x3  }
0x36: {  	p1 =	seq.s32 s10, $0x1;
	s10 =	sld [smem:$0x3FB6];
	_ =	sdelay $0x3  }
0x37: {  	[smem:$0x3FB6] =	sst s10  }
0x38: {  	s10 =	sld [smem:$0x3FB7]  }
0x39: {  	_ = 	snop;
	(pc) =	sbr.ind lr, $3  }
0x3a: {  	_ = 	snop  }
0x3b: {  	_ = 	snop  }
0x3c: {  	p2 =	seq.s32 s10, $0x1;
	s10 =	sld [smem:$0x3FB6]  }
0x3d: {  	_ =	shalt  }
0x3e: {  	_ =	shalt  }
0x3f: {  	_ =	shalt  }
0x40: {  	_ =	shalt  }
0x41: {  	_ =	shalt  }
0x42: {  	_ =	shalt  }
0x43: {  	_ =	shalt  }
0x44: {  	_ =	shalt  }
0x45: {  	_ =	shalt  }
0x46: {  	_ =	shalt  }
0x47: {  	_ =	shalt  }
0x48: {  	_ =	shalt  }
0x49: {  	_ =	shalt  }
0x4a: {  	_ =	shalt  }
0x4b: {  	_ =	shalt  }
0x4c: {  	_ =	shalt  }
0x4d: {  	_ =	shalt  }
0x4e: {  	_ =	shalt  }
0x4f: {  	_ =	shalt  }
0x50: {  	_ =	shalt  }
0x51: {  	_ =	shalt  }
0x52: {  	_ =	shalt  }
0x53: {  	_ =	shalt  }
0x54: {  	_ =	shalt  }
0x55: {  	_ =	shalt  }
0x56: {  	_ =	shalt  }
0x57: {  	_ =	shalt  }
0x58: {  	_ =	shalt  }
0x59: {  	_ =	shalt  }
0x5a: {  	_ =	shalt  }
0x5b: {  	_ =	shalt  }
0x5c: {  	_ =	shalt  }
0x5d: {  	_ =	shalt  }
0x5e: {  	_ =	shalt  }
0x5f: {  	_ =	shalt  }
0x60: {  	_ =	shalt  }
0x61: {  	_ =	shalt  }
0x62: {  	_ =	shalt  }
0x63: {  	_ =	shalt  }
0x64: {  	_ =	shalt  }
0x65: {  	_ =	shalt  }
0x66: {  	_ =	shalt  }
0x67: {  	_ =	shalt  }
0x68: {  	_ =	shalt  }
0x69: {  	_ =	shalt  }
0x6a: {  	_ =	shalt  }
0x6b: {  	_ =	shalt  }
0x6c: {  	_ =	shalt  }
0x6d: {  	_ =	shalt  }
0x6e: {  	_ =	shalt  }
0x6f: {  	_ =	shalt  }
0x70: {  	_ =	shalt  }
0x71: {  	_ =	shalt  }
0x72: {  	_ =	shalt  }
0x73: {  	_ =	shalt  }
0x74: {  	_ =	shalt  }
0x75: {  	_ =	shalt  }
0x76: {  	_ =	shalt  }
0x77: {  	_ =	shalt  }
0x78: {  	_ =	shalt  }
0x79: {  	_ =	shalt  }
0x7a: {  	_ =	shalt  }
0x7b: {  	_ =	shalt  }
0x7c: {  	_ =	shalt  }
0x7d: {  	_ =	shalt  }
0x7e: {  	_ =	shalt  }
0x7f: {  	_ =	shalt  }
0x80: {  	_ =	shalt  }
0x81: {  	_ =	shalt  }
0x82: {  	_ =	shalt  }
0x83: {  	_ =	shalt  }
0x84: {  	_ =	shalt  }
0x85: {  	_ =	shalt  }
0x86: {  	_ =	shalt  }
0x87: {  	_ =	shalt  }
.Lfunc_end0:
.L_simem_size_0:
called_computation.5_lowered:
.L_overlay_start_0:
0x88: {  	s2 =	sld [smem:$0x3FD9]  }
0x89: {  	s3 =	sld [smem:$0x3FFE];
	_ =	sdelay $0x1  }
0x8a: {  	s1 =	srdreg.scid  }
0x8b: {  	s0 =	sand.u32 $0x1, s1  }
0x8c: {  	s17 =	sshll.u32 s0, $0xA;
	s2 =	sadd.s32 s3, s2  }
0x8d: {  	s2 =	sadd.s32 s2, s17  }
0x8e: {  	[smem:$0x3FC2] =	sst s2  }
0x8f: {  	_ = 	snop  }
0x90: {  	s2 =	sld [smem:$0x3FD0];
	(tm) =	ssettm $0x1  }
0x91: {  	s18 =	sld [smem:$0x3FFB];
	_ =	sdelay $0x3  }
0x92: {  	_ =	strace s18  }
0x93: {  	s3 =	sld [smem:$0x3FFC];
	_ =	sdelay $0x3  }
0x94: {  	_ =	strace s3  }
0x95: {  	s3 =	sld [smem:$0x3FFD];
	_ =	sdelay $0x3  }
0x96: {  	_ =	strace s3  }
0x97: {  	_ =	strace $0x8FFFFFFF  }
0x98: {  	s19 =	sld [smem:$0x3FDB];
	_ =	sdelay $0x1  }
0x99: {  	s4 =	simm.s32 $_scs_section_size  }
0x9a: {  	s5 =	simm.s32 $_size__tile_overlayer_lowered;
	s6 =	simm.s32 $_tile_overlayer_lowered  }
0x9b: {  	s22 =	simm.s32 $0x1BFF;
	s21 =	sshll.u32 s6, $0x1;
	s3 =	sadd.s32 s4, s19  }
0x9c: {  	s7 =	simm.s32 $0x0;
	s20 =	sshll.u32 s5, $0x1;
	s5 =	sadd.s32 s21, s3  }
0x9d: {  	[timem:s7], [sflag:s22] =	dma.local [hbm:s5], s20  }
0x9e: {  	_ =	swait.ge [sflag:s22], s20  }
0x9f: {  	s4 =	ssub.s32 $0x0, s20;
	[sflag:s22] =	ssyncset.done $0x0  }
0xa0: {  	[sflag:s22] =	ssyncadd.s32 s4;
	_ =	sdelay $0x1  }
0xa1: {  	s23 =	simm.s32 $0x1B8B  }
0xa2: {  	_ =	swait.ge [sflag:s23], $0x1  }
0xa3: {  	[sflag:s23] =	ssyncset.done $0x0  }
0xa4: {  	s25 =	simm.s32 $0x1B8E;
	s24 =	sld [smem:$0x3FFE];
	[sflag:s23] =	ssyncadd.s32 $0xFFFFFFFF  }
0xa5: {  	s26 =	simm.s32 $execute0_lowered;
	[smem:$0x3FD2] =	sst s25  }
0xa6: {  	s5 =	sshll.u32 s26, $0x1;
	_ =	strace $0x80000055;
	[dreg:$0x1] =	wrdreg $0xFFFFFFFF  }
0xa7: {  	s28 =	simm.s32 $_size_execute0_lowered;
	s3 =	sadd.s32 s3, s5;
	[dreg:$0x0] =	wrdreg $0x0  }
0xa8: {  	s5 =	sshll.u32 s28, $0x1;
	[dreg:$0x2] =	wrdreg s3  }
0xa9: {  	[dreg:$0x3] =	wrdreg s5  }
0xaa: {  	[dreg:$0x4] =	wrdreg $0xC0  }
0xab: {  	_ =	task [dreg:s7], $0x5FFFF  }
0xac: {  	[dreg:$0x1] =	wrdreg $0xFFFFFFFF  }
0xad: {  	[dreg:$0x0] =	wrdreg $0x60  }
0xae: {  	[dreg:$0x2] =	wrdreg s2  }
0xaf: {  	[dreg:$0x3] =	wrdreg s24  }
0xb0: {  	[dreg:$0x4] =	wrdreg $0x9  }
0xb1: {  	_ =	task.clear_ibuf [dreg:s7], $0x5FFFF;
	_ =	strace $0x90000055  }
0xb2: {  	s29 =	simm.s32 $0x9;
	_ =	strace $0x80000057  }
0xb3: {  	_ =	swait.ge [sflag:s29], $0x1  }
0xb4: {  	[sflag:s29] =	ssyncadd.s32 $0xFFFFFFFF  }
0xb5: {  	_ =	strace $0x90000057  }
0xb6: {  	_ =	sfence  }
0xb7: {  	s30 =	sld [smem:$0x0];
	_ =	sdelay $0x2  }
0xb8: {  	s31 =	sshll.u32 s1, $0xD;
	s1 =	sshrl.u32 s1, $0x2  }
0xb9: {  	s3 =	sand.u32 $0x4000, s31;
	s1 =	sadd.s32 s1, s30  }
0xba: {  	s0 =	sor.u32 s3, s0;
	s1 =	sshll.u32 s1, $0x11  }
0xbb: {  	s0 =	sor.u32 s1, s0  }
0xbc: {  	s0 =	sadd.s32 $0x8F2B, s0  }
0xbd: {  	[sflag:s0] =	ssyncadd.remote.s32 $0x1  }
0xbe: {  	_ =	sfence.sel $0xFFFF  }
0xbf: {  	[dreg:$0x0] =	wrdreg $0xFFFFFFFF;
	(pc) =	sbr.abs _section_cstart, $3  }
0xc0: {  	[dreg:$0x1] =	wrdreg $0xFFFFFFFF  }
0xc1: {  	_ =	task.clear_ibuf [dreg:s7], $0x2FFFF;
	_ =	strace $0x9FFFFFFF  }
0xc2: {  	(tm) =	ssettm $0x7FFFFFFF  }
0xc3: {  	_ =	shalt  }
tec
execute0_lowered:
.L_overlay_start_1:
0x0: {  	(tag) =	ssettag $0x1  }
0x1: {  	s4 =	rddreg [dreg:$0x0]  }
0x2: {  	s0 =	srdreg.scid;
	s5 =	rddreg [dreg:$0x1]  }
0x3: {  	s2 =	simm.s32 $0x0;
	s10 =	simm.s32 $0x2800;
	s3 =	sand.u32 $0x1, s0  }
0x4: {  	s11 =	simm.s32 $0x5000;
	s0 =	stileid.u32;
	s1 =	sshll.u32 s3, $0x4  }
0x5: {  	s12 =	simm.s32 $0x8C00;
	s13 =	simm.s32 $0x0;
	s6 =	sor.u32 s0, s1  }
0x6: {  	[smem:$0x7FF] =	sst s2;
	s8 =	ssub.s32 $0x2, s3;
	s7 =	smul.u32 $0x2800, s6  }
0x7: {  	s1 =	rddreg [dreg:$0x2];
	s9 =	sshrl.u32 s8, $0x1;
	s6 =	smul.u32 $0x280, s6  }
0x8: {  	_ =	strace $0x80000056;
	s8 =	ssub.s32 s8, s9;
	s9 =	simm.s32 $0x1  }
0x9: {  	s8 =	smax.u32 s8, $0x1;
	s7 =	sshrl.u32 s7, $0x3;
	s6 =	sadd.s32 s6, s5  }
0xa: {  	s3 =	sadd.s32 s4, s7;
	s7 =	sadd.s32 s7, s5;
	s6 =	sadd.s32 $0x15E00, s6  }
0xb: {  	s4 =	sadd.s32 $0xA000, s3;
	s5 =	sadd.s32 $0x2F000, s7;
	s7 =	sadd.s32 $0x2200, s7  }
.LBB2_1:
0xc: {  	[tilespmem:s2], [sflag:$0x1] =	stream.linear.gather [hbm4b:s3+s2], $0x2800, $0x38;
	[tilespmem:$0xB400] =	vst v63  }
0xd: {  	_ =	swait.ge [sflag:s9], $0x2800  }
0xe: {  	[sflag:s9] =	ssyncset.done $0x0  }
0xf: {  	[sflag:s9] =	ssyncadd.s32 $0xFFFFD800  }
0x10: {  	[tilespmem:s10], [sflag:$0x1] =	stream.linear.gather [hbm4b:s4+s2], $0x2800, $0x38;
	[tilespmem:$0xB400] =	vst v63  }
0x11: {  	_ =	swait.ge [sflag:s9], $0x2800  }
0x12: {  	[sflag:s9] =	ssyncset.done $0x0  }
0x13: {  	[sflag:s9] =	ssyncadd.s32 $0xFFFFD800  }
0x14: {  	[tilespmem:s11], [sflag:$0x1] =	stream.linear.gather [hbm4b:s5+s2], $0x2800, $0x38;
	[tilespmem:$0xB400] =	vst v63  }
0x15: {  	_ =	swait.ge [sflag:s9], $0x2800  }
0x16: {  	[sflag:s9] =	ssyncset.done $0x0  }
0x17: {  	s14 =	simm.s32 $0x7800;
	[sflag:s9] =	ssyncadd.s32 $0xFFFFD800  }
0x18: {  	[tilespmem:s14], [sflag:$0x1] =	stream.linear.gather [hbm4b:s6+s2], $0x1400, $0x38;
	[tilespmem:$0xB400] =	vst v63  }
0x19: {  	_ =	swait.ge [sflag:s9], $0x1400  }
0x1a: {  	[sflag:s9] =	ssyncset.done $0x0  }
0x1b: {  	s15 =	simm.s32 $0x0;
	[sflag:s9] =	ssyncadd.s32 $0xFFFFEC00  }
0x1c: {  	v0 =	vld [tilespmem:s15+$0x0]  }
0x1d: {  	v1 =	vld [tilespmem:s15+$0x2800]  }
0x1e: {  	v2 =	vld [tilespmem:s15+$0x10]  }
0x1f: {  	v4 =	vld [tilespmem:s15+$0x2810]  }
0x20: {  	v5 =	vld [tilespmem:s15+$0x5000]  }
0x21: {  	v6 =	vld [tilespmem:s15+$0x5010];
	_ =	sdelay $0x1  }
0x22: {  	v3 =	vld [tilespmem:s14+$0x0]  }
0x23: {  	s16 =	simm.s32 $0x20;
	v7 =	vadd.f32 v1, v0;
	v2 =	vadd.f32 v4, v2  }
0x24: {  	v0 =	vld [tilespmem:s16+$0x0]  }
0x25: {  	v1 =	vld [tilespmem:s16+$0x2800];
	v5 =	vadd.f32 v5, v7;
	v4 =	vadd.f32 v6, v2  }
0x26: {  	s17 =	simm.s32 $0x100;
	v2 =	vld [tilespmem:s16+$0x10]  }
.LBB2_2:
0x27: {  	p0 =	sne.s32 s17, $0x9F80;
	v6 =	vld [tilespmem:s16+$0x2810];
	v5 =	vmul.f32 v5, v3;
	v3 =	vmul.f32 v4, v3  }
0x28: {  	v4 =	vld [tilespmem:s16+$0x5000]  }
0x29: {  	v7 =	vld [tilespmem:s16+$0x5010];
	[tilespmem:s15+$0x8C00] =	vst v5  }
0x2a: {  	s14 =	sadd.s32 $0x10, s14;
	[tilespmem:s15+$0x8C10] =	vst v3;
	s15 =	smov.u32 s16  }
.Ltmp0:
0x2b: {  	v3 =	vld [tilespmem:s14+$0x0];
	(pc) =	sbr.rel @p0 .LBB2_2-.Ltmp0, $4  }
0x2c: {  	s16 =	sshra.s32 s17, $0x2;
	v5 =	vadd.f32 v1, v0;
	v2 =	vadd.f32 v6, v2  }
0x2d: {  	v0 =	vld [tilespmem:s16+$0x0]  }
0x2e: {  	v5 =	vadd.f32 v4, v5;
	v1 =	vld [tilespmem:s16+$0x2800];
	v4 =	vadd.f32 v7, v2  }
0x2f: {  	s17 =	sadd.s32 $0x80, s17;
	v2 =	vld [tilespmem:s16+$0x10]  }
0x30: {  	v6 =	vld [tilespmem:s16+$0x2810];
	v5 =	vmul.f32 v5, v3  }
0x31: {  	v7 =	vld [tilespmem:s16+$0x5000];
	v61 =	vmul.f32 v4, v3  }
0x32: {  	v62 =	vld [tilespmem:s16+$0x5010];
	[tilespmem:s15+$0x8C00] =	vst v5  }
0x33: {  	s14 =	sadd.s32 $0x10, s14;
	[tilespmem:s15+$0x8C10] =	vst v61  }
0x34: {  	v3 =	vld [tilespmem:s14+$0x0]  }
0x35: {  	v0 =	vadd.f32 v1, v0  }
0x36: {  	v63 =	vadd.f32 v6, v2  }
0x37: {  	v0 =	vadd.f32 v7, v0  }
0x38: {  	v1 =	vadd.f32 v62, v63  }
0x39: {  	v0 =	vmul.f32 v0, v3  }
0x3a: {  	s13 =	sadd.s32 $0x1, s13;
	v1 =	vmul.f32 v1, v3  }
0x3b: {  	p0 =	sne.s32 s13, s8;
	[tilespmem:s16+$0x8C00] =	vst v0  }
.Ltmp1:
0x3c: {  	[tilespmem:s16+$0x8C10] =	vst v1;
	(pc) =	sbr.rel @p0 .LBB2_1-.Ltmp1, $4  }
0x3d: {  	[hbm4b:s7+s2] =	stream.linear.scatter [tilespmem:s12], [sflag:$0x1], $0x2800, $0x38;
	[tilespmem:$0xB400] =	vst v63  }
0x3e: {  	_ =	swait.ge [sflag:s9], $0x2800  }
0x3f: {  	[sflag:s9] =	ssyncset.done $0x0  }
0x40: {  	[sflag:s9] =	ssyncadd.s32 $0xFFFFD800  }
0x41: {  	_ =	sfence.sel $0x180000  }
0x42: {  	[bflag:$0x0] =	sbarrier.arrive $0xFFFF  }
0x43: {  	p0 =	sne.s32 s0, $0x0;
	_ =	strace $0x90000056  }
0x44: {  	s0 =	sadd.s32 @!p0 $0x100000, s1;
	[bflag:$0x2] =	sbarrier.arrive $0xFFFF  }
0x45: {  	[sflag:s0] =	ssyncadd.tile.s32 @!p0 $0x1;
	_ =	shalt  }
.Lfunc_end2:
_tile_overlayer_lowered:
.L_overlay_start_2:
0x46: {  	(tag) =	ssettag $0x2  }
0x47: {  	s0 =	rddreg [dreg:$0x0];
	s2 =	stileid.u32  }
0x48: {  	s1 =	rddreg [dreg:$0x1];
	p0 =	sne.s32 s2, $0x0  }
0x49: {  	s3 =	rddreg [dreg:$0x2];
	[bflag:$0x3] =	sbarrier.arrive $0xFFFF;
	s2 =	simm.s32 @!p0 $0x1C01  }
0x4a: {  	[timem:s3], [sflag:s2] =	dma.local @!p0 [hbm:s0], s1  }
0x4b: {  	s0 =	simm.s32 @!p0 $0x1  }
0x4c: {  	_ =	swait.ge @!p0 [sflag:s0], s1  }
0x4d: {  	s1 =	ssub.s32 @!p0 $0x0, s1;
	[sflag:s0] =	ssyncset.done @!p0 $0x0  }
0x4e: {  	[sflag:s0] =	ssyncadd.s32 @!p0 s1  }
0x4f: {  	[bflag:$0x3] =	sbarrier.arrive $0xFFFF  }
0x50: {  	_ =	shalt  }

</sc_bundles>
